<compile_context>
chip_gen: v7x
topology: tpu7x:2x2x1
jax: 0.10.2.dev20260603
libtpu: 0.0.44.dev20260713+nightly
codegen_flags: <defaults>
</compile_context>

<pallas_src>
import functools

import jax
import jax.numpy as jnp
from jax import lax
from jax.experimental import pallas as pl
from jax.experimental.pallas import tpu as pltpu
from jax.experimental.pallas import tpu_sc as plsc

N_NODES = 10000
NPAD = 10240
N_EDGES = 320000
E_TOT = N_EDGES + N_NODES
TPE = 20992
NCHUNK = TPE // 128
EPAD = 16 * TPE
BS = 2000
HSLOT = 16

_DBG_DENOM = True
_DBG_MSG = True
_DBG_SC = True



def _t1_body(x_ref, w_ref, atts_ref, attd_ref, hsum_ref, xl_ref, a_ref, mx_ref):
    i = pl.program_id(0)
    xl = jnp.dot(x_ref[...], w_ref[...], preferred_element_type=jnp.float32)
    xl_ref[...] = xl
    a_src = jnp.dot(xl * atts_ref[...], hsum_ref[...],
                    preferred_element_type=jnp.float32)
    a_dst = jnp.dot(xl * attd_ref[...], hsum_ref[...],
                    preferred_element_type=jnp.float32)
    a_ref[...] = jnp.concatenate([a_src, a_dst], axis=1)
    bc = jnp.concatenate([jnp.max(a_src, axis=0), jnp.max(a_dst, axis=0)], axis=0)
    bc = jnp.broadcast_to(bc[:, None], (8, 128))

    @pl.when(i == 0)
    def _():
        mx_ref[...] = jnp.full((8, 128), -jnp.inf, jnp.float32)

    mx_ref[...] = jnp.maximum(mx_ref[...], bc)


def _t1(x, w1, atts, attd, hsum):
    grid = (N_NODES // BS,)
    return pl.pallas_call(
        _t1_body,
        grid=grid,
        in_specs=[
            pl.BlockSpec((BS, 128), lambda i: (i, 0)),
            pl.BlockSpec((128, 128), lambda i: (0, 0)),
            pl.BlockSpec((1, 128), lambda i: (0, 0)),
            pl.BlockSpec((1, 128), lambda i: (0, 0)),
            pl.BlockSpec((128, 4), lambda i: (0, 0)),
        ],
        out_specs=[
            pl.BlockSpec((BS, 128), lambda i: (i, 0)),
            pl.BlockSpec((BS, 8), lambda i: (i, 0)),
            pl.BlockSpec((8, 128), lambda i: (0, 0)),
        ],
        out_shape=[
            jax.ShapeDtypeStruct((N_NODES, 128), jnp.float32),
            jax.ShapeDtypeStruct((N_NODES, 8), jnp.float32),
            jax.ShapeDtypeStruct((8, 128), jnp.float32),
        ],
    )(x, w1, atts, attd, hsum)


def _t2_body(o1_ref, b1_ref, w_ref, atts_ref, attd_ref, b2_ref,
             xl_ref, a_ref, mx_ref):
    i = pl.program_id(0)
    h = jnp.maximum(o1_ref[...] + b1_ref[...], 0.0)
    xl = jnp.dot(h, w_ref[...], preferred_element_type=jnp.float32)
    xl_ref[...] = xl + b2_ref[...]
    a_src = jnp.sum(xl * atts_ref[...], axis=1, keepdims=True)
    a_dst = jnp.sum(xl * attd_ref[...], axis=1, keepdims=True)
    a_ref[...] = jnp.concatenate(
        [a_src, a_dst, jnp.zeros((BS, 6), jnp.float32)], axis=1)
    ninf = jnp.full((3,), -jnp.inf, jnp.float32)
    bc = jnp.concatenate(
        [jnp.max(a_src, axis=0), ninf, jnp.max(a_dst, axis=0), ninf], axis=0)
    bc = jnp.broadcast_to(bc[:, None], (8, 128))

    @pl.when(i == 0)
    def _():
        mx_ref[...] = jnp.full((8, 128), -jnp.inf, jnp.float32)

    mx_ref[...] = jnp.maximum(mx_ref[...], bc)


def _t2(out1, b1, w2, atts, attd, b2):
    grid = (N_NODES // BS,)
    return pl.pallas_call(
        _t2_body,
        grid=grid,
        in_specs=[
            pl.BlockSpec((BS, 128), lambda i: (i, 0)),
            pl.BlockSpec((1, 128), lambda i: (0, 0)),
            pl.BlockSpec((128, 64), lambda i: (0, 0)),
            pl.BlockSpec((1, 64), lambda i: (0, 0)),
            pl.BlockSpec((1, 64), lambda i: (0, 0)),
            pl.BlockSpec((1, 64), lambda i: (0, 0)),
        ],
        out_specs=[
            pl.BlockSpec((BS, 64), lambda i: (i, 0)),
            pl.BlockSpec((BS, 8), lambda i: (i, 0)),
            pl.BlockSpec((8, 128), lambda i: (0, 0)),
        ],
        out_shape=[
            jax.ShapeDtypeStruct((N_NODES, 64), jnp.float32),
            jax.ShapeDtypeStruct((N_NODES, 8), jnp.float32),
            jax.ShapeDtypeStruct((8, 128), jnp.float32),
        ],
    )(out1, b1, w2, atts, attd, b2)



def _sc_layer(nheads, ch, xlf, asrc2, adst, src_t, dst_t, shv):
    mesh = plsc.VectorSubcoreMesh(core_axis_name="c", subcore_axis_name="s")
    rows_pt = NPAD // 16
    ngrp = ch // 16

    @functools.partial(
        pl.kernel,
        out_type=jax.ShapeDtypeStruct((2 * NPAD, ch), jnp.float32),
        mesh=mesh,
        compiler_params=pltpu.CompilerParams(use_tc_tiling_on_sc=False),
        scratch_types=[
            pltpu.VMEM((NCHUNK, 128), jnp.int32),
            pltpu.VMEM((NCHUNK, 128), jnp.int32),
            pltpu.VMEM((128, HSLOT), jnp.float32),
            pltpu.VMEM((128, HSLOT), jnp.float32),
            pltpu.VMEM((128, HSLOT), jnp.float32),
            pltpu.VMEM((128, HSLOT), jnp.float32),
            pltpu.VMEM((128, ch), jnp.float32),
            pltpu.VMEM((16,), jnp.float32),
            pltpu.VMEM_SHARED((NPAD, HSLOT), jnp.float32),
            pltpu.VMEM_SHARED((NPAD, ch), jnp.float32),
        ],
    )
    def k(xlf_hbm, asrc_hbm, adst_hbm, src_hbm, dst_hbm, shv_hbm, out_hbm,
          src_idx, dst_idx, asr, adr, exb, dnr, xlr, shr, denom, accum):
        c = lax.axis_index("c")
        s = lax.axis_index("s")
        coff = c * NPAD

        pltpu.sync_copy(src_hbm.at[s], src_idx)
        pltpu.sync_copy(dst_hbm.at[s], dst_idx)
        pltpu.sync_copy(shv_hbm, shr)
        shvv = shr[...]

        def shift_body(j, _):
            for kk in range(8):
                sl = pl.ds(kk * 16, 16)
                src_idx[j, sl] = src_idx[j, sl] + coff
            return 0
        lax.fori_loop(0, NCHUNK, shift_body, 0)

        def zrow(e, _):
            asr[e, :] = jnp.zeros((16,), jnp.float32)
            for g in range(ngrp):
                xlr[e, pl.ds(g * 16, 16)] = jnp.zeros((16,), jnp.float32)
            return 0
        lax.fori_loop(0, 128, zrow, 0)
        for blk in range(rows_pt // 128):
            base = s * rows_pt + blk * 128
            pltpu.sync_copy(asr, denom.at[pl.ds(base, 128), :])
            pltpu.sync_copy(xlr, accum.at[pl.ds(base, 128), :])
        plsc.subcore_barrier()

        def denom_chunk(j, _):
            pltpu.sync_copy(asrc_hbm.at[src_idx.at[j]], asr)
            pltpu.sync_copy(adst_hbm.at[dst_idx.at[j]], adr)

            def erow(e, _):
                t = asr[e, :] + adr[e, :]
                t = jnp.where(t >= 0.0, t, t * jnp.float32(0.2))
                exb[e, :] = jnp.exp(t - shvv)
                return 0
            lax.fori_loop(0, 128, erow, 0)
            pltpu.sync_copy(exb, denom.at[dst_idx.at[j]], add=True)
            return 0
        if _DBG_DENOM:
            lax.fori_loop(0, NCHUNK, denom_chunk, 0)
        plsc.subcore_barrier()

        def msg_chunk(j, _):
            pltpu.sync_copy(asrc_hbm.at[src_idx.at[j]], asr)
            pltpu.sync_copy(adst_hbm.at[dst_idx.at[j]], adr)
            pltpu.sync_copy(xlf_hbm.at[src_idx.at[j]], xlr)
            pltpu.sync_copy(denom.at[dst_idx.at[j]], dnr)

            def erow(e, _):
                t = asr[e, :] + adr[e, :]
                t = jnp.where(t >= 0.0, t, t * jnp.float32(0.2))
                ex = jnp.exp(t - shvv)
                coef = ex / (dnr[e, :] + jnp.float32(1e-16))
                for g in range(ngrp):
                    if nheads > 1:
                        hidx = c * (nheads // 2) + (g * 16) // 32
                    else:
                        hidx = 0
                    hvec = jnp.full((16,), hidx, jnp.int32)
                    cg = coef.at[hvec].get(mode="promise_in_bounds")
                    sl = pl.ds(g * 16, 16)
                    xlr[e, sl] = xlr[e, sl] * cg
                return 0
            lax.fori_loop(0, 128, erow, 0)
            pltpu.sync_copy(xlr, accum.at[dst_idx.at[j]], add=True)
            return 0
        if _DBG_MSG:
            lax.fori_loop(0, NCHUNK, msg_chunk, 0)
        plsc.subcore_barrier()

        for blk in range(rows_pt // 128):
            base = s * rows_pt + blk * 128
            pltpu.sync_copy(accum.at[pl.ds(base, 128), :], xlr)
            pltpu.sync_copy(xlr, out_hbm.at[pl.ds(coff + base, 128), :])

    if not _DBG_SC:
        return jnp.zeros((2 * NPAD, ch), jnp.float32)
    return k(xlf, asrc2, adst, src_t, dst_t, shv)



def _prep_edges(src, dst):
    loop = jnp.arange(N_NODES, dtype=jnp.int32)
    src = jnp.concatenate([src, loop])
    dst = jnp.concatenate([dst, loop])
    npad = EPAD - E_TOT
    fill = N_NODES + (jnp.arange(npad, dtype=jnp.int32) % (NPAD - N_NODES))
    src = jnp.concatenate([src, fill]).reshape(16, NCHUNK, 128)
    dst = jnp.concatenate([dst, fill]).reshape(16, NCHUNK, 128)
    return src, dst


def _shift_vec(mx, nheads):
    t = mx[:nheads, 0] + mx[4:4 + nheads, 0]
    sh = jnp.where(t >= 0.0, t, t * 0.2)
    return jnp.concatenate([sh, jnp.zeros((16 - nheads,), jnp.float32)])


def _pad_rows(a):
    return jnp.pad(a, ((0, NPAD - N_NODES), (0, 0)))


_DBG_TC = True


def kernel(x, edge_index_list, W1, att_src1, att_dst1, b1,
           W2, att_src2, att_dst2, b2):
    if not _DBG_TC:
        return jnp.zeros((N_NODES, 64), jnp.float32) + x[0, 0] * 0.0
    src1, dst1 = _prep_edges(edge_index_list[0, 0], edge_index_list[0, 1])
    src2, dst2 = _prep_edges(edge_index_list[1, 0], edge_index_list[1, 1])

    hsum = (jnp.arange(128, dtype=jnp.int32)[:, None] // 32
            == jnp.arange(4, dtype=jnp.int32)[None, :]).astype(jnp.float32)
    atts1 = att_src1.reshape(1, 128)
    attd1 = att_dst1.reshape(1, 128)

    xl1, a1, mx1 = _t1(x, W1, atts1, attd1, hsum)

    shv1 = _shift_vec(mx1, 4)
    asrc1 = _pad_rows(jnp.pad(a1[:, :4], ((0, 0), (0, 12))))
    asrc1 = jnp.concatenate([asrc1, asrc1], axis=0)
    adst1 = _pad_rows(jnp.pad(a1[:, 4:8], ((0, 0), (0, 12))))
    xlf1 = jnp.concatenate(
        [_pad_rows(xl1[:, :64]), _pad_rows(xl1[:, 64:])], axis=0)

    outf1 = _sc_layer(4, 64, xlf1, asrc1, adst1, src1, dst1, shv1)
    out1 = jnp.concatenate([outf1[:N_NODES], outf1[NPAD:NPAD + N_NODES]],
                           axis=1)

    xl2, a2, mx2 = _t2(out1, b1.reshape(1, 128), W2,
                       att_src2.reshape(1, 64), att_dst2.reshape(1, 64),
                       b2.reshape(1, 64))

    shv2 = _shift_vec(mx2, 1)
    asrc2 = _pad_rows(jnp.pad(a2[:, :1], ((0, 0), (0, 15))))
    asrc2 = jnp.concatenate([asrc2, asrc2], axis=0)
    adst2 = _pad_rows(jnp.pad(a2[:, 1:2], ((0, 0), (0, 15))))
    xlf2 = jnp.concatenate(
        [_pad_rows(xl2[:, :32]), _pad_rows(xl2[:, 32:])], axis=0)

    outf2 = _sc_layer(1, 32, xlf2, asrc2, adst2, src2, dst2, shv2)
    out = jnp.concatenate([outf2[:N_NODES], outf2[NPAD:NPAD + N_NODES]],
                          axis=1)
    return out

# --- scband reference (transcript-rebuilt; emitter-appended) ---
"""Pipeline reference for scband-peagatchannel-54812372631692 (READ-ONLY COPY).

The authoritative reference and input builder live on the scoring server;
editing this copy changes nothing except your own understanding.
"""

import jax, jax.numpy as jnp
import numpy as np

N = 10000
E = 320000
D_IN = 128
H1 = 4
C1 = 32
C2 = 64


def gat_conv(x, edge_index, W, att_src, att_dst, bias, heads, out_ch):
    n = x.shape[0]
    xl = (x @ W).reshape(n, heads, out_ch)
    loop = jnp.arange(n, dtype=edge_index.dtype)
    src = jnp.concatenate([edge_index[0], loop])
    dst = jnp.concatenate([edge_index[1], loop])
    a_src = (xl * att_src).sum(-1)
    a_dst = (xl * att_dst).sum(-1)
    alpha = a_src[src] + a_dst[dst]
    alpha = jax.nn.leaky_relu(alpha, 0.2)
    amax = jax.ops.segment_max(alpha, dst, num_segments=n)
    amax = jnp.where(jnp.isfinite(amax), amax, 0.0)
    amax = jax.lax.stop_gradient(amax)
    ex = jnp.exp(alpha - amax[dst])
    denom = jax.ops.segment_sum(ex, dst, num_segments=n)
    coef = ex / (denom[dst] + 1e-16)
    msg = xl[src] * coef[:, :, None]
    out = jax.ops.segment_sum(msg, dst, num_segments=n)
    return out.reshape(n, heads * out_ch) + bias


def setup_inputs(seed: int = 0):
    key = jax.random.key(seed)
    ks = jax.random.split(key, 10)
    x = jax.random.normal(ks[0], (N, D_IN), dtype=jnp.float32)
    edge_index_list = jax.random.randint(ks[1], (2, 2, E), 0, N, dtype=jnp.int32)
    W1 = jax.random.normal(ks[2], (D_IN, H1 * C1), dtype=jnp.float32) * 0.1
    att_src1 = jax.random.normal(ks[3], (1, H1, C1), dtype=jnp.float32) * 0.1
    att_dst1 = jax.random.normal(ks[4], (1, H1, C1), dtype=jnp.float32) * 0.1
    b1 = jnp.zeros((H1 * C1,), dtype=jnp.float32)
    W2 = jax.random.normal(ks[5], (H1 * C1, 1 * C2), dtype=jnp.float32) * 0.1
    att_src2 = jax.random.normal(ks[6], (1, 1, C2), dtype=jnp.float32) * 0.1
    att_dst2 = jax.random.normal(ks[7], (1, 1, C2), dtype=jnp.float32) * 0.1
    b2 = jnp.zeros((C2,), dtype=jnp.float32)
    return {"x": x, "edge_index_list": edge_index_list, "W1": W1, "att_src1": att_src1, "att_dst1": att_dst1, "b1": b1, "W2": W2, "att_src2": att_src2, "att_dst2": att_dst2, "b2": b2}


def reference(x, edge_index_list, W1, att_src1, att_dst1, b1, W2, att_src2, att_dst2, b2):
    h = jax.nn.relu(gat_conv(x, edge_index_list[0], W1, att_src1, att_dst1, b1, H1, C1))
    out = gat_conv(h, edge_index_list[1], W2, att_src2, att_dst2, b2, 1, C2)
    return out

if __name__ == "__main__":
    import jax
    _d = setup_inputs()
    print(jax.jit(kernel)(*tuple(_d.values())))

</pallas_src>

<mosaic_0001>
#map = affine_map<(d0, d1) -> (0, 0)>
#map1 = affine_map<(d0, d1) -> (0, 0, 0)>
#map2 = affine_map<(d0, d1) -> (0)>
module attributes {stable_mosaic.version = 14 : i64} {
  func.func @k(%arg0: i32, %arg1: i32, %arg2: memref<20480x64xf32, #tpu.memory_space<hbm>>, %arg3: memref<20480x16xf32, #tpu.memory_space<hbm>>, %arg4: memref<10240x16xf32, #tpu.memory_space<hbm>>, %arg5: memref<16x164x128xi32, #tpu.memory_space<hbm>>, %arg6: memref<16x164x128xi32, #tpu.memory_space<hbm>>, %arg7: memref<16xf32, #tpu.memory_space<hbm>>, %arg8: memref<20480x64xf32, #tpu.memory_space<hbm>>, %arg9: memref<164x128xi32, #tpu.memory_space<vmem>>, %arg10: memref<164x128xi32, #tpu.memory_space<vmem>>, %arg11: memref<128x16xf32, #tpu.memory_space<vmem>>, %arg12: memref<128x16xf32, #tpu.memory_space<vmem>>, %arg13: memref<128x16xf32, #tpu.memory_space<vmem>>, %arg14: memref<128x16xf32, #tpu.memory_space<vmem>>, %arg15: memref<128x64xf32, #tpu.memory_space<vmem>>, %arg16: memref<16xf32, #tpu.memory_space<vmem>>, %arg17: memref<10240x16xf32, #tpu.memory_space<vmem_shared>>, %arg18: memref<10240x64xf32, #tpu.memory_space<vmem_shared>>) attributes {dimension_semantics = [#tpu.dimension_semantics<core_parallel>, #tpu.dimension_semantics<subcore_parallel>], iteration_bounds = array<i64: 2, 16>, scalar_prefetch = 0 : i64, scratch_operands = 10 : i64, tpu.core_type = #tpu.core_type<sc_vector_subcore>, window_params = [{transform_indices = #map}, {transform_indices = #map}, {transform_indices = #map}, {transform_indices = #map1}, {transform_indices = #map1}, {transform_indices = #map2}, {transform_indices = #map}]} {
    %mul3A = arith.constant 10240 : i32
    %mul3A_0 = arith.muli %arg0, %mul3A : i32
    "tpu.region"() ({
      %run_scoped3A = tpu.sem_alloc : memref<!tpu.dma_semaphore, #tpu.memory_space<semaphore_mem>>
      %dma_start3A = arith.constant 0 : i32
      %dma_start3A_76 = arith.constant 0 : i32
      %dma_start3A_77 = tpu.memref_slice %arg5[%arg1, %dma_start3A, %dma_start3A_76] : memref<16x164x128xi32, #tpu.memory_space<hbm>> -> memref<1x164x128xi32, #tpu.memory_space<hbm>>
      %dma_start3A_78 = tpu.memref_squeeze %dma_start3A_77 : memref<1x164x128xi32, #tpu.memory_space<hbm>> -> memref<164x128xi32, #tpu.memory_space<hbm>>
      %dma_start3A_79 = arith.constant 0 : i32
      %dma_start3A_80 = arith.constant 0 : i32
      %dma_start3A_81 = tpu.memref_slice %arg5[%arg1, %dma_start3A_79, %dma_start3A_80] : memref<16x164x128xi32, #tpu.memory_space<hbm>> -> memref<1x164x128xi32, #tpu.memory_space<hbm>>
      %dma_start3A_82 = tpu.memref_squeeze %dma_start3A_81 : memref<1x164x128xi32, #tpu.memory_space<hbm>> -> memref<164x128xi32, #tpu.memory_space<hbm>>
      tpu.enqueue_dma source(%dma_start3A_82 : memref<164x128xi32, #tpu.memory_space<hbm>>) target(%arg9 : memref<164x128xi32, #tpu.memory_space<vmem>>) target_semaphore(%run_scoped3A : memref<!tpu.dma_semaphore, #tpu.memory_space<semaphore_mem>>)
      %dma_wait3A = arith.constant 0 : i32
      %dma_wait3A_83 = arith.constant 0 : i32
      %dma_wait3A_84 = tpu.memref_slice %arg5[%arg1, %dma_wait3A, %dma_wait3A_83] : memref<16x164x128xi32, #tpu.memory_space<hbm>> -> memref<1x164x128xi32, #tpu.memory_space<hbm>>
      %dma_wait3A_85 = tpu.memref_squeeze %dma_wait3A_84 : memref<1x164x128xi32, #tpu.memory_space<hbm>> -> memref<164x128xi32, #tpu.memory_space<hbm>>
      %dma_wait3A_86 = arith.constant 0 : i32
      %dma_wait3A_87 = arith.constant 0 : i32
      %dma_wait3A_88 = tpu.memref_slice %arg5[%arg1, %dma_wait3A_86, %dma_wait3A_87] : memref<16x164x128xi32, #tpu.memory_space<hbm>> -> memref<1x164x128xi32, #tpu.memory_space<hbm>>
      %dma_wait3A_89 = tpu.memref_squeeze %dma_wait3A_88 : memref<1x164x128xi32, #tpu.memory_space<hbm>> -> memref<164x128xi32, #tpu.memory_space<hbm>>
      tpu.wait_dma2 semaphore(%run_scoped3A : memref<!tpu.dma_semaphore, #tpu.memory_space<semaphore_mem>>) src(%dma_wait3A_89 : memref<164x128xi32, #tpu.memory_space<hbm>>) dst(%arg9 : memref<164x128xi32, #tpu.memory_space<vmem>>)
      tpu.yield
    }) : () -> ()
    "tpu.region"() ({
      %run_scoped3A = tpu.sem_alloc : memref<!tpu.dma_semaphore, #tpu.memory_space<semaphore_mem>>
      %dma_start3A = arith.constant 0 : i32
      %dma_start3A_76 = arith.constant 0 : i32
      %dma_start3A_77 = tpu.memref_slice %arg6[%arg1, %dma_start3A, %dma_start3A_76] : memref<16x164x128xi32, #tpu.memory_space<hbm>> -> memref<1x164x128xi32, #tpu.memory_space<hbm>>
      %dma_start3A_78 = tpu.memref_squeeze %dma_start3A_77 : memref<1x164x128xi32, #tpu.memory_space<hbm>> -> memref<164x128xi32, #tpu.memory_space<hbm>>
      %dma_start3A_79 = arith.constant 0 : i32
      %dma_start3A_80 = arith.constant 0 : i32
      %dma_start3A_81 = tpu.memref_slice %arg6[%arg1, %dma_start3A_79, %dma_start3A_80] : memref<16x164x128xi32, #tpu.memory_space<hbm>> -> memref<1x164x128xi32, #tpu.memory_space<hbm>>
      %dma_start3A_82 = tpu.memref_squeeze %dma_start3A_81 : memref<1x164x128xi32, #tpu.memory_space<hbm>> -> memref<164x128xi32, #tpu.memory_space<hbm>>
      tpu.enqueue_dma source(%dma_start3A_82 : memref<164x128xi32, #tpu.memory_space<hbm>>) target(%arg10 : memref<164x128xi32, #tpu.memory_space<vmem>>) target_semaphore(%run_scoped3A : memref<!tpu.dma_semaphore, #tpu.memory_space<semaphore_mem>>)
      %dma_wait3A = arith.constant 0 : i32
      %dma_wait3A_83 = arith.constant 0 : i32
      %dma_wait3A_84 = tpu.memref_slice %arg6[%arg1, %dma_wait3A, %dma_wait3A_83] : memref<16x164x128xi32, #tpu.memory_space<hbm>> -> memref<1x164x128xi32, #tpu.memory_space<hbm>>
      %dma_wait3A_85 = tpu.memref_squeeze %dma_wait3A_84 : memref<1x164x128xi32, #tpu.memory_space<hbm>> -> memref<164x128xi32, #tpu.memory_space<hbm>>
      %dma_wait3A_86 = arith.constant 0 : i32
      %dma_wait3A_87 = arith.constant 0 : i32
      %dma_wait3A_88 = tpu.memref_slice %arg6[%arg1, %dma_wait3A_86, %dma_wait3A_87] : memref<16x164x128xi32, #tpu.memory_space<hbm>> -> memref<1x164x128xi32, #tpu.memory_space<hbm>>
      %dma_wait3A_89 = tpu.memref_squeeze %dma_wait3A_88 : memref<1x164x128xi32, #tpu.memory_space<hbm>> -> memref<164x128xi32, #tpu.memory_space<hbm>>
      tpu.wait_dma2 semaphore(%run_scoped3A : memref<!tpu.dma_semaphore, #tpu.memory_space<semaphore_mem>>) src(%dma_wait3A_89 : memref<164x128xi32, #tpu.memory_space<hbm>>) dst(%arg10 : memref<164x128xi32, #tpu.memory_space<vmem>>)
      tpu.yield
    }) : () -> ()
    "tpu.region"() ({
      %run_scoped3A = tpu.sem_alloc : memref<!tpu.dma_semaphore, #tpu.memory_space<semaphore_mem>>
      tpu.enqueue_dma source(%arg7 : memref<16xf32, #tpu.memory_space<hbm>>) target(%arg16 : memref<16xf32, #tpu.memory_space<vmem>>) target_semaphore(%run_scoped3A : memref<!tpu.dma_semaphore, #tpu.memory_space<semaphore_mem>>)
      tpu.wait_dma2 semaphore(%run_scoped3A : memref<!tpu.dma_semaphore, #tpu.memory_space<semaphore_mem>>) src(%arg7 : memref<16xf32, #tpu.memory_space<hbm>>) dst(%arg16 : memref<16xf32, #tpu.memory_space<vmem>>)
      tpu.yield
    }) : () -> ()
    %get3A = arith.constant 0 : index
    %get3A_1 = tpu.vector_load %arg16[%get3A] {strides = array<i32>} : memref<16xf32, #tpu.memory_space<vmem>>, vector<16xf32>,
    %get3A_2 = vector.shape_cast %get3A_1 : vector<16xf32> to vector<16xf32>
    %scan3A = arith.constant 0 : i32
    %scan3A_3 = arith.constant 0 : i32
    %scan3A_4 = arith.constant 164 : i32
    %scan3A_5 = arith.addi %scan3A_3, %scan3A_4 : i32
    %scan3A_6 = arith.constant 1 : i32
    %scan3A_7 = scf.for %scan3A_76 = %scan3A_3 to %scan3A_5 step %scan3A_6 iter_args(%scan3A_77 = %scan3A) -> (i32)  : i32 {
      %get3A_78 = arith.index_cast %scan3A_76 : i32 to index
      %get3A_79 = arith.constant 0 : index
      %get3A_80 = tpu.vector_load %arg9[%get3A_78, %get3A_79] {strides = array<i32>} : memref<164x128xi32, #tpu.memory_space<vmem>>, vector<1x16xi32>,
      %get3A_81 = vector.shape_cast %get3A_80 : vector<1x16xi32> to vector<16xi32>
      %add3A_82 = vector.broadcast %mul3A_0 : i32 to vector<16xi32>
      %add3A_83 = arith.addi %get3A_81, %add3A_82 : vector<16xi32>
      %swap3A = arith.index_cast %scan3A_76 : i32 to index
      %swap3A_84 = arith.constant 0 : index
      %swap3A_85 = tpu.vector_load %arg9[%swap3A, %swap3A_84] {strides = array<i32>} : memref<164x128xi32, #tpu.memory_space<vmem>>, vector<1x16xi32>,
      %swap3A_86 = vector.shape_cast %swap3A_85 : vector<1x16xi32> to vector<16xi32>
      %swap3A_87 = vector.shape_cast %add3A_83 : vector<16xi32> to vector<1x16xi32>
      tpu.vector_store %arg9[%swap3A, %swap3A_84], %swap3A_87 {strides = array<i32>} : memref<164x128xi32, #tpu.memory_space<vmem>>, vector<1x16xi32>,
      %get3A_88 = arith.index_cast %scan3A_76 : i32 to index
      %get3A_89 = arith.constant 16 : index
      %get3A_90 = tpu.vector_load %arg9[%get3A_88, %get3A_89] {strides = array<i32>} : memref<164x128xi32, #tpu.memory_space<vmem>>, vector<1x16xi32>,
      %get3A_91 = vector.shape_cast %get3A_90 : vector<1x16xi32> to vector<16xi32>
      %add3A_92 = vector.broadcast %mul3A_0 : i32 to vector<16xi32>
      %add3A_93 = arith.addi %get3A_91, %add3A_92 : vector<16xi32>
      %swap3A_94 = arith.index_cast %scan3A_76 : i32 to index
      %swap3A_95 = arith.constant 16 : index
      %swap3A_96 = tpu.vector_load %arg9[%swap3A_94, %swap3A_95] {strides = array<i32>} : memref<164x128xi32, #tpu.memory_space<vmem>>, vector<1x16xi32>,
      %swap3A_97 = vector.shape_cast %swap3A_96 : vector<1x16xi32> to vector<16xi32>
      %swap3A_98 = vector.shape_cast %add3A_93 : vector<16xi32> to vector<1x16xi32>
      tpu.vector_store %arg9[%swap3A_94, %swap3A_95], %swap3A_98 {strides = array<i32>} : memref<164x128xi32, #tpu.memory_space<vmem>>, vector<1x16xi32>,
      %get3A_99 = arith.index_cast %scan3A_76 : i32 to index
      %get3A_100 = arith.constant 32 : index
      %get3A_101 = tpu.vector_load %arg9[%get3A_99, %get3A_100] {strides = array<i32>} : memref<164x128xi32, #tpu.memory_space<vmem>>, vector<1x16xi32>,
      %get3A_102 = vector.shape_cast %get3A_101 : vector<1x16xi32> to vector<16xi32>
      %add3A_103 = vector.broadcast %mul3A_0 : i32 to vector<16xi32>
      %add3A_104 = arith.addi %get3A_102, %add3A_103 : vector<16xi32>
      %swap3A_105 = arith.index_cast %scan3A_76 : i32 to index
      %swap3A_106 = arith.constant 32 : index
      %swap3A_107 = tpu.vector_load %arg9[%swap3A_105, %swap3A_106] {strides = array<i32>} : memref<164x128xi32, #tpu.memory_space<vmem>>, vector<1x16xi32>,
      %swap3A_108 = vector.shape_cast %swap3A_107 : vector<1x16xi32> to vector<16xi32>
      %swap3A_109 = vector.shape_cast %add3A_104 : vector<16xi32> to vector<1x16xi32>
      tpu.vector_store %arg9[%swap3A_105, %swap3A_106], %swap3A_109 {strides = array<i32>} : memref<164x128xi32, #tpu.memory_space<vmem>>, vector<1x16xi32>,
      %get3A_110 = arith.index_cast %scan3A_76 : i32 to index
      %get3A_111 = arith.constant 48 : index
      %get3A_112 = tpu.vector_load %arg9[%get3A_110, %get3A_111] {strides = array<i32>} : memref<164x128xi32, #tpu.memory_space<vmem>>, vector<1x16xi32>,
      %get3A_113 = vector.shape_cast %get3A_112 : vector<1x16xi32> to vector<16xi32>
      %add3A_114 = vector.broadcast %mul3A_0 : i32 to vector<16xi32>
      %add3A_115 = arith.addi %get3A_113, %add3A_114 : vector<16xi32>
      %swap3A_116 = arith.index_cast %scan3A_76 : i32 to index
      %swap3A_117 = arith.constant 48 : index
      %swap3A_118 = tpu.vector_load %arg9[%swap3A_116, %swap3A_117] {strides = array<i32>} : memref<164x128xi32, #tpu.memory_space<vmem>>, vector<1x16xi32>,
      %swap3A_119 = vector.shape_cast %swap3A_118 : vector<1x16xi32> to vector<16xi32>
      %swap3A_120 = vector.shape_cast %add3A_115 : vector<16xi32> to vector<1x16xi32>
      tpu.vector_store %arg9[%swap3A_116, %swap3A_117], %swap3A_120 {strides = array<i32>} : memref<164x128xi32, #tpu.memory_space<vmem>>, vector<1x16xi32>,
      %get3A_121 = arith.index_cast %scan3A_76 : i32 to index
      %get3A_122 = arith.constant 64 : index
      %get3A_123 = tpu.vector_load %arg9[%get3A_121, %get3A_122] {strides = array<i32>} : memref<164x128xi32, #tpu.memory_space<vmem>>, vector<1x16xi32>,
      %get3A_124 = vector.shape_cast %get3A_123 : vector<1x16xi32> to vector<16xi32>
      %add3A_125 = vector.broadcast %mul3A_0 : i32 to vector<16xi32>
      %add3A_126 = arith.addi %get3A_124, %add3A_125 : vector<16xi32>
      %swap3A_127 = arith.index_cast %scan3A_76 : i32 to index
      %swap3A_128 = arith.constant 64 : index
      %swap3A_129 = tpu.vector_load %arg9[%swap3A_127, %swap3A_128] {strides = array<i32>} : memref<164x128xi32, #tpu.memory_space<vmem>>, vector<1x16xi32>,
      %swap3A_130 = vector.shape_cast %swap3A_129 : vector<1x16xi32> to vector<16xi32>
      %swap3A_131 = vector.shape_cast %add3A_126 : vector<16xi32> to vector<1x16xi32>
      tpu.vector_store %arg9[%swap3A_127, %swap3A_128], %swap3A_131 {strides = array<i32>} : memref<164x128xi32, #tpu.memory_space<vmem>>, vector<1x16xi32>,
      %get3A_132 = arith.index_cast %scan3A_76 : i32 to index
      %get3A_133 = arith.constant 80 : index
      %get3A_134 = tpu.vector_load %arg9[%get3A_132, %get3A_133] {strides = array<i32>} : memref<164x128xi32, #tpu.memory_space<vmem>>, vector<1x16xi32>,
      %get3A_135 = vector.shape_cast %get3A_134 : vector<1x16xi32> to vector<16xi32>
      %add3A_136 = vector.broadcast %mul3A_0 : i32 to vector<16xi32>
      %add3A_137 = arith.addi %get3A_135, %add3A_136 : vector<16xi32>
      %swap3A_138 = arith.index_cast %scan3A_76 : i32 to index
      %swap3A_139 = arith.constant 80 : index
      %swap3A_140 = tpu.vector_load %arg9[%swap3A_138, %swap3A_139] {strides = array<i32>} : memref<164x128xi32, #tpu.memory_space<vmem>>, vector<1x16xi32>,
      %swap3A_141 = vector.shape_cast %swap3A_140 : vector<1x16xi32> to vector<16xi32>
      %swap3A_142 = vector.shape_cast %add3A_137 : vector<16xi32> to vector<1x16xi32>
      tpu.vector_store %arg9[%swap3A_138, %swap3A_139], %swap3A_142 {strides = array<i32>} : memref<164x128xi32, #tpu.memory_space<vmem>>, vector<1x16xi32>,
      %get3A_143 = arith.index_cast %scan3A_76 : i32 to index
      %get3A_144 = arith.constant 96 : index
      %get3A_145 = tpu.vector_load %arg9[%get3A_143, %get3A_144] {strides = array<i32>} : memref<164x128xi32, #tpu.memory_space<vmem>>, vector<1x16xi32>,
      %get3A_146 = vector.shape_cast %get3A_145 : vector<1x16xi32> to vector<16xi32>
      %add3A_147 = vector.broadcast %mul3A_0 : i32 to vector<16xi32>
      %add3A_148 = arith.addi %get3A_146, %add3A_147 : vector<16xi32>
      %swap3A_149 = arith.index_cast %scan3A_76 : i32 to index
      %swap3A_150 = arith.constant 96 : index
      %swap3A_151 = tpu.vector_load %arg9[%swap3A_149, %swap3A_150] {strides = array<i32>} : memref<164x128xi32, #tpu.memory_space<vmem>>, vector<1x16xi32>,
      %swap3A_152 = vector.shape_cast %swap3A_151 : vector<1x16xi32> to vector<16xi32>
      %swap3A_153 = vector.shape_cast %add3A_148 : vector<16xi32> to vector<1x16xi32>
      tpu.vector_store %arg9[%swap3A_149, %swap3A_150], %swap3A_153 {strides = array<i32>} : memref<164x128xi32, #tpu.memory_space<vmem>>, vector<1x16xi32>,
      %get3A_154 = arith.index_cast %scan3A_76 : i32 to index
      %get3A_155 = arith.constant 112 : index
      %get3A_156 = tpu.vector_load %arg9[%get3A_154, %get3A_155] {strides = array<i32>} : memref<164x128xi32, #tpu.memory_space<vmem>>, vector<1x16xi32>,
      %get3A_157 = vector.shape_cast %get3A_156 : vector<1x16xi32> to vector<16xi32>
      %add3A_158 = vector.broadcast %mul3A_0 : i32 to vector<16xi32>
      %add3A_159 = arith.addi %get3A_157, %add3A_158 : vector<16xi32>
      %swap3A_160 = arith.index_cast %scan3A_76 : i32 to index
      %swap3A_161 = arith.constant 112 : index
      %swap3A_162 = tpu.vector_load %arg9[%swap3A_160, %swap3A_161] {strides = array<i32>} : memref<164x128xi32, #tpu.memory_space<vmem>>, vector<1x16xi32>,
      %swap3A_163 = vector.shape_cast %swap3A_162 : vector<1x16xi32> to vector<16xi32>
      %swap3A_164 = vector.shape_cast %add3A_159 : vector<16xi32> to vector<1x16xi32>
      tpu.vector_store %arg9[%swap3A_160, %swap3A_161], %swap3A_164 {strides = array<i32>} : memref<164x128xi32, #tpu.memory_space<vmem>>, vector<1x16xi32>,
      %scan3A_165 = arith.constant 0 : i32
      scf.yield %scan3A_165 : i32
    }
    %scan3A_8 = arith.constant 164 : i32
    %scan3A_9 = arith.constant 0 : i32
    %scan3A_10 = arith.constant 0 : i32
    %scan3A_11 = arith.constant 128 : i32
    %scan3A_12 = arith.addi %scan3A_10, %scan3A_11 : i32
    %scan3A_13 = arith.constant 1 : i32
    %scan3A_14 = scf.for %scan3A_76 = %scan3A_10 to %scan3A_12 step %scan3A_13 iter_args(%scan3A_77 = %scan3A_9) -> (i32)  : i32 {
      %broadcast_in_dim3A = arith.constant 0.000000e+00 : f32
      %broadcast_in_dim3A_78 = vector.broadcast %broadcast_in_dim3A : f32 to vector<16xf32>
      %swap3A = arith.index_cast %scan3A_76 : i32 to index
      %swap3A_79 = arith.constant 0 : index
      %swap3A_80 = tpu.vector_load %arg11[%swap3A, %swap3A_79] {strides = array<i32>} : memref<128x16xf32, #tpu.memory_space<vmem>>, vector<1x16xf32>,
      %swap3A_81 = vector.shape_cast %swap3A_80 : vector<1x16xf32> to vector<16xf32>
      %swap3A_82 = vector.shape_cast %broadcast_in_dim3A_78 : vector<16xf32> to vector<1x16xf32>
      tpu.vector_store %arg11[%swap3A, %swap3A_79], %swap3A_82 {strides = array<i32>} : memref<128x16xf32, #tpu.memory_space<vmem>>, vector<1x16xf32>,
      %broadcast_in_dim3A_83 = arith.constant 0.000000e+00 : f32
      %broadcast_in_dim3A_84 = vector.broadcast %broadcast_in_dim3A_83 : f32 to vector<16xf32>
      %swap3A_85 = arith.index_cast %scan3A_76 : i32 to index
      %swap3A_86 = arith.constant 0 : index
      %swap3A_87 = tpu.vector_load %arg15[%swap3A_85, %swap3A_86] {strides = array<i32>} : memref<128x64xf32, #tpu.memory_space<vmem>>, vector<1x16xf32>,
      %swap3A_88 = vector.shape_cast %swap3A_87 : vector<1x16xf32> to vector<16xf32>
      %swap3A_89 = vector.shape_cast %broadcast_in_dim3A_84 : vector<16xf32> to vector<1x16xf32>
      tpu.vector_store %arg15[%swap3A_85, %swap3A_86], %swap3A_89 {strides = array<i32>} : memref<128x64xf32, #tpu.memory_space<vmem>>, vector<1x16xf32>,
      %broadcast_in_dim3A_90 = arith.constant 0.000000e+00 : f32
      %broadcast_in_dim3A_91 = vector.broadcast %broadcast_in_dim3A_90 : f32 to vector<16xf32>
      %swap3A_92 = arith.index_cast %scan3A_76 : i32 to index
      %swap3A_93 = arith.constant 16 : index
      %swap3A_94 = tpu.vector_load %arg15[%swap3A_92, %swap3A_93] {strides = array<i32>} : memref<128x64xf32, #tpu.memory_space<vmem>>, vector<1x16xf32>,
      %swap3A_95 = vector.shape_cast %swap3A_94 : vector<1x16xf32> to vector<16xf32>
      %swap3A_96 = vector.shape_cast %broadcast_in_dim3A_91 : vector<16xf32> to vector<1x16xf32>
      tpu.vector_store %arg15[%swap3A_92, %swap3A_93], %swap3A_96 {strides = array<i32>} : memref<128x64xf32, #tpu.memory_space<vmem>>, vector<1x16xf32>,
      %broadcast_in_dim3A_97 = arith.constant 0.000000e+00 : f32
      %broadcast_in_dim3A_98 = vector.broadcast %broadcast_in_dim3A_97 : f32 to vector<16xf32>
      %swap3A_99 = arith.index_cast %scan3A_76 : i32 to index
      %swap3A_100 = arith.constant 32 : index
      %swap3A_101 = tpu.vector_load %arg15[%swap3A_99, %swap3A_100] {strides = array<i32>} : memref<128x64xf32, #tpu.memory_space<vmem>>, vector<1x16xf32>,
      %swap3A_102 = vector.shape_cast %swap3A_101 : vector<1x16xf32> to vector<16xf32>
      %swap3A_103 = vector.shape_cast %broadcast_in_dim3A_98 : vector<16xf32> to vector<1x16xf32>
      tpu.vector_store %arg15[%swap3A_99, %swap3A_100], %swap3A_103 {strides = array<i32>} : memref<128x64xf32, #tpu.memory_space<vmem>>, vector<1x16xf32>,
      %broadcast_in_dim3A_104 = arith.constant 0.000000e+00 : f32
      %broadcast_in_dim3A_105 = vector.broadcast %broadcast_in_dim3A_104 : f32 to vector<16xf32>
      %swap3A_106 = arith.index_cast %scan3A_76 : i32 to index
      %swap3A_107 = arith.constant 48 : index
      %swap3A_108 = tpu.vector_load %arg15[%swap3A_106, %swap3A_107] {strides = array<i32>} : memref<128x64xf32, #tpu.memory_space<vmem>>, vector<1x16xf32>,
      %swap3A_109 = vector.shape_cast %swap3A_108 : vector<1x16xf32> to vector<16xf32>
      %swap3A_110 = vector.shape_cast %broadcast_in_dim3A_105 : vector<16xf32> to vector<1x16xf32>
      tpu.vector_store %arg15[%swap3A_106, %swap3A_107], %swap3A_110 {strides = array<i32>} : memref<128x64xf32, #tpu.memory_space<vmem>>, vector<1x16xf32>,
      %scan3A_111 = arith.constant 0 : i32
      scf.yield %scan3A_111 : i32
    }
    %scan3A_15 = arith.constant 128 : i32
    %mul3A_16 = arith.constant 640 : i32
    %mul3A_17 = arith.muli %arg1, %mul3A_16 : i32
    %add3A = arith.constant 0 : i32
    %add3A_18 = arith.addi %mul3A_17, %add3A : i32
    "tpu.region"() ({
      %run_scoped3A = tpu.sem_alloc : memref<!tpu.dma_semaphore, #tpu.memory_space<semaphore_mem>>
      %dma_start3A = arith.constant 0 : i32
      %dma_start3A_76 = tpu.memref_slice %arg17[%add3A_18, %dma_start3A] : memref<10240x16xf32, #tpu.memory_space<vmem_shared>> -> memref<128x16xf32, #tpu.memory_space<vmem_shared>>
      %dma_start3A_77 = arith.constant 0 : i32
      %dma_start3A_78 = tpu.memref_slice %arg17[%add3A_18, %dma_start3A_77] : memref<10240x16xf32, #tpu.memory_space<vmem_shared>> -> memref<128x16xf32, #tpu.memory_space<vmem_shared>>
      tpu.enqueue_dma source(%arg11 : memref<128x16xf32, #tpu.memory_space<vmem>>) target(%dma_start3A_78 : memref<128x16xf32, #tpu.memory_space<vmem_shared>>) target_semaphore(%run_scoped3A : memref<!tpu.dma_semaphore, #tpu.memory_space<semaphore_mem>>)
      %dma_wait3A = arith.constant 0 : i32
      %dma_wait3A_79 = tpu.memref_slice %arg17[%add3A_18, %dma_wait3A] : memref<10240x16xf32, #tpu.memory_space<vmem_shared>> -> memref<128x16xf32, #tpu.memory_space<vmem_shared>>
      %dma_wait3A_80 = arith.constant 0 : i32
      %dma_wait3A_81 = tpu.memref_slice %arg17[%add3A_18, %dma_wait3A_80] : memref<10240x16xf32, #tpu.memory_space<vmem_shared>> -> memref<128x16xf32, #tpu.memory_space<vmem_shared>>
      tpu.wait_dma2 semaphore(%run_scoped3A : memref<!tpu.dma_semaphore, #tpu.memory_space<semaphore_mem>>) src(%arg11 : memref<128x16xf32, #tpu.memory_space<vmem>>) dst(%dma_wait3A_81 : memref<128x16xf32, #tpu.memory_space<vmem_shared>>)
      tpu.yield
    }) : () -> ()
    "tpu.region"() ({
      %run_scoped3A = tpu.sem_alloc : memref<!tpu.dma_semaphore, #tpu.memory_space<semaphore_mem>>
      %dma_start3A = arith.constant 0 : i32
      %dma_start3A_76 = tpu.memref_slice %arg18[%add3A_18, %dma_start3A] : memref<10240x64xf32, #tpu.memory_space<vmem_shared>> -> memref<128x64xf32, #tpu.memory_space<vmem_shared>>
      %dma_start3A_77 = arith.constant 0 : i32
      %dma_start3A_78 = tpu.memref_slice %arg18[%add3A_18, %dma_start3A_77] : memref<10240x64xf32, #tpu.memory_space<vmem_shared>> -> memref<128x64xf32, #tpu.memory_space<vmem_shared>>
      tpu.enqueue_dma source(%arg15 : memref<128x64xf32, #tpu.memory_space<vmem>>) target(%dma_start3A_78 : memref<128x64xf32, #tpu.memory_space<vmem_shared>>) target_semaphore(%run_scoped3A : memref<!tpu.dma_semaphore, #tpu.memory_space<semaphore_mem>>)
      %dma_wait3A = arith.constant 0 : i32
      %dma_wait3A_79 = tpu.memref_slice %arg18[%add3A_18, %dma_wait3A] : memref<10240x64xf32, #tpu.memory_space<vmem_shared>> -> memref<128x64xf32, #tpu.memory_space<vmem_shared>>
      %dma_wait3A_80 = arith.constant 0 : i32
      %dma_wait3A_81 = tpu.memref_slice %arg18[%add3A_18, %dma_wait3A_80] : memref<10240x64xf32, #tpu.memory_space<vmem_shared>> -> memref<128x64xf32, #tpu.memory_space<vmem_shared>>
      tpu.wait_dma2 semaphore(%run_scoped3A : memref<!tpu.dma_semaphore, #tpu.memory_space<semaphore_mem>>) src(%arg15 : memref<128x64xf32, #tpu.memory_space<vmem>>) dst(%dma_wait3A_81 : memref<128x64xf32, #tpu.memory_space<vmem_shared>>)
      tpu.yield
    }) : () -> ()
    %mul3A_19 = arith.constant 640 : i32
    %mul3A_20 = arith.muli %arg1, %mul3A_19 : i32
    %add3A_21 = arith.constant 128 : i32
    %add3A_22 = arith.addi %mul3A_20, %add3A_21 : i32
    "tpu.region"() ({
      %run_scoped3A = tpu.sem_alloc : memref<!tpu.dma_semaphore, #tpu.memory_space<semaphore_mem>>
      %dma_start3A = arith.constant 0 : i32
      %dma_start3A_76 = tpu.memref_slice %arg17[%add3A_22, %dma_start3A] : memref<10240x16xf32, #tpu.memory_space<vmem_shared>> -> memref<128x16xf32, #tpu.memory_space<vmem_shared>>
      %dma_start3A_77 = arith.constant 0 : i32
      %dma_start3A_78 = tpu.memref_slice %arg17[%add3A_22, %dma_start3A_77] : memref<10240x16xf32, #tpu.memory_space<vmem_shared>> -> memref<128x16xf32, #tpu.memory_space<vmem_shared>>
      tpu.enqueue_dma source(%arg11 : memref<128x16xf32, #tpu.memory_space<vmem>>) target(%dma_start3A_78 : memref<128x16xf32, #tpu.memory_space<vmem_shared>>) target_semaphore(%run_scoped3A : memref<!tpu.dma_semaphore, #tpu.memory_space<semaphore_mem>>)
      %dma_wait3A = arith.constant 0 : i32
      %dma_wait3A_79 = tpu.memref_slice %arg17[%add3A_22, %dma_wait3A] : memref<10240x16xf32, #tpu.memory_space<vmem_shared>> -> memref<128x16xf32, #tpu.memory_space<vmem_shared>>
      %dma_wait3A_80 = arith.constant 0 : i32
      %dma_wait3A_81 = tpu.memref_slice %arg17[%add3A_22, %dma_wait3A_80] : memref<10240x16xf32, #tpu.memory_space<vmem_shared>> -> memref<128x16xf32, #tpu.memory_space<vmem_shared>>
      tpu.wait_dma2 semaphore(%run_scoped3A : memref<!tpu.dma_semaphore, #tpu.memory_space<semaphore_mem>>) src(%arg11 : memref<128x16xf32, #tpu.memory_space<vmem>>) dst(%dma_wait3A_81 : memref<128x16xf32, #tpu.memory_space<vmem_shared>>)
      tpu.yield
    }) : () -> ()
    "tpu.region"() ({
      %run_scoped3A = tpu.sem_alloc : memref<!tpu.dma_semaphore, #tpu.memory_space<semaphore_mem>>
      %dma_start3A = arith.constant 0 : i32
      %dma_start3A_76 = tpu.memref_slice %arg18[%add3A_22, %dma_start3A] : memref<10240x64xf32, #tpu.memory_space<vmem_shared>> -> memref<128x64xf32, #tpu.memory_space<vmem_shared>>
      %dma_start3A_77 = arith.constant 0 : i32
      %dma_start3A_78 = tpu.memref_slice %arg18[%add3A_22, %dma_start3A_77] : memref<10240x64xf32, #tpu.memory_space<vmem_shared>> -> memref<128x64xf32, #tpu.memory_space<vmem_shared>>
      tpu.enqueue_dma source(%arg15 : memref<128x64xf32, #tpu.memory_space<vmem>>) target(%dma_start3A_78 : memref<128x64xf32, #tpu.memory_space<vmem_shared>>) target_semaphore(%run_scoped3A : memref<!tpu.dma_semaphore, #tpu.memory_space<semaphore_mem>>)
      %dma_wait3A = arith.constant 0 : i32
      %dma_wait3A_79 = tpu.memref_slice %arg18[%add3A_22, %dma_wait3A] : memref<10240x64xf32, #tpu.memory_space<vmem_shared>> -> memref<128x64xf32, #tpu.memory_space<vmem_shared>>
      %dma_wait3A_80 = arith.constant 0 : i32
      %dma_wait3A_81 = tpu.memref_slice %arg18[%add3A_22, %dma_wait3A_80] : memref<10240x64xf32, #tpu.memory_space<vmem_shared>> -> memref<128x64xf32, #tpu.memory_space<vmem_shared>>
      tpu.wait_dma2 semaphore(%run_scoped3A : memref<!tpu.dma_semaphore, #tpu.memory_space<semaphore_mem>>) src(%arg15 : memref<128x64xf32, #tpu.memory_space<vmem>>) dst(%dma_wait3A_81 : memref<128x64xf32, #tpu.memory_space<vmem_shared>>)
      tpu.yield
    }) : () -> ()
    %mul3A_23 = arith.constant 640 : i32
    %mul3A_24 = arith.muli %arg1, %mul3A_23 : i32
    %add3A_25 = arith.constant 256 : i32
    %add3A_26 = arith.addi %mul3A_24, %add3A_25 : i32
    "tpu.region"() ({
      %run_scoped3A = tpu.sem_alloc : memref<!tpu.dma_semaphore, #tpu.memory_space<semaphore_mem>>
      %dma_start3A = arith.constant 0 : i32
      %dma_start3A_76 = tpu.memref_slice %arg17[%add3A_26, %dma_start3A] : memref<10240x16xf32, #tpu.memory_space<vmem_shared>> -> memref<128x16xf32, #tpu.memory_space<vmem_shared>>
      %dma_start3A_77 = arith.constant 0 : i32
      %dma_start3A_78 = tpu.memref_slice %arg17[%add3A_26, %dma_start3A_77] : memref<10240x16xf32, #tpu.memory_space<vmem_shared>> -> memref<128x16xf32, #tpu.memory_space<vmem_shared>>
      tpu.enqueue_dma source(%arg11 : memref<128x16xf32, #tpu.memory_space<vmem>>) target(%dma_start3A_78 : memref<128x16xf32, #tpu.memory_space<vmem_shared>>) target_semaphore(%run_scoped3A : memref<!tpu.dma_semaphore, #tpu.memory_space<semaphore_mem>>)
      %dma_wait3A = arith.constant 0 : i32
      %dma_wait3A_79 = tpu.memref_slice %arg17[%add3A_26, %dma_wait3A] : memref<10240x16xf32, #tpu.memory_space<vmem_shared>> -> memref<128x16xf32, #tpu.memory_space<vmem_shared>>
      %dma_wait3A_80 = arith.constant 0 : i32
      %dma_wait3A_81 = tpu.memref_slice %arg17[%add3A_26, %dma_wait3A_80] : memref<10240x16xf32, #tpu.memory_space<vmem_shared>> -> memref<128x16xf32, #tpu.memory_space<vmem_shared>>
      tpu.wait_dma2 semaphore(%run_scoped3A : memref<!tpu.dma_semaphore, #tpu.memory_space<semaphore_mem>>) src(%arg11 : memref<128x16xf32, #tpu.memory_space<vmem>>) dst(%dma_wait3A_81 : memref<128x16xf32, #tpu.memory_space<vmem_shared>>)
      tpu.yield
    }) : () -> ()
    "tpu.region"() ({
      %run_scoped3A = tpu.sem_alloc : memref<!tpu.dma_semaphore, #tpu.memory_space<semaphore_mem>>
      %dma_start3A = arith.constant 0 : i32
      %dma_start3A_76 = tpu.memref_slice %arg18[%add3A_26, %dma_start3A] : memref<10240x64xf32, #tpu.memory_space<vmem_shared>> -> memref<128x64xf32, #tpu.memory_space<vmem_shared>>
      %dma_start3A_77 = arith.constant 0 : i32
      %dma_start3A_78 = tpu.memref_slice %arg18[%add3A_26, %dma_start3A_77] : memref<10240x64xf32, #tpu.memory_space<vmem_shared>> -> memref<128x64xf32, #tpu.memory_space<vmem_shared>>
      tpu.enqueue_dma source(%arg15 : memref<128x64xf32, #tpu.memory_space<vmem>>) target(%dma_start3A_78 : memref<128x64xf32, #tpu.memory_space<vmem_shared>>) target_semaphore(%run_scoped3A : memref<!tpu.dma_semaphore, #tpu.memory_space<semaphore_mem>>)
      %dma_wait3A = arith.constant 0 : i32
      %dma_wait3A_79 = tpu.memref_slice %arg18[%add3A_26, %dma_wait3A] : memref<10240x64xf32, #tpu.memory_space<vmem_shared>> -> memref<128x64xf32, #tpu.memory_space<vmem_shared>>
      %dma_wait3A_80 = arith.constant 0 : i32
      %dma_wait3A_81 = tpu.memref_slice %arg18[%add3A_26, %dma_wait3A_80] : memref<10240x64xf32, #tpu.memory_space<vmem_shared>> -> memref<128x64xf32, #tpu.memory_space<vmem_shared>>
      tpu.wait_dma2 semaphore(%run_scoped3A : memref<!tpu.dma_semaphore, #tpu.memory_space<semaphore_mem>>) src(%arg15 : memref<128x64xf32, #tpu.memory_space<vmem>>) dst(%dma_wait3A_81 : memref<128x64xf32, #tpu.memory_space<vmem_shared>>)
      tpu.yield
    }) : () -> ()
    %mul3A_27 = arith.constant 640 : i32
    %mul3A_28 = arith.muli %arg1, %mul3A_27 : i32
    %add3A_29 = arith.constant 384 : i32
    %add3A_30 = arith.addi %mul3A_28, %add3A_29 : i32
    "tpu.region"() ({
      %run_scoped3A = tpu.sem_alloc : memref<!tpu.dma_semaphore, #tpu.memory_space<semaphore_mem>>
      %dma_start3A = arith.constant 0 : i32
      %dma_start3A_76 = tpu.memref_slice %arg17[%add3A_30, %dma_start3A] : memref<10240x16xf32, #tpu.memory_space<vmem_shared>> -> memref<128x16xf32, #tpu.memory_space<vmem_shared>>
      %dma_start3A_77 = arith.constant 0 : i32
      %dma_start3A_78 = tpu.memref_slice %arg17[%add3A_30, %dma_start3A_77] : memref<10240x16xf32, #tpu.memory_space<vmem_shared>> -> memref<128x16xf32, #tpu.memory_space<vmem_shared>>
      tpu.enqueue_dma source(%arg11 : memref<128x16xf32, #tpu.memory_space<vmem>>) target(%dma_start3A_78 : memref<128x16xf32, #tpu.memory_space<vmem_shared>>) target_semaphore(%run_scoped3A : memref<!tpu.dma_semaphore, #tpu.memory_space<semaphore_mem>>)
      %dma_wait3A = arith.constant 0 : i32
      %dma_wait3A_79 = tpu.memref_slice %arg17[%add3A_30, %dma_wait3A] : memref<10240x16xf32, #tpu.memory_space<vmem_shared>> -> memref<128x16xf32, #tpu.memory_space<vmem_shared>>
      %dma_wait3A_80 = arith.constant 0 : i32
      %dma_wait3A_81 = tpu.memref_slice %arg17[%add3A_30, %dma_wait3A_80] : memref<10240x16xf32, #tpu.memory_space<vmem_shared>> -> memref<128x16xf32, #tpu.memory_space<vmem_shared>>
      tpu.wait_dma2 semaphore(%run_scoped3A : memref<!tpu.dma_semaphore, #tpu.memory_space<semaphore_mem>>) src(%arg11 : memref<128x16xf32, #tpu.memory_space<vmem>>) dst(%dma_wait3A_81 : memref<128x16xf32, #tpu.memory_space<vmem_shared>>)
      tpu.yield
    }) : () -> ()
    "tpu.region"() ({
      %run_scoped3A = tpu.sem_alloc : memref<!tpu.dma_semaphore, #tpu.memory_space<semaphore_mem>>
      %dma_start3A = arith.constant 0 : i32
      %dma_start3A_76 = tpu.memref_slice %arg18[%add3A_30, %dma_start3A] : memref<10240x64xf32, #tpu.memory_space<vmem_shared>> -> memref<128x64xf32, #tpu.memory_space<vmem_shared>>
      %dma_start3A_77 = arith.constant 0 : i32
      %dma_start3A_78 = tpu.memref_slice %arg18[%add3A_30, %dma_start3A_77] : memref<10240x64xf32, #tpu.memory_space<vmem_shared>> -> memref<128x64xf32, #tpu.memory_space<vmem_shared>>
      tpu.enqueue_dma source(%arg15 : memref<128x64xf32, #tpu.memory_space<vmem>>) target(%dma_start3A_78 : memref<128x64xf32, #tpu.memory_space<vmem_shared>>) target_semaphore(%run_scoped3A : memref<!tpu.dma_semaphore, #tpu.memory_space<semaphore_mem>>)
      %dma_wait3A = arith.constant 0 : i32
      %dma_wait3A_79 = tpu.memref_slice %arg18[%add3A_30, %dma_wait3A] : memref<10240x64xf32, #tpu.memory_space<vmem_shared>> -> memref<128x64xf32, #tpu.memory_space<vmem_shared>>
      %dma_wait3A_80 = arith.constant 0 : i32
      %dma_wait3A_81 = tpu.memref_slice %arg18[%add3A_30, %dma_wait3A_80] : memref<10240x64xf32, #tpu.memory_space<vmem_shared>> -> memref<128x64xf32, #tpu.memory_space<vmem_shared>>
      tpu.wait_dma2 semaphore(%run_scoped3A : memref<!tpu.dma_semaphore, #tpu.memory_space<semaphore_mem>>) src(%arg15 : memref<128x64xf32, #tpu.memory_space<vmem>>) dst(%dma_wait3A_81 : memref<128x64xf32, #tpu.memory_space<vmem_shared>>)
      tpu.yield
    }) : () -> ()
    %mul3A_31 = arith.constant 640 : i32
    %mul3A_32 = arith.muli %arg1, %mul3A_31 : i32
    %add3A_33 = arith.constant 512 : i32
    %add3A_34 = arith.addi %mul3A_32, %add3A_33 : i32
    "tpu.region"() ({
      %run_scoped3A = tpu.sem_alloc : memref<!tpu.dma_semaphore, #tpu.memory_space<semaphore_mem>>
      %dma_start3A = arith.constant 0 : i32
      %dma_start3A_76 = tpu.memref_slice %arg17[%add3A_34, %dma_start3A] : memref<10240x16xf32, #tpu.memory_space<vmem_shared>> -> memref<128x16xf32, #tpu.memory_space<vmem_shared>>
      %dma_start3A_77 = arith.constant 0 : i32
      %dma_start3A_78 = tpu.memref_slice %arg17[%add3A_34, %dma_start3A_77] : memref<10240x16xf32, #tpu.memory_space<vmem_shared>> -> memref<128x16xf32, #tpu.memory_space<vmem_shared>>
      tpu.enqueue_dma source(%arg11 : memref<128x16xf32, #tpu.memory_space<vmem>>) target(%dma_start3A_78 : memref<128x16xf32, #tpu.memory_space<vmem_shared>>) target_semaphore(%run_scoped3A : memref<!tpu.dma_semaphore, #tpu.memory_space<semaphore_mem>>)
      %dma_wait3A = arith.constant 0 : i32
      %dma_wait3A_79 = tpu.memref_slice %arg17[%add3A_34, %dma_wait3A] : memref<10240x16xf32, #tpu.memory_space<vmem_shared>> -> memref<128x16xf32, #tpu.memory_space<vmem_shared>>
      %dma_wait3A_80 = arith.constant 0 : i32
      %dma_wait3A_81 = tpu.memref_slice %arg17[%add3A_34, %dma_wait3A_80] : memref<10240x16xf32, #tpu.memory_space<vmem_shared>> -> memref<128x16xf32, #tpu.memory_space<vmem_shared>>
      tpu.wait_dma2 semaphore(%run_scoped3A : memref<!tpu.dma_semaphore, #tpu.memory_space<semaphore_mem>>) src(%arg11 : memref<128x16xf32, #tpu.memory_space<vmem>>) dst(%dma_wait3A_81 : memref<128x16xf32, #tpu.memory_space<vmem_shared>>)
      tpu.yield
    }) : () -> ()
    "tpu.region"() ({
      %run_scoped3A = tpu.sem_alloc : memref<!tpu.dma_semaphore, #tpu.memory_space<semaphore_mem>>
      %dma_start3A = arith.constant 0 : i32
      %dma_start3A_76 = tpu.memref_slice %arg18[%add3A_34, %dma_start3A] : memref<10240x64xf32, #tpu.memory_space<vmem_shared>> -> memref<128x64xf32, #tpu.memory_space<vmem_shared>>
      %dma_start3A_77 = arith.constant 0 : i32
      %dma_start3A_78 = tpu.memref_slice %arg18[%add3A_34, %dma_start3A_77] : memref<10240x64xf32, #tpu.memory_space<vmem_shared>> -> memref<128x64xf32, #tpu.memory_space<vmem_shared>>
      tpu.enqueue_dma source(%arg15 : memref<128x64xf32, #tpu.memory_space<vmem>>) target(%dma_start3A_78 : memref<128x64xf32, #tpu.memory_space<vmem_shared>>) target_semaphore(%run_scoped3A : memref<!tpu.dma_semaphore, #tpu.memory_space<semaphore_mem>>)
      %dma_wait3A = arith.constant 0 : i32
      %dma_wait3A_79 = tpu.memref_slice %arg18[%add3A_34, %dma_wait3A] : memref<10240x64xf32, #tpu.memory_space<vmem_shared>> -> memref<128x64xf32, #tpu.memory_space<vmem_shared>>
      %dma_wait3A_80 = arith.constant 0 : i32
      %dma_wait3A_81 = tpu.memref_slice %arg18[%add3A_34, %dma_wait3A_80] : memref<10240x64xf32, #tpu.memory_space<vmem_shared>> -> memref<128x64xf32, #tpu.memory_space<vmem_shared>>
      tpu.wait_dma2 semaphore(%run_scoped3A : memref<!tpu.dma_semaphore, #tpu.memory_space<semaphore_mem>>) src(%arg15 : memref<128x64xf32, #tpu.memory_space<vmem>>) dst(%dma_wait3A_81 : memref<128x64xf32, #tpu.memory_space<vmem_shared>>)
      tpu.yield
    }) : () -> ()
    %barrier3A = arith.constant 0 : index
    tpu.barrier barrier_id(%barrier3A)
    %scan3A_35 = arith.constant 0 : i32
    %scan3A_36 = arith.constant 0 : i32
    %scan3A_37 = arith.constant 164 : i32
    %scan3A_38 = arith.addi %scan3A_36, %scan3A_37 : i32
    %scan3A_39 = arith.constant 1 : i32
    %scan3A_40 = scf.for %scan3A_76 = %scan3A_36 to %scan3A_38 step %scan3A_39 iter_args(%scan3A_77 = %scan3A_35) -> (i32)  : i32 {
      "tpu.region"() ({
        %run_scoped3A = tpu.sem_alloc : memref<!tpu.dma_semaphore, #tpu.memory_space<semaphore_mem>>
        %dma_start3A = arith.constant 0 : i32
        %dma_start3A_86 = tpu.memref_slice %arg9[%scan3A_76, %dma_start3A] : memref<164x128xi32, #tpu.memory_space<vmem>> -> memref<1x128xi32, #tpu.memory_space<vmem>>
        %dma_start3A_87 = tpu.memref_squeeze %dma_start3A_86 : memref<1x128xi32, #tpu.memory_space<vmem>> -> memref<128xi32, #tpu.memory_space<vmem>>
        %dma_start3A_88 = arith.constant 0 : i32
        %dma_start3A_89 = arith.constant 0 : i32
        %dma_start3A_90 = tpu.memref_slice %arg3[%dma_start3A_88, %dma_start3A_89] : memref<20480x16xf32, #tpu.memory_space<hbm>> -> memref<20480x16xf32, #tpu.memory_space<hbm>>
        tpu.enqueue_indirect_dma source(%dma_start3A_90 : memref<20480x16xf32, #tpu.memory_space<hbm>>) target(%arg11 : memref<128x16xf32, #tpu.memory_space<vmem>>) offsets(%dma_start3A_87 : memref<128xi32, #tpu.memory_space<vmem>>) semaphore(%run_scoped3A : memref<!tpu.dma_semaphore, #tpu.memory_space<semaphore_mem>>)
        %dma_wait3A = arith.constant 0 : i32
        %dma_wait3A_91 = tpu.memref_slice %arg9[%scan3A_76, %dma_wait3A] : memref<164x128xi32, #tpu.memory_space<vmem>> -> memref<1x128xi32, #tpu.memory_space<vmem>>
        %dma_wait3A_92 = tpu.memref_squeeze %dma_wait3A_91 : memref<1x128xi32, #tpu.memory_space<vmem>> -> memref<128xi32, #tpu.memory_space<vmem>>
        %dma_wait3A_93 = arith.constant 0 : i32
        %dma_wait3A_94 = arith.constant 0 : i32
        %dma_wait3A_95 = tpu.memref_slice %arg3[%dma_wait3A_93, %dma_wait3A_94] : memref<20480x16xf32, #tpu.memory_space<hbm>> -> memref<20480x16xf32, #tpu.memory_space<hbm>>
        tpu.wait_indirect_dma semaphore(%run_scoped3A : memref<!tpu.dma_semaphore, #tpu.memory_space<semaphore_mem>>) src(%dma_wait3A_95 : memref<20480x16xf32, #tpu.memory_space<hbm>>) dst(%arg11 : memref<128x16xf32, #tpu.memory_space<vmem>>)
        tpu.yield
      }) : () -> ()
      "tpu.region"() ({
        %run_scoped3A = tpu.sem_alloc : memref<!tpu.dma_semaphore, #tpu.memory_space<semaphore_mem>>
        %dma_start3A = arith.constant 0 : i32
        %dma_start3A_86 = tpu.memref_slice %arg10[%scan3A_76, %dma_start3A] : memref<164x128xi32, #tpu.memory_space<vmem>> -> memref<1x128xi32, #tpu.memory_space<vmem>>
        %dma_start3A_87 = tpu.memref_squeeze %dma_start3A_86 : memref<1x128xi32, #tpu.memory_space<vmem>> -> memref<128xi32, #tpu.memory_space<vmem>>
        %dma_start3A_88 = arith.constant 0 : i32
        %dma_start3A_89 = arith.constant 0 : i32
        %dma_start3A_90 = tpu.memref_slice %arg4[%dma_start3A_88, %dma_start3A_89] : memref<10240x16xf32, #tpu.memory_space<hbm>> -> memref<10240x16xf32, #tpu.memory_space<hbm>>
        tpu.enqueue_indirect_dma source(%dma_start3A_90 : memref<10240x16xf32, #tpu.memory_space<hbm>>) target(%arg12 : memref<128x16xf32, #tpu.memory_space<vmem>>) offsets(%dma_start3A_87 : memref<128xi32, #tpu.memory_space<vmem>>) semaphore(%run_scoped3A : memref<!tpu.dma_semaphore, #tpu.memory_space<semaphore_mem>>)
        %dma_wait3A = arith.constant 0 : i32
        %dma_wait3A_91 = tpu.memref_slice %arg10[%scan3A_76, %dma_wait3A] : memref<164x128xi32, #tpu.memory_space<vmem>> -> memref<1x128xi32, #tpu.memory_space<vmem>>
        %dma_wait3A_92 = tpu.memref_squeeze %dma_wait3A_91 : memref<1x128xi32, #tpu.memory_space<vmem>> -> memref<128xi32, #tpu.memory_space<vmem>>
        %dma_wait3A_93 = arith.constant 0 : i32
        %dma_wait3A_94 = arith.constant 0 : i32
        %dma_wait3A_95 = tpu.memref_slice %arg4[%dma_wait3A_93, %dma_wait3A_94] : memref<10240x16xf32, #tpu.memory_space<hbm>> -> memref<10240x16xf32, #tpu.memory_space<hbm>>
        tpu.wait_indirect_dma semaphore(%run_scoped3A : memref<!tpu.dma_semaphore, #tpu.memory_space<semaphore_mem>>) src(%dma_wait3A_95 : memref<10240x16xf32, #tpu.memory_space<hbm>>) dst(%arg12 : memref<128x16xf32, #tpu.memory_space<vmem>>)
        tpu.yield
      }) : () -> ()
      %scan3A_78 = arith.constant 0 : i32
      %scan3A_79 = arith.constant 0 : i32
      %scan3A_80 = arith.constant 128 : i32
      %scan3A_81 = arith.addi %scan3A_79, %scan3A_80 : i32
      %scan3A_82 = arith.constant 1 : i32
      %scan3A_83 = scf.for %scan3A_86 = %scan3A_79 to %scan3A_81 step %scan3A_82 iter_args(%scan3A_87 = %scan3A_78) -> (i32)  : i32 {
        %get3A_88 = arith.index_cast %scan3A_86 : i32 to index
        %get3A_89 = arith.constant 0 : index
        %get3A_90 = tpu.vector_load %arg11[%get3A_88, %get3A_89] {strides = array<i32>} : memref<128x16xf32, #tpu.memory_space<vmem>>, vector<1x16xf32>,
        %get3A_91 = vector.shape_cast %get3A_90 : vector<1x16xf32> to vector<16xf32>
        %get3A_92 = arith.index_cast %scan3A_86 : i32 to index
        %get3A_93 = arith.constant 0 : index
        %get3A_94 = tpu.vector_load %arg12[%get3A_92, %get3A_93] {strides = array<i32>} : memref<128x16xf32, #tpu.memory_space<vmem>>, vector<1x16xf32>,
        %get3A_95 = vector.shape_cast %get3A_94 : vector<1x16xf32> to vector<16xf32>
        %add3A_96 = arith.addf %get3A_91, %get3A_95 : vector<16xf32>
        %ge3A = arith.constant 0.000000e+00 : f32
        %ge3A_97 = vector.broadcast %ge3A : f32 to vector<16xf32>
        %ge3A_98 = arith.cmpf oge, %add3A_96, %ge3A_97 : vector<16xf32>
        %mul3A_99 = arith.constant 2.000000e-01 : f32
        %mul3A_100 = vector.broadcast %mul3A_99 : f32 to vector<16xf32>
        %mul3A_101 = arith.mulf %add3A_96, %mul3A_100 : vector<16xf32>
        %select_n3A = arith.select %ge3A_98, %add3A_96, %mul3A_101 : vector<16xi1>, vector<16xf32>
        %sub3A = arith.subf %select_n3A, %get3A_2 : vector<16xf32>
        %exp3A = math.exp %sub3A : vector<16xf32>
        %swap3A = arith.index_cast %scan3A_86 : i32 to index
        %swap3A_102 = arith.constant 0 : index
        %swap3A_103 = tpu.vector_load %arg13[%swap3A, %swap3A_102] {strides = array<i32>} : memref<128x16xf32, #tpu.memory_space<vmem>>, vector<1x16xf32>,
        %swap3A_104 = vector.shape_cast %swap3A_103 : vector<1x16xf32> to vector<16xf32>
        %swap3A_105 = vector.shape_cast %exp3A : vector<16xf32> to vector<1x16xf32>
        tpu.vector_store %arg13[%swap3A, %swap3A_102], %swap3A_105 {strides = array<i32>} : memref<128x16xf32, #tpu.memory_space<vmem>>, vector<1x16xf32>,
        %scan3A_106 = arith.constant 0 : i32
        scf.yield %scan3A_106 : i32
      }
      %scan3A_84 = arith.constant 128 : i32
      "tpu.region"() ({
        %run_scoped3A = tpu.sem_alloc : memref<!tpu.dma_semaphore, #tpu.memory_space<semaphore_mem>>
        %dma_start3A = arith.constant 0 : i32
        %dma_start3A_86 = tpu.memref_slice %arg10[%scan3A_76, %dma_start3A] : memref<164x128xi32, #tpu.memory_space<vmem>> -> memref<1x128xi32, #tpu.memory_space<vmem>>
        %dma_start3A_87 = tpu.memref_squeeze %dma_start3A_86 : memref<1x128xi32, #tpu.memory_space<vmem>> -> memref<128xi32, #tpu.memory_space<vmem>>
        %dma_start3A_88 = arith.constant 0 : i32
        %dma_start3A_89 = arith.constant 0 : i32
        %dma_start3A_90 = tpu.memref_slice %arg17[%dma_start3A_88, %dma_start3A_89] : memref<10240x16xf32, #tpu.memory_space<vmem_shared>> -> memref<10240x16xf32, #tpu.memory_space<vmem_shared>>
        tpu.enqueue_indirect_dma source(%arg13 : memref<128x16xf32, #tpu.memory_space<vmem>>) target(%dma_start3A_90 : memref<10240x16xf32, #tpu.memory_space<vmem_shared>>) offsets(%dma_start3A_87 : memref<128xi32, #tpu.memory_space<vmem>>) semaphore(%run_scoped3A : memref<!tpu.dma_semaphore, #tpu.memory_space<semaphore_mem>>) {add = true}
        %dma_wait3A = arith.constant 0 : i32
        %dma_wait3A_91 = tpu.memref_slice %arg10[%scan3A_76, %dma_wait3A] : memref<164x128xi32, #tpu.memory_space<vmem>> -> memref<1x128xi32, #tpu.memory_space<vmem>>
        %dma_wait3A_92 = tpu.memref_squeeze %dma_wait3A_91 : memref<1x128xi32, #tpu.memory_space<vmem>> -> memref<128xi32, #tpu.memory_space<vmem>>
        %dma_wait3A_93 = arith.constant 0 : i32
        %dma_wait3A_94 = arith.constant 0 : i32
        %dma_wait3A_95 = tpu.memref_slice %arg17[%dma_wait3A_93, %dma_wait3A_94] : memref<10240x16xf32, #tpu.memory_space<vmem_shared>> -> memref<10240x16xf32, #tpu.memory_space<vmem_shared>>
        tpu.wait_indirect_dma semaphore(%run_scoped3A : memref<!tpu.dma_semaphore, #tpu.memory_space<semaphore_mem>>) src(%arg13 : memref<128x16xf32, #tpu.memory_space<vmem>>) dst(%dma_wait3A_95 : memref<10240x16xf32, #tpu.memory_space<vmem_shared>>)
        tpu.yield
      }) : () -> ()
      %scan3A_85 = arith.constant 0 : i32
      scf.yield %scan3A_85 : i32
    }
    %scan3A_41 = arith.constant 164 : i32
    %barrier3A_42 = arith.constant 0 : index
    tpu.barrier barrier_id(%barrier3A_42)
    %scan3A_43 = arith.constant 0 : i32
    %scan3A_44 = arith.constant 0 : i32
    %scan3A_45 = arith.constant 164 : i32
    %scan3A_46 = arith.addi %scan3A_44, %scan3A_45 : i32
    %scan3A_47 = arith.constant 1 : i32
    %scan3A_48 = scf.for %scan3A_76 = %scan3A_44 to %scan3A_46 step %scan3A_47 iter_args(%scan3A_77 = %scan3A_43) -> (i32)  : i32 {
      "tpu.region"() ({
        %run_scoped3A = tpu.sem_alloc : memref<!tpu.dma_semaphore, #tpu.memory_space<semaphore_mem>>
        %dma_start3A = arith.constant 0 : i32
        %dma_start3A_86 = tpu.memref_slice %arg9[%scan3A_76, %dma_start3A] : memref<164x128xi32, #tpu.memory_space<vmem>> -> memref<1x128xi32, #tpu.memory_space<vmem>>
        %dma_start3A_87 = tpu.memref_squeeze %dma_start3A_86 : memref<1x128xi32, #tpu.memory_space<vmem>> -> memref<128xi32, #tpu.memory_space<vmem>>
        %dma_start3A_88 = arith.constant 0 : i32
        %dma_start3A_89 = arith.constant 0 : i32
        %dma_start3A_90 = tpu.memref_slice %arg3[%dma_start3A_88, %dma_start3A_89] : memref<20480x16xf32, #tpu.memory_space<hbm>> -> memref<20480x16xf32, #tpu.memory_space<hbm>>
        tpu.enqueue_indirect_dma source(%dma_start3A_90 : memref<20480x16xf32, #tpu.memory_space<hbm>>) target(%arg11 : memref<128x16xf32, #tpu.memory_space<vmem>>) offsets(%dma_start3A_87 : memref<128xi32, #tpu.memory_space<vmem>>) semaphore(%run_scoped3A : memref<!tpu.dma_semaphore, #tpu.memory_space<semaphore_mem>>)
        %dma_wait3A = arith.constant 0 : i32
        %dma_wait3A_91 = tpu.memref_slice %arg9[%scan3A_76, %dma_wait3A] : memref<164x128xi32, #tpu.memory_space<vmem>> -> memref<1x128xi32, #tpu.memory_space<vmem>>
        %dma_wait3A_92 = tpu.memref_squeeze %dma_wait3A_91 : memref<1x128xi32, #tpu.memory_space<vmem>> -> memref<128xi32, #tpu.memory_space<vmem>>
        %dma_wait3A_93 = arith.constant 0 : i32
        %dma_wait3A_94 = arith.constant 0 : i32
        %dma_wait3A_95 = tpu.memref_slice %arg3[%dma_wait3A_93, %dma_wait3A_94] : memref<20480x16xf32, #tpu.memory_space<hbm>> -> memref<20480x16xf32, #tpu.memory_space<hbm>>
        tpu.wait_indirect_dma semaphore(%run_scoped3A : memref<!tpu.dma_semaphore, #tpu.memory_space<semaphore_mem>>) src(%dma_wait3A_95 : memref<20480x16xf32, #tpu.memory_space<hbm>>) dst(%arg11 : memref<128x16xf32, #tpu.memory_space<vmem>>)
        tpu.yield
      }) : () -> ()
      "tpu.region"() ({
        %run_scoped3A = tpu.sem_alloc : memref<!tpu.dma_semaphore, #tpu.memory_space<semaphore_mem>>
        %dma_start3A = arith.constant 0 : i32
        %dma_start3A_86 = tpu.memref_slice %arg10[%scan3A_76, %dma_start3A] : memref<164x128xi32, #tpu.memory_space<vmem>> -> memref<1x128xi32, #tpu.memory_space<vmem>>
        %dma_start3A_87 = tpu.memref_squeeze %dma_start3A_86 : memref<1x128xi32, #tpu.memory_space<vmem>> -> memref<128xi32, #tpu.memory_space<vmem>>
        %dma_start3A_88 = arith.constant 0 : i32
        %dma_start3A_89 = arith.constant 0 : i32
        %dma_start3A_90 = tpu.memref_slice %arg4[%dma_start3A_88, %dma_start3A_89] : memref<10240x16xf32, #tpu.memory_space<hbm>> -> memref<10240x16xf32, #tpu.memory_space<hbm>>
        tpu.enqueue_indirect_dma source(%dma_start3A_90 : memref<10240x16xf32, #tpu.memory_space<hbm>>) target(%arg12 : memref<128x16xf32, #tpu.memory_space<vmem>>) offsets(%dma_start3A_87 : memref<128xi32, #tpu.memory_space<vmem>>) semaphore(%run_scoped3A : memref<!tpu.dma_semaphore, #tpu.memory_space<semaphore_mem>>)
        %dma_wait3A = arith.constant 0 : i32
        %dma_wait3A_91 = tpu.memref_slice %arg10[%scan3A_76, %dma_wait3A] : memref<164x128xi32, #tpu.memory_space<vmem>> -> memref<1x128xi32, #tpu.memory_space<vmem>>
        %dma_wait3A_92 = tpu.memref_squeeze %dma_wait3A_91 : memref<1x128xi32, #tpu.memory_space<vmem>> -> memref<128xi32, #tpu.memory_space<vmem>>
        %dma_wait3A_93 = arith.constant 0 : i32
        %dma_wait3A_94 = arith.constant 0 : i32
        %dma_wait3A_95 = tpu.memref_slice %arg4[%dma_wait3A_93, %dma_wait3A_94] : memref<10240x16xf32, #tpu.memory_space<hbm>> -> memref<10240x16xf32, #tpu.memory_space<hbm>>
        tpu.wait_indirect_dma semaphore(%run_scoped3A : memref<!tpu.dma_semaphore, #tpu.memory_space<semaphore_mem>>) src(%dma_wait3A_95 : memref<10240x16xf32, #tpu.memory_space<hbm>>) dst(%arg12 : memref<128x16xf32, #tpu.memory_space<vmem>>)
        tpu.yield
      }) : () -> ()
      "tpu.region"() ({
        %run_scoped3A = tpu.sem_alloc : memref<!tpu.dma_semaphore, #tpu.memory_space<semaphore_mem>>
        %dma_start3A = arith.constant 0 : i32
        %dma_start3A_86 = tpu.memref_slice %arg9[%scan3A_76, %dma_start3A] : memref<164x128xi32, #tpu.memory_space<vmem>> -> memref<1x128xi32, #tpu.memory_space<vmem>>
        %dma_start3A_87 = tpu.memref_squeeze %dma_start3A_86 : memref<1x128xi32, #tpu.memory_space<vmem>> -> memref<128xi32, #tpu.memory_space<vmem>>
        %dma_start3A_88 = arith.constant 0 : i32
        %dma_start3A_89 = arith.constant 0 : i32
        %dma_start3A_90 = tpu.memref_slice %arg2[%dma_start3A_88, %dma_start3A_89] : memref<20480x64xf32, #tpu.memory_space<hbm>> -> memref<20480x64xf32, #tpu.memory_space<hbm>>
        tpu.enqueue_indirect_dma source(%dma_start3A_90 : memref<20480x64xf32, #tpu.memory_space<hbm>>) target(%arg15 : memref<128x64xf32, #tpu.memory_space<vmem>>) offsets(%dma_start3A_87 : memref<128xi32, #tpu.memory_space<vmem>>) semaphore(%run_scoped3A : memref<!tpu.dma_semaphore, #tpu.memory_space<semaphore_mem>>)
        %dma_wait3A = arith.constant 0 : i32
        %dma_wait3A_91 = tpu.memref_slice %arg9[%scan3A_76, %dma_wait3A] : memref<164x128xi32, #tpu.memory_space<vmem>> -> memref<1x128xi32, #tpu.memory_space<vmem>>
        %dma_wait3A_92 = tpu.memref_squeeze %dma_wait3A_91 : memref<1x128xi32, #tpu.memory_space<vmem>> -> memref<128xi32, #tpu.memory_space<vmem>>
        %dma_wait3A_93 = arith.constant 0 : i32
        %dma_wait3A_94 = arith.constant 0 : i32
        %dma_wait3A_95 = tpu.memref_slice %arg2[%dma_wait3A_93, %dma_wait3A_94] : memref<20480x64xf32, #tpu.memory_space<hbm>> -> memref<20480x64xf32, #tpu.memory_space<hbm>>
        tpu.wait_indirect_dma semaphore(%run_scoped3A : memref<!tpu.dma_semaphore, #tpu.memory_space<semaphore_mem>>) src(%dma_wait3A_95 : memref<20480x64xf32, #tpu.memory_space<hbm>>) dst(%arg15 : memref<128x64xf32, #tpu.memory_space<vmem>>)
        tpu.yield
      }) : () -> ()
      "tpu.region"() ({
        %run_scoped3A = tpu.sem_alloc : memref<!tpu.dma_semaphore, #tpu.memory_space<semaphore_mem>>
        %dma_start3A = arith.constant 0 : i32
        %dma_start3A_86 = tpu.memref_slice %arg10[%scan3A_76, %dma_start3A] : memref<164x128xi32, #tpu.memory_space<vmem>> -> memref<1x128xi32, #tpu.memory_space<vmem>>
        %dma_start3A_87 = tpu.memref_squeeze %dma_start3A_86 : memref<1x128xi32, #tpu.memory_space<vmem>> -> memref<128xi32, #tpu.memory_space<vmem>>
        %dma_start3A_88 = arith.constant 0 : i32
        %dma_start3A_89 = arith.constant 0 : i32
        %dma_start3A_90 = tpu.memref_slice %arg17[%dma_start3A_88, %dma_start3A_89] : memref<10240x16xf32, #tpu.memory_space<vmem_shared>> -> memref<10240x16xf32, #tpu.memory_space<vmem_shared>>
        tpu.enqueue_indirect_dma source(%dma_start3A_90 : memref<10240x16xf32, #tpu.memory_space<vmem_shared>>) target(%arg14 : memref<128x16xf32, #tpu.memory_space<vmem>>) offsets(%dma_start3A_87 : memref<128xi32, #tpu.memory_space<vmem>>) semaphore(%run_scoped3A : memref<!tpu.dma_semaphore, #tpu.memory_space<semaphore_mem>>)
        %dma_wait3A = arith.constant 0 : i32
        %dma_wait3A_91 = tpu.memref_slice %arg10[%scan3A_76, %dma_wait3A] : memref<164x128xi32, #tpu.memory_space<vmem>> -> memref<1x128xi32, #tpu.memory_space<vmem>>
        %dma_wait3A_92 = tpu.memref_squeeze %dma_wait3A_91 : memref<1x128xi32, #tpu.memory_space<vmem>> -> memref<128xi32, #tpu.memory_space<vmem>>
        %dma_wait3A_93 = arith.constant 0 : i32
        %dma_wait3A_94 = arith.constant 0 : i32
        %dma_wait3A_95 = tpu.memref_slice %arg17[%dma_wait3A_93, %dma_wait3A_94] : memref<10240x16xf32, #tpu.memory_space<vmem_shared>> -> memref<10240x16xf32, #tpu.memory_space<vmem_shared>>
        tpu.wait_indirect_dma semaphore(%run_scoped3A : memref<!tpu.dma_semaphore, #tpu.memory_space<semaphore_mem>>) src(%dma_wait3A_95 : memref<10240x16xf32, #tpu.memory_space<vmem_shared>>) dst(%arg14 : memref<128x16xf32, #tpu.memory_space<vmem>>)
        tpu.yield
      }) : () -> ()
      %scan3A_78 = arith.constant 0 : i32
      %scan3A_79 = arith.constant 0 : i32
      %scan3A_80 = arith.constant 128 : i32
      %scan3A_81 = arith.addi %scan3A_79, %scan3A_80 : i32
      %scan3A_82 = arith.constant 1 : i32
      %scan3A_83 = scf.for %scan3A_86 = %scan3A_79 to %scan3A_81 step %scan3A_82 iter_args(%scan3A_87 = %scan3A_78) -> (i32)  : i32 {
        %get3A_88 = arith.index_cast %scan3A_86 : i32 to index
        %get3A_89 = arith.constant 0 : index
        %get3A_90 = tpu.vector_load %arg11[%get3A_88, %get3A_89] {strides = array<i32>} : memref<128x16xf32, #tpu.memory_space<vmem>>, vector<1x16xf32>,
        %get3A_91 = vector.shape_cast %get3A_90 : vector<1x16xf32> to vector<16xf32>
        %get3A_92 = arith.index_cast %scan3A_86 : i32 to index
        %get3A_93 = arith.constant 0 : index
        %get3A_94 = tpu.vector_load %arg12[%get3A_92, %get3A_93] {strides = array<i32>} : memref<128x16xf32, #tpu.memory_space<vmem>>, vector<1x16xf32>,
        %get3A_95 = vector.shape_cast %get3A_94 : vector<1x16xf32> to vector<16xf32>
        %add3A_96 = arith.addf %get3A_91, %get3A_95 : vector<16xf32>
        %ge3A = arith.constant 0.000000e+00 : f32
        %ge3A_97 = vector.broadcast %ge3A : f32 to vector<16xf32>
        %ge3A_98 = arith.cmpf oge, %add3A_96, %ge3A_97 : vector<16xf32>
        %mul3A_99 = arith.constant 2.000000e-01 : f32
        %mul3A_100 = vector.broadcast %mul3A_99 : f32 to vector<16xf32>
        %mul3A_101 = arith.mulf %add3A_96, %mul3A_100 : vector<16xf32>
        %select_n3A = arith.select %ge3A_98, %add3A_96, %mul3A_101 : vector<16xi1>, vector<16xf32>
        %sub3A = arith.subf %select_n3A, %get3A_2 : vector<16xf32>
        %exp3A = math.exp %sub3A : vector<16xf32>
        %get3A_102 = arith.index_cast %scan3A_86 : i32 to index
        %get3A_103 = arith.constant 0 : index
        %get3A_104 = tpu.vector_load %arg14[%get3A_102, %get3A_103] {strides = array<i32>} : memref<128x16xf32, #tpu.memory_space<vmem>>, vector<1x16xf32>,
        %get3A_105 = vector.shape_cast %get3A_104 : vector<1x16xf32> to vector<16xf32>
        %add3A_106 = arith.constant 1.000000e-16 : f32
        %add3A_107 = vector.broadcast %add3A_106 : f32 to vector<16xf32>
        %add3A_108 = arith.addf %get3A_105, %add3A_107 : vector<16xf32>
        %div3A = arith.divf %exp3A, %add3A_108 : vector<16xf32>
        %mul3A_109 = arith.constant 2 : i32
        %mul3A_110 = arith.muli %arg0, %mul3A_109 : i32
        %add3A_111 = arith.constant 0 : i32
        %add3A_112 = arith.addi %mul3A_110, %add3A_111 : i32
        %broadcast_in_dim3A = vector.broadcast %add3A_112 : i32 to vector<16xi32>
        %lt3A = arith.constant 0 : i32
        %lt3A_113 = vector.broadcast %lt3A : i32 to vector<16xi32>
        %lt3A_114 = arith.cmpi slt, %broadcast_in_dim3A, %lt3A_113 : vector<16xi32>
        %add3A_115 = arith.constant 16 : i32
        %add3A_116 = vector.broadcast %add3A_115 : i32 to vector<16xi32>
        %add3A_117 = arith.addi %broadcast_in_dim3A, %add3A_116 : vector<16xi32>
        %select_n3A_118 = arith.select %lt3A_114, %add3A_117, %broadcast_in_dim3A : vector<16xi1>, vector<16xi32>
        %broadcast_in_dim3A_119 = vector.shape_cast %select_n3A_118 : vector<16xi32> to vector<16x1xi32>
        %gather3A = vector.shape_cast %broadcast_in_dim3A_119 : vector<16x1xi32> to vector<16xi32>
        %gather3A_120 = tpu.dynamic_gather %div3A[%gather3A] in [0] : vector<16xf32>, vector<16xi32> -> vector<16xf32>
        %get3A_121 = arith.index_cast %scan3A_86 : i32 to index
        %get3A_122 = arith.constant 0 : index
        %get3A_123 = tpu.vector_load %arg15[%get3A_121, %get3A_122] {strides = array<i32>} : memref<128x64xf32, #tpu.memory_space<vmem>>, vector<1x16xf32>,
        %get3A_124 = vector.shape_cast %get3A_123 : vector<1x16xf32> to vector<16xf32>
        %mul3A_125 = arith.mulf %get3A_124, %gather3A_120 : vector<16xf32>
        %swap3A = arith.index_cast %scan3A_86 : i32 to index
        %swap3A_126 = arith.constant 0 : index
        %swap3A_127 = tpu.vector_load %arg15[%swap3A, %swap3A_126] {strides = array<i32>} : memref<128x64xf32, #tpu.memory_space<vmem>>, vector<1x16xf32>,
        %swap3A_128 = vector.shape_cast %swap3A_127 : vector<1x16xf32> to vector<16xf32>
        %swap3A_129 = vector.shape_cast %mul3A_125 : vector<16xf32> to vector<1x16xf32>
        tpu.vector_store %arg15[%swap3A, %swap3A_126], %swap3A_129 {strides = array<i32>} : memref<128x64xf32, #tpu.memory_space<vmem>>, vector<1x16xf32>,
        %mul3A_130 = arith.constant 2 : i32
        %mul3A_131 = arith.muli %arg0, %mul3A_130 : i32
        %add3A_132 = arith.constant 0 : i32
        %add3A_133 = arith.addi %mul3A_131, %add3A_132 : i32
        %broadcast_in_dim3A_134 = vector.broadcast %add3A_133 : i32 to vector<16xi32>
        %lt3A_135 = arith.constant 0 : i32
        %lt3A_136 = vector.broadcast %lt3A_135 : i32 to vector<16xi32>
        %lt3A_137 = arith.cmpi slt, %broadcast_in_dim3A_134, %lt3A_136 : vector<16xi32>
        %add3A_138 = arith.constant 16 : i32
        %add3A_139 = vector.broadcast %add3A_138 : i32 to vector<16xi32>
        %add3A_140 = arith.addi %broadcast_in_dim3A_134, %add3A_139 : vector<16xi32>
        %select_n3A_141 = arith.select %lt3A_137, %add3A_140, %broadcast_in_dim3A_134 : vector<16xi1>, vector<16xi32>
        %broadcast_in_dim3A_142 = vector.shape_cast %select_n3A_141 : vector<16xi32> to vector<16x1xi32>
        %gather3A_143 = vector.shape_cast %broadcast_in_dim3A_142 : vector<16x1xi32> to vector<16xi32>
        %gather3A_144 = tpu.dynamic_gather %div3A[%gather3A_143] in [0] : vector<16xf32>, vector<16xi32> -> vector<16xf32>
        %get3A_145 = arith.index_cast %scan3A_86 : i32 to index
        %get3A_146 = arith.constant 16 : index
        %get3A_147 = tpu.vector_load %arg15[%get3A_145, %get3A_146] {strides = array<i32>} : memref<128x64xf32, #tpu.memory_space<vmem>>, vector<1x16xf32>,
        %get3A_148 = vector.shape_cast %get3A_147 : vector<1x16xf32> to vector<16xf32>
        %mul3A_149 = arith.mulf %get3A_148, %gather3A_144 : vector<16xf32>
        %swap3A_150 = arith.index_cast %scan3A_86 : i32 to index
        %swap3A_151 = arith.constant 16 : index
        %swap3A_152 = tpu.vector_load %arg15[%swap3A_150, %swap3A_151] {strides = array<i32>} : memref<128x64xf32, #tpu.memory_space<vmem>>, vector<1x16xf32>,
        %swap3A_153 = vector.shape_cast %swap3A_152 : vector<1x16xf32> to vector<16xf32>
        %swap3A_154 = vector.shape_cast %mul3A_149 : vector<16xf32> to vector<1x16xf32>
        tpu.vector_store %arg15[%swap3A_150, %swap3A_151], %swap3A_154 {strides = array<i32>} : memref<128x64xf32, #tpu.memory_space<vmem>>, vector<1x16xf32>,
        %mul3A_155 = arith.constant 2 : i32
        %mul3A_156 = arith.muli %arg0, %mul3A_155 : i32
        %add3A_157 = arith.constant 1 : i32
        %add3A_158 = arith.addi %mul3A_156, %add3A_157 : i32
        %broadcast_in_dim3A_159 = vector.broadcast %add3A_158 : i32 to vector<16xi32>
        %lt3A_160 = arith.constant 0 : i32
        %lt3A_161 = vector.broadcast %lt3A_160 : i32 to vector<16xi32>
        %lt3A_162 = arith.cmpi slt, %broadcast_in_dim3A_159, %lt3A_161 : vector<16xi32>
        %add3A_163 = arith.constant 16 : i32
        %add3A_164 = vector.broadcast %add3A_163 : i32 to vector<16xi32>
        %add3A_165 = arith.addi %broadcast_in_dim3A_159, %add3A_164 : vector<16xi32>
        %select_n3A_166 = arith.select %lt3A_162, %add3A_165, %broadcast_in_dim3A_159 : vector<16xi1>, vector<16xi32>
        %broadcast_in_dim3A_167 = vector.shape_cast %select_n3A_166 : vector<16xi32> to vector<16x1xi32>
        %gather3A_168 = vector.shape_cast %broadcast_in_dim3A_167 : vector<16x1xi32> to vector<16xi32>
        %gather3A_169 = tpu.dynamic_gather %div3A[%gather3A_168] in [0] : vector<16xf32>, vector<16xi32> -> vector<16xf32>
        %get3A_170 = arith.index_cast %scan3A_86 : i32 to index
        %get3A_171 = arith.constant 32 : index
        %get3A_172 = tpu.vector_load %arg15[%get3A_170, %get3A_171] {strides = array<i32>} : memref<128x64xf32, #tpu.memory_space<vmem>>, vector<1x16xf32>,
        %get3A_173 = vector.shape_cast %get3A_172 : vector<1x16xf32> to vector<16xf32>
        %mul3A_174 = arith.mulf %get3A_173, %gather3A_169 : vector<16xf32>
        %swap3A_175 = arith.index_cast %scan3A_86 : i32 to index
        %swap3A_176 = arith.constant 32 : index
        %swap3A_177 = tpu.vector_load %arg15[%swap3A_175, %swap3A_176] {strides = array<i32>} : memref<128x64xf32, #tpu.memory_space<vmem>>, vector<1x16xf32>,
        %swap3A_178 = vector.shape_cast %swap3A_177 : vector<1x16xf32> to vector<16xf32>
        %swap3A_179 = vector.shape_cast %mul3A_174 : vector<16xf32> to vector<1x16xf32>
        tpu.vector_store %arg15[%swap3A_175, %swap3A_176], %swap3A_179 {strides = array<i32>} : memref<128x64xf32, #tpu.memory_space<vmem>>, vector<1x16xf32>,
        %mul3A_180 = arith.constant 2 : i32
        %mul3A_181 = arith.muli %arg0, %mul3A_180 : i32
        %add3A_182 = arith.constant 1 : i32
        %add3A_183 = arith.addi %mul3A_181, %add3A_182 : i32
        %broadcast_in_dim3A_184 = vector.broadcast %add3A_183 : i32 to vector<16xi32>
        %lt3A_185 = arith.constant 0 : i32
        %lt3A_186 = vector.broadcast %lt3A_185 : i32 to vector<16xi32>
        %lt3A_187 = arith.cmpi slt, %broadcast_in_dim3A_184, %lt3A_186 : vector<16xi32>
        %add3A_188 = arith.constant 16 : i32
        %add3A_189 = vector.broadcast %add3A_188 : i32 to vector<16xi32>
        %add3A_190 = arith.addi %broadcast_in_dim3A_184, %add3A_189 : vector<16xi32>
        %select_n3A_191 = arith.select %lt3A_187, %add3A_190, %broadcast_in_dim3A_184 : vector<16xi1>, vector<16xi32>
        %broadcast_in_dim3A_192 = vector.shape_cast %select_n3A_191 : vector<16xi32> to vector<16x1xi32>
        %gather3A_193 = vector.shape_cast %broadcast_in_dim3A_192 : vector<16x1xi32> to vector<16xi32>
        %gather3A_194 = tpu.dynamic_gather %div3A[%gather3A_193] in [0] : vector<16xf32>, vector<16xi32> -> vector<16xf32>
        %get3A_195 = arith.index_cast %scan3A_86 : i32 to index
        %get3A_196 = arith.constant 48 : index
        %get3A_197 = tpu.vector_load %arg15[%get3A_195, %get3A_196] {strides = array<i32>} : memref<128x64xf32, #tpu.memory_space<vmem>>, vector<1x16xf32>,
        %get3A_198 = vector.shape_cast %get3A_197 : vector<1x16xf32> to vector<16xf32>
        %mul3A_199 = arith.mulf %get3A_198, %gather3A_194 : vector<16xf32>
        %swap3A_200 = arith.index_cast %scan3A_86 : i32 to index
        %swap3A_201 = arith.constant 48 : index
        %swap3A_202 = tpu.vector_load %arg15[%swap3A_200, %swap3A_201] {strides = array<i32>} : memref<128x64xf32, #tpu.memory_space<vmem>>, vector<1x16xf32>,
        %swap3A_203 = vector.shape_cast %swap3A_202 : vector<1x16xf32> to vector<16xf32>
        %swap3A_204 = vector.shape_cast %mul3A_199 : vector<16xf32> to vector<1x16xf32>
        tpu.vector_store %arg15[%swap3A_200, %swap3A_201], %swap3A_204 {strides = array<i32>} : memref<128x64xf32, #tpu.memory_space<vmem>>, vector<1x16xf32>,
        %scan3A_205 = arith.constant 0 : i32
        scf.yield %scan3A_205 : i32
      }
      %scan3A_84 = arith.constant 128 : i32
      "tpu.region"() ({
        %run_scoped3A = tpu.sem_alloc : memref<!tpu.dma_semaphore, #tpu.memory_space<semaphore_mem>>
        %dma_start3A = arith.constant 0 : i32
        %dma_start3A_86 = tpu.memref_slice %arg10[%scan3A_76, %dma_start3A] : memref<164x128xi32, #tpu.memory_space<vmem>> -> memref<1x128xi32, #tpu.memory_space<vmem>>
        %dma_start3A_87 = tpu.memref_squeeze %dma_start3A_86 : memref<1x128xi32, #tpu.memory_space<vmem>> -> memref<128xi32, #tpu.memory_space<vmem>>
        %dma_start3A_88 = arith.constant 0 : i32
        %dma_start3A_89 = arith.constant 0 : i32
        %dma_start3A_90 = tpu.memref_slice %arg18[%dma_start3A_88, %dma_start3A_89] : memref<10240x64xf32, #tpu.memory_space<vmem_shared>> -> memref<10240x64xf32, #tpu.memory_space<vmem_shared>>
        tpu.enqueue_indirect_dma source(%arg15 : memref<128x64xf32, #tpu.memory_space<vmem>>) target(%dma_start3A_90 : memref<10240x64xf32, #tpu.memory_space<vmem_shared>>) offsets(%dma_start3A_87 : memref<128xi32, #tpu.memory_space<vmem>>) semaphore(%run_scoped3A : memref<!tpu.dma_semaphore, #tpu.memory_space<semaphore_mem>>) {add = true}
        %dma_wait3A = arith.constant 0 : i32
        %dma_wait3A_91 = tpu.memref_slice %arg10[%scan3A_76, %dma_wait3A] : memref<164x128xi32, #tpu.memory_space<vmem>> -> memref<1x128xi32, #tpu.memory_space<vmem>>
        %dma_wait3A_92 = tpu.memref_squeeze %dma_wait3A_91 : memref<1x128xi32, #tpu.memory_space<vmem>> -> memref<128xi32, #tpu.memory_space<vmem>>
        %dma_wait3A_93 = arith.constant 0 : i32
        %dma_wait3A_94 = arith.constant 0 : i32
        %dma_wait3A_95 = tpu.memref_slice %arg18[%dma_wait3A_93, %dma_wait3A_94] : memref<10240x64xf32, #tpu.memory_space<vmem_shared>> -> memref<10240x64xf32, #tpu.memory_space<vmem_shared>>
        tpu.wait_indirect_dma semaphore(%run_scoped3A : memref<!tpu.dma_semaphore, #tpu.memory_space<semaphore_mem>>) src(%arg15 : memref<128x64xf32, #tpu.memory_space<vmem>>) dst(%dma_wait3A_95 : memref<10240x64xf32, #tpu.memory_space<vmem_shared>>)
        tpu.yield
      }) : () -> ()
      %scan3A_85 = arith.constant 0 : i32
      scf.yield %scan3A_85 : i32
    }
    %scan3A_49 = arith.constant 164 : i32
    %barrier3A_50 = arith.constant 0 : index
    tpu.barrier barrier_id(%barrier3A_50)
    %mul3A_51 = arith.constant 640 : i32
    %mul3A_52 = arith.muli %arg1, %mul3A_51 : i32
    %add3A_53 = arith.constant 0 : i32
    %add3A_54 = arith.addi %mul3A_52, %add3A_53 : i32
    "tpu.region"() ({
      %run_scoped3A = tpu.sem_alloc : memref<!tpu.dma_semaphore, #tpu.memory_space<semaphore_mem>>
      %dma_start3A = arith.constant 0 : i32
      %dma_start3A_76 = tpu.memref_slice %arg18[%add3A_54, %dma_start3A] : memref<10240x64xf32, #tpu.memory_space<vmem_shared>> -> memref<128x64xf32, #tpu.memory_space<vmem_shared>>
      %dma_start3A_77 = arith.constant 0 : i32
      %dma_start3A_78 = tpu.memref_slice %arg18[%add3A_54, %dma_start3A_77] : memref<10240x64xf32, #tpu.memory_space<vmem_shared>> -> memref<128x64xf32, #tpu.memory_space<vmem_shared>>
      tpu.enqueue_dma source(%dma_start3A_78 : memref<128x64xf32, #tpu.memory_space<vmem_shared>>) target(%arg15 : memref<128x64xf32, #tpu.memory_space<vmem>>) target_semaphore(%run_scoped3A : memref<!tpu.dma_semaphore, #tpu.memory_space<semaphore_mem>>)
      %dma_wait3A = arith.constant 0 : i32
      %dma_wait3A_79 = tpu.memref_slice %arg18[%add3A_54, %dma_wait3A] : memref<10240x64xf32, #tpu.memory_space<vmem_shared>> -> memref<128x64xf32, #tpu.memory_space<vmem_shared>>
      %dma_wait3A_80 = arith.constant 0 : i32
      %dma_wait3A_81 = tpu.memref_slice %arg18[%add3A_54, %dma_wait3A_80] : memref<10240x64xf32, #tpu.memory_space<vmem_shared>> -> memref<128x64xf32, #tpu.memory_space<vmem_shared>>
      tpu.wait_dma2 semaphore(%run_scoped3A : memref<!tpu.dma_semaphore, #tpu.memory_space<semaphore_mem>>) src(%dma_wait3A_81 : memref<128x64xf32, #tpu.memory_space<vmem_shared>>) dst(%arg15 : memref<128x64xf32, #tpu.memory_space<vmem>>)
      tpu.yield
    }) : () -> ()
    %add3A_55 = arith.addi %mul3A_0, %add3A_54 : i32
    "tpu.region"() ({
      %run_scoped3A = tpu.sem_alloc : memref<!tpu.dma_semaphore, #tpu.memory_space<semaphore_mem>>
      %dma_start3A = arith.constant 0 : i32
      %dma_start3A_76 = tpu.memref_slice %arg8[%add3A_55, %dma_start3A] : memref<20480x64xf32, #tpu.memory_space<hbm>> -> memref<128x64xf32, #tpu.memory_space<hbm>>
      %dma_start3A_77 = arith.constant 0 : i32
      %dma_start3A_78 = tpu.memref_slice %arg8[%add3A_55, %dma_start3A_77] : memref<20480x64xf32, #tpu.memory_space<hbm>> -> memref<128x64xf32, #tpu.memory_space<hbm>>
      tpu.enqueue_dma source(%arg15 : memref<128x64xf32, #tpu.memory_space<vmem>>) target(%dma_start3A_78 : memref<128x64xf32, #tpu.memory_space<hbm>>) target_semaphore(%run_scoped3A : memref<!tpu.dma_semaphore, #tpu.memory_space<semaphore_mem>>)
      %dma_wait3A = arith.constant 0 : i32
      %dma_wait3A_79 = tpu.memref_slice %arg8[%add3A_55, %dma_wait3A] : memref<20480x64xf32, #tpu.memory_space<hbm>> -> memref<128x64xf32, #tpu.memory_space<hbm>>
      %dma_wait3A_80 = arith.constant 0 : i32
      %dma_wait3A_81 = tpu.memref_slice %arg8[%add3A_55, %dma_wait3A_80] : memref<20480x64xf32, #tpu.memory_space<hbm>> -> memref<128x64xf32, #tpu.memory_space<hbm>>
      tpu.wait_dma2 semaphore(%run_scoped3A : memref<!tpu.dma_semaphore, #tpu.memory_space<semaphore_mem>>) src(%arg15 : memref<128x64xf32, #tpu.memory_space<vmem>>) dst(%dma_wait3A_81 : memref<128x64xf32, #tpu.memory_space<hbm>>)
      tpu.yield
    }) : () -> ()
    %mul3A_56 = arith.constant 640 : i32
    %mul3A_57 = arith.muli %arg1, %mul3A_56 : i32
    %add3A_58 = arith.constant 128 : i32
    %add3A_59 = arith.addi %mul3A_57, %add3A_58 : i32
    "tpu.region"() ({
      %run_scoped3A = tpu.sem_alloc : memref<!tpu.dma_semaphore, #tpu.memory_space<semaphore_mem>>
      %dma_start3A = arith.constant 0 : i32
      %dma_start3A_76 = tpu.memref_slice %arg18[%add3A_59, %dma_start3A] : memref<10240x64xf32, #tpu.memory_space<vmem_shared>> -> memref<128x64xf32, #tpu.memory_space<vmem_shared>>
      %dma_start3A_77 = arith.constant 0 : i32
      %dma_start3A_78 = tpu.memref_slice %arg18[%add3A_59, %dma_start3A_77] : memref<10240x64xf32, #tpu.memory_space<vmem_shared>> -> memref<128x64xf32, #tpu.memory_space<vmem_shared>>
      tpu.enqueue_dma source(%dma_start3A_78 : memref<128x64xf32, #tpu.memory_space<vmem_shared>>) target(%arg15 : memref<128x64xf32, #tpu.memory_space<vmem>>) target_semaphore(%run_scoped3A : memref<!tpu.dma_semaphore, #tpu.memory_space<semaphore_mem>>)
      %dma_wait3A = arith.constant 0 : i32
      %dma_wait3A_79 = tpu.memref_slice %arg18[%add3A_59, %dma_wait3A] : memref<10240x64xf32, #tpu.memory_space<vmem_shared>> -> memref<128x64xf32, #tpu.memory_space<vmem_shared>>
      %dma_wait3A_80 = arith.constant 0 : i32
      %dma_wait3A_81 = tpu.memref_slice %arg18[%add3A_59, %dma_wait3A_80] : memref<10240x64xf32, #tpu.memory_space<vmem_shared>> -> memref<128x64xf32, #tpu.memory_space<vmem_shared>>
      tpu.wait_dma2 semaphore(%run_scoped3A : memref<!tpu.dma_semaphore, #tpu.memory_space<semaphore_mem>>) src(%dma_wait3A_81 : memref<128x64xf32, #tpu.memory_space<vmem_shared>>) dst(%arg15 : memref<128x64xf32, #tpu.memory_space<vmem>>)
      tpu.yield
    }) : () -> ()
    %add3A_60 = arith.addi %mul3A_0, %add3A_59 : i32
    "tpu.region"() ({
      %run_scoped3A = tpu.sem_alloc : memref<!tpu.dma_semaphore, #tpu.memory_space<semaphore_mem>>
      %dma_start3A = arith.constant 0 : i32
      %dma_start3A_76 = tpu.memref_slice %arg8[%add3A_60, %dma_start3A] : memref<20480x64xf32, #tpu.memory_space<hbm>> -> memref<128x64xf32, #tpu.memory_space<hbm>>
      %dma_start3A_77 = arith.constant 0 : i32
      %dma_start3A_78 = tpu.memref_slice %arg8[%add3A_60, %dma_start3A_77] : memref<20480x64xf32, #tpu.memory_space<hbm>> -> memref<128x64xf32, #tpu.memory_space<hbm>>
      tpu.enqueue_dma source(%arg15 : memref<128x64xf32, #tpu.memory_space<vmem>>) target(%dma_start3A_78 : memref<128x64xf32, #tpu.memory_space<hbm>>) target_semaphore(%run_scoped3A : memref<!tpu.dma_semaphore, #tpu.memory_space<semaphore_mem>>)
      %dma_wait3A = arith.constant 0 : i32
      %dma_wait3A_79 = tpu.memref_slice %arg8[%add3A_60, %dma_wait3A] : memref<20480x64xf32, #tpu.memory_space<hbm>> -> memref<128x64xf32, #tpu.memory_space<hbm>>
      %dma_wait3A_80 = arith.constant 0 : i32
      %dma_wait3A_81 = tpu.memref_slice %arg8[%add3A_60, %dma_wait3A_80] : memref<20480x64xf32, #tpu.memory_space<hbm>> -> memref<128x64xf32, #tpu.memory_space<hbm>>
      tpu.wait_dma2 semaphore(%run_scoped3A : memref<!tpu.dma_semaphore, #tpu.memory_space<semaphore_mem>>) src(%arg15 : memref<128x64xf32, #tpu.memory_space<vmem>>) dst(%dma_wait3A_81 : memref<128x64xf32, #tpu.memory_space<hbm>>)
      tpu.yield
    }) : () -> ()
    %mul3A_61 = arith.constant 640 : i32
    %mul3A_62 = arith.muli %arg1, %mul3A_61 : i32
    %add3A_63 = arith.constant 256 : i32
    %add3A_64 = arith.addi %mul3A_62, %add3A_63 : i32
    "tpu.region"() ({
      %run_scoped3A = tpu.sem_alloc : memref<!tpu.dma_semaphore, #tpu.memory_space<semaphore_mem>>
      %dma_start3A = arith.constant 0 : i32
      %dma_start3A_76 = tpu.memref_slice %arg18[%add3A_64, %dma_start3A] : memref<10240x64xf32, #tpu.memory_space<vmem_shared>> -> memref<128x64xf32, #tpu.memory_space<vmem_shared>>
      %dma_start3A_77 = arith.constant 0 : i32
      %dma_start3A_78 = tpu.memref_slice %arg18[%add3A_64, %dma_start3A_77] : memref<10240x64xf32, #tpu.memory_space<vmem_shared>> -> memref<128x64xf32, #tpu.memory_space<vmem_shared>>
      tpu.enqueue_dma source(%dma_start3A_78 : memref<128x64xf32, #tpu.memory_space<vmem_shared>>) target(%arg15 : memref<128x64xf32, #tpu.memory_space<vmem>>) target_semaphore(%run_scoped3A : memref<!tpu.dma_semaphore, #tpu.memory_space<semaphore_mem>>)
      %dma_wait3A = arith.constant 0 : i32
      %dma_wait3A_79 = tpu.memref_slice %arg18[%add3A_64, %dma_wait3A] : memref<10240x64xf32, #tpu.memory_space<vmem_shared>> -> memref<128x64xf32, #tpu.memory_space<vmem_shared>>
      %dma_wait3A_80 = arith.constant 0 : i32
      %dma_wait3A_81 = tpu.memref_slice %arg18[%add3A_64, %dma_wait3A_80] : memref<10240x64xf32, #tpu.memory_space<vmem_shared>> -> memref<128x64xf32, #tpu.memory_space<vmem_shared>>
      tpu.wait_dma2 semaphore(%run_scoped3A : memref<!tpu.dma_semaphore, #tpu.memory_space<semaphore_mem>>) src(%dma_wait3A_81 : memref<128x64xf32, #tpu.memory_space<vmem_shared>>) dst(%arg15 : memref<128x64xf32, #tpu.memory_space<vmem>>)
      tpu.yield
    }) : () -> ()
    %add3A_65 = arith.addi %mul3A_0, %add3A_64 : i32
    "tpu.region"() ({
      %run_scoped3A = tpu.sem_alloc : memref<!tpu.dma_semaphore, #tpu.memory_space<semaphore_mem>>
      %dma_start3A = arith.constant 0 : i32
      %dma_start3A_76 = tpu.memref_slice %arg8[%add3A_65, %dma_start3A] : memref<20480x64xf32, #tpu.memory_space<hbm>> -> memref<128x64xf32, #tpu.memory_space<hbm>>
      %dma_start3A_77 = arith.constant 0 : i32
      %dma_start3A_78 = tpu.memref_slice %arg8[%add3A_65, %dma_start3A_77] : memref<20480x64xf32, #tpu.memory_space<hbm>> -> memref<128x64xf32, #tpu.memory_space<hbm>>
      tpu.enqueue_dma source(%arg15 : memref<128x64xf32, #tpu.memory_space<vmem>>) target(%dma_start3A_78 : memref<128x64xf32, #tpu.memory_space<hbm>>) target_semaphore(%run_scoped3A : memref<!tpu.dma_semaphore, #tpu.memory_space<semaphore_mem>>)
      %dma_wait3A = arith.constant 0 : i32
      %dma_wait3A_79 = tpu.memref_slice %arg8[%add3A_65, %dma_wait3A] : memref<20480x64xf32, #tpu.memory_space<hbm>> -> memref<128x64xf32, #tpu.memory_space<hbm>>
      %dma_wait3A_80 = arith.constant 0 : i32
      %dma_wait3A_81 = tpu.memref_slice %arg8[%add3A_65, %dma_wait3A_80] : memref<20480x64xf32, #tpu.memory_space<hbm>> -> memref<128x64xf32, #tpu.memory_space<hbm>>
      tpu.wait_dma2 semaphore(%run_scoped3A : memref<!tpu.dma_semaphore, #tpu.memory_space<semaphore_mem>>) src(%arg15 : memref<128x64xf32, #tpu.memory_space<vmem>>) dst(%dma_wait3A_81 : memref<128x64xf32, #tpu.memory_space<hbm>>)
      tpu.yield
    }) : () -> ()
    %mul3A_66 = arith.constant 640 : i32
    %mul3A_67 = arith.muli %arg1, %mul3A_66 : i32
    %add3A_68 = arith.constant 384 : i32
    %add3A_69 = arith.addi %mul3A_67, %add3A_68 : i32
    "tpu.region"() ({
      %run_scoped3A = tpu.sem_alloc : memref<!tpu.dma_semaphore, #tpu.memory_space<semaphore_mem>>
      %dma_start3A = arith.constant 0 : i32
      %dma_start3A_76 = tpu.memref_slice %arg18[%add3A_69, %dma_start3A] : memref<10240x64xf32, #tpu.memory_space<vmem_shared>> -> memref<128x64xf32, #tpu.memory_space<vmem_shared>>
      %dma_start3A_77 = arith.constant 0 : i32
      %dma_start3A_78 = tpu.memref_slice %arg18[%add3A_69, %dma_start3A_77] : memref<10240x64xf32, #tpu.memory_space<vmem_shared>> -> memref<128x64xf32, #tpu.memory_space<vmem_shared>>
      tpu.enqueue_dma source(%dma_start3A_78 : memref<128x64xf32, #tpu.memory_space<vmem_shared>>) target(%arg15 : memref<128x64xf32, #tpu.memory_space<vmem>>) target_semaphore(%run_scoped3A : memref<!tpu.dma_semaphore, #tpu.memory_space<semaphore_mem>>)
      %dma_wait3A = arith.constant 0 : i32
      %dma_wait3A_79 = tpu.memref_slice %arg18[%add3A_69, %dma_wait3A] : memref<10240x64xf32, #tpu.memory_space<vmem_shared>> -> memref<128x64xf32, #tpu.memory_space<vmem_shared>>
      %dma_wait3A_80 = arith.constant 0 : i32
      %dma_wait3A_81 = tpu.memref_slice %arg18[%add3A_69, %dma_wait3A_80] : memref<10240x64xf32, #tpu.memory_space<vmem_shared>> -> memref<128x64xf32, #tpu.memory_space<vmem_shared>>
      tpu.wait_dma2 semaphore(%run_scoped3A : memref<!tpu.dma_semaphore, #tpu.memory_space<semaphore_mem>>) src(%dma_wait3A_81 : memref<128x64xf32, #tpu.memory_space<vmem_shared>>) dst(%arg15 : memref<128x64xf32, #tpu.memory_space<vmem>>)
      tpu.yield
    }) : () -> ()
    %add3A_70 = arith.addi %mul3A_0, %add3A_69 : i32
    "tpu.region"() ({
      %run_scoped3A = tpu.sem_alloc : memref<!tpu.dma_semaphore, #tpu.memory_space<semaphore_mem>>
      %dma_start3A = arith.constant 0 : i32
      %dma_start3A_76 = tpu.memref_slice %arg8[%add3A_70, %dma_start3A] : memref<20480x64xf32, #tpu.memory_space<hbm>> -> memref<128x64xf32, #tpu.memory_space<hbm>>
      %dma_start3A_77 = arith.constant 0 : i32
      %dma_start3A_78 = tpu.memref_slice %arg8[%add3A_70, %dma_start3A_77] : memref<20480x64xf32, #tpu.memory_space<hbm>> -> memref<128x64xf32, #tpu.memory_space<hbm>>
      tpu.enqueue_dma source(%arg15 : memref<128x64xf32, #tpu.memory_space<vmem>>) target(%dma_start3A_78 : memref<128x64xf32, #tpu.memory_space<hbm>>) target_semaphore(%run_scoped3A : memref<!tpu.dma_semaphore, #tpu.memory_space<semaphore_mem>>)
      %dma_wait3A = arith.constant 0 : i32
      %dma_wait3A_79 = tpu.memref_slice %arg8[%add3A_70, %dma_wait3A] : memref<20480x64xf32, #tpu.memory_space<hbm>> -> memref<128x64xf32, #tpu.memory_space<hbm>>
      %dma_wait3A_80 = arith.constant 0 : i32
      %dma_wait3A_81 = tpu.memref_slice %arg8[%add3A_70, %dma_wait3A_80] : memref<20480x64xf32, #tpu.memory_space<hbm>> -> memref<128x64xf32, #tpu.memory_space<hbm>>
      tpu.wait_dma2 semaphore(%run_scoped3A : memref<!tpu.dma_semaphore, #tpu.memory_space<semaphore_mem>>) src(%arg15 : memref<128x64xf32, #tpu.memory_space<vmem>>) dst(%dma_wait3A_81 : memref<128x64xf32, #tpu.memory_space<hbm>>)
      tpu.yield
    }) : () -> ()
    %mul3A_71 = arith.constant 640 : i32
    %mul3A_72 = arith.muli %arg1, %mul3A_71 : i32
    %add3A_73 = arith.constant 512 : i32
    %add3A_74 = arith.addi %mul3A_72, %add3A_73 : i32
    "tpu.region"() ({
      %run_scoped3A = tpu.sem_alloc : memref<!tpu.dma_semaphore, #tpu.memory_space<semaphore_mem>>
      %dma_start3A = arith.constant 0 : i32
      %dma_start3A_76 = tpu.memref_slice %arg18[%add3A_74, %dma_start3A] : memref<10240x64xf32, #tpu.memory_space<vmem_shared>> -> memref<128x64xf32, #tpu.memory_space<vmem_shared>>
      %dma_start3A_77 = arith.constant 0 : i32
      %dma_start3A_78 = tpu.memref_slice %arg18[%add3A_74, %dma_start3A_77] : memref<10240x64xf32, #tpu.memory_space<vmem_shared>> -> memref<128x64xf32, #tpu.memory_space<vmem_shared>>
      tpu.enqueue_dma source(%dma_start3A_78 : memref<128x64xf32, #tpu.memory_space<vmem_shared>>) target(%arg15 : memref<128x64xf32, #tpu.memory_space<vmem>>) target_semaphore(%run_scoped3A : memref<!tpu.dma_semaphore, #tpu.memory_space<semaphore_mem>>)
      %dma_wait3A = arith.constant 0 : i32
      %dma_wait3A_79 = tpu.memref_slice %arg18[%add3A_74, %dma_wait3A] : memref<10240x64xf32, #tpu.memory_space<vmem_shared>> -> memref<128x64xf32, #tpu.memory_space<vmem_shared>>
      %dma_wait3A_80 = arith.constant 0 : i32
      %dma_wait3A_81 = tpu.memref_slice %arg18[%add3A_74, %dma_wait3A_80] : memref<10240x64xf32, #tpu.memory_space<vmem_shared>> -> memref<128x64xf32, #tpu.memory_space<vmem_shared>>
      tpu.wait_dma2 semaphore(%run_scoped3A : memref<!tpu.dma_semaphore, #tpu.memory_space<semaphore_mem>>) src(%dma_wait3A_81 : memref<128x64xf32, #tpu.memory_space<vmem_shared>>) dst(%arg15 : memref<128x64xf32, #tpu.memory_space<vmem>>)
      tpu.yield
    }) : () -> ()
    %add3A_75 = arith.addi %mul3A_0, %add3A_74 : i32
    "tpu.region"() ({
      %run_scoped3A = tpu.sem_alloc : memref<!tpu.dma_semaphore, #tpu.memory_space<semaphore_mem>>
      %dma_start3A = arith.constant 0 : i32
      %dma_start3A_76 = tpu.memref_slice %arg8[%add3A_75, %dma_start3A] : memref<20480x64xf32, #tpu.memory_space<hbm>> -> memref<128x64xf32, #tpu.memory_space<hbm>>
      %dma_start3A_77 = arith.constant 0 : i32
      %dma_start3A_78 = tpu.memref_slice %arg8[%add3A_75, %dma_start3A_77] : memref<20480x64xf32, #tpu.memory_space<hbm>> -> memref<128x64xf32, #tpu.memory_space<hbm>>
      tpu.enqueue_dma source(%arg15 : memref<128x64xf32, #tpu.memory_space<vmem>>) target(%dma_start3A_78 : memref<128x64xf32, #tpu.memory_space<hbm>>) target_semaphore(%run_scoped3A : memref<!tpu.dma_semaphore, #tpu.memory_space<semaphore_mem>>)
      %dma_wait3A = arith.constant 0 : i32
      %dma_wait3A_79 = tpu.memref_slice %arg8[%add3A_75, %dma_wait3A] : memref<20480x64xf32, #tpu.memory_space<hbm>> -> memref<128x64xf32, #tpu.memory_space<hbm>>
      %dma_wait3A_80 = arith.constant 0 : i32
      %dma_wait3A_81 = tpu.memref_slice %arg8[%add3A_75, %dma_wait3A_80] : memref<20480x64xf32, #tpu.memory_space<hbm>> -> memref<128x64xf32, #tpu.memory_space<hbm>>
      tpu.wait_dma2 semaphore(%run_scoped3A : memref<!tpu.dma_semaphore, #tpu.memory_space<semaphore_mem>>) src(%arg15 : memref<128x64xf32, #tpu.memory_space<vmem>>) dst(%dma_wait3A_81 : memref<128x64xf32, #tpu.memory_space<hbm>>)
      tpu.yield
    }) : () -> ()
    return
  }
}

#map = affine_map<(d0, d1) -> (0, 0)>
#map1 = affine_map<(d0, d1) -> (0, 0, 0)>
#map2 = affine_map<(d0, d1) -> (0)>
module attributes {stable_mosaic.version = 14 : i64} {
  func.func @k(%arg0: i32, %arg1: i32, %arg2: memref<20480x32xf32, #tpu.memory_space<hbm>>, %arg3: memref<20480x16xf32, #tpu.memory_space<hbm>>, %arg4: memref<10240x16xf32, #tpu.memory_space<hbm>>, %arg5: memref<16x164x128xi32, #tpu.memory_space<hbm>>, %arg6: memref<16x164x128xi32, #tpu.memory_space<hbm>>, %arg7: memref<16xf32, #tpu.memory_space<hbm>>, %arg8: memref<20480x32xf32, #tpu.memory_space<hbm>>, %arg9: memref<164x128xi32, #tpu.memory_space<vmem>>, %arg10: memref<164x128xi32, #tpu.memory_space<vmem>>, %arg11: memref<128x16xf32, #tpu.memory_space<vmem>>, %arg12: memref<128x16xf32, #tpu.memory_space<vmem>>, %arg13: memref<128x16xf32, #tpu.memory_space<vmem>>, %arg14: memref<128x16xf32, #tpu.memory_space<vmem>>, %arg15: memref<128x32xf32, #tpu.memory_space<vmem>>, %arg16: memref<16xf32, #tpu.memory_space<vmem>>, %arg17: memref<10240x16xf32, #tpu.memory_space<vmem_shared>>, %arg18: memref<10240x32xf32, #tpu.memory_space<vmem_shared>>) attributes {dimension_semantics = [#tpu.dimension_semantics<core_parallel>, #tpu.dimension_semantics<subcore_parallel>], iteration_bounds = array<i64: 2, 16>, scalar_prefetch = 0 : i64, scratch_operands = 10 : i64, tpu.core_type = #tpu.core_type<sc_vector_subcore>, window_params = [{transform_indices = #map}, {transform_indices = #map}, {transform_indices = #map}, {transform_indices = #map1}, {transform_indices = #map1}, {transform_indices = #map2}, {transform_indices = #map}]} {
    %mul3A = arith.constant 10240 : i32
    %mul3A_0 = arith.muli %arg0, %mul3A : i32
    "tpu.region"() ({
      %run_scoped3A = tpu.sem_alloc : memref<!tpu.dma_semaphore, #tpu.memory_space<semaphore_mem>>
      %dma_start3A = arith.constant 0 : i32
      %dma_start3A_76 = arith.constant 0 : i32
      %dma_start3A_77 = tpu.memref_slice %arg5[%arg1, %dma_start3A, %dma_start3A_76] : memref<16x164x128xi32, #tpu.memory_space<hbm>> -> memref<1x164x128xi32, #tpu.memory_space<hbm>>
      %dma_start3A_78 = tpu.memref_squeeze %dma_start3A_77 : memref<1x164x128xi32, #tpu.memory_space<hbm>> -> memref<164x128xi32, #tpu.memory_space<hbm>>
      %dma_start3A_79 = arith.constant 0 : i32
      %dma_start3A_80 = arith.constant 0 : i32
      %dma_start3A_81 = tpu.memref_slice %arg5[%arg1, %dma_start3A_79, %dma_start3A_80] : memref<16x164x128xi32, #tpu.memory_space<hbm>> -> memref<1x164x128xi32, #tpu.memory_space<hbm>>
      %dma_start3A_82 = tpu.memref_squeeze %dma_start3A_81 : memref<1x164x128xi32, #tpu.memory_space<hbm>> -> memref<164x128xi32, #tpu.memory_space<hbm>>
      tpu.enqueue_dma source(%dma_start3A_82 : memref<164x128xi32, #tpu.memory_space<hbm>>) target(%arg9 : memref<164x128xi32, #tpu.memory_space<vmem>>) target_semaphore(%run_scoped3A : memref<!tpu.dma_semaphore, #tpu.memory_space<semaphore_mem>>)
      %dma_wait3A = arith.constant 0 : i32
      %dma_wait3A_83 = arith.constant 0 : i32
      %dma_wait3A_84 = tpu.memref_slice %arg5[%arg1, %dma_wait3A, %dma_wait3A_83] : memref<16x164x128xi32, #tpu.memory_space<hbm>> -> memref<1x164x128xi32, #tpu.memory_space<hbm>>
      %dma_wait3A_85 = tpu.memref_squeeze %dma_wait3A_84 : memref<1x164x128xi32, #tpu.memory_space<hbm>> -> memref<164x128xi32, #tpu.memory_space<hbm>>
      %dma_wait3A_86 = arith.constant 0 : i32
      %dma_wait3A_87 = arith.constant 0 : i32
      %dma_wait3A_88 = tpu.memref_slice %arg5[%arg1, %dma_wait3A_86, %dma_wait3A_87] : memref<16x164x128xi32, #tpu.memory_space<hbm>> -> memref<1x164x128xi32, #tpu.memory_space<hbm>>
      %dma_wait3A_89 = tpu.memref_squeeze %dma_wait3A_88 : memref<1x164x128xi32, #tpu.memory_space<hbm>> -> memref<164x128xi32, #tpu.memory_space<hbm>>
      tpu.wait_dma2 semaphore(%run_scoped3A : memref<!tpu.dma_semaphore, #tpu.memory_space<semaphore_mem>>) src(%dma_wait3A_89 : memref<164x128xi32, #tpu.memory_space<hbm>>) dst(%arg9 : memref<164x128xi32, #tpu.memory_space<vmem>>)
      tpu.yield
    }) : () -> ()
    "tpu.region"() ({
      %run_scoped3A = tpu.sem_alloc : memref<!tpu.dma_semaphore, #tpu.memory_space<semaphore_mem>>
      %dma_start3A = arith.constant 0 : i32
      %dma_start3A_76 = arith.constant 0 : i32
      %dma_start3A_77 = tpu.memref_slice %arg6[%arg1, %dma_start3A, %dma_start3A_76] : memref<16x164x128xi32, #tpu.memory_space<hbm>> -> memref<1x164x128xi32, #tpu.memory_space<hbm>>
      %dma_start3A_78 = tpu.memref_squeeze %dma_start3A_77 : memref<1x164x128xi32, #tpu.memory_space<hbm>> -> memref<164x128xi32, #tpu.memory_space<hbm>>
      %dma_start3A_79 = arith.constant 0 : i32
      %dma_start3A_80 = arith.constant 0 : i32
      %dma_start3A_81 = tpu.memref_slice %arg6[%arg1, %dma_start3A_79, %dma_start3A_80] : memref<16x164x128xi32, #tpu.memory_space<hbm>> -> memref<1x164x128xi32, #tpu.memory_space<hbm>>
      %dma_start3A_82 = tpu.memref_squeeze %dma_start3A_81 : memref<1x164x128xi32, #tpu.memory_space<hbm>> -> memref<164x128xi32, #tpu.memory_space<hbm>>
      tpu.enqueue_dma source(%dma_start3A_82 : memref<164x128xi32, #tpu.memory_space<hbm>>) target(%arg10 : memref<164x128xi32, #tpu.memory_space<vmem>>) target_semaphore(%run_scoped3A : memref<!tpu.dma_semaphore, #tpu.memory_space<semaphore_mem>>)
      %dma_wait3A = arith.constant 0 : i32
      %dma_wait3A_83 = arith.constant 0 : i32
      %dma_wait3A_84 = tpu.memref_slice %arg6[%arg1, %dma_wait3A, %dma_wait3A_83] : memref<16x164x128xi32, #tpu.memory_space<hbm>> -> memref<1x164x128xi32, #tpu.memory_space<hbm>>
      %dma_wait3A_85 = tpu.memref_squeeze %dma_wait3A_84 : memref<1x164x128xi32, #tpu.memory_space<hbm>> -> memref<164x128xi32, #tpu.memory_space<hbm>>
      %dma_wait3A_86 = arith.constant 0 : i32
      %dma_wait3A_87 = arith.constant 0 : i32
      %dma_wait3A_88 = tpu.memref_slice %arg6[%arg1, %dma_wait3A_86, %dma_wait3A_87] : memref<16x164x128xi32, #tpu.memory_space<hbm>> -> memref<1x164x128xi32, #tpu.memory_space<hbm>>
      %dma_wait3A_89 = tpu.memref_squeeze %dma_wait3A_88 : memref<1x164x128xi32, #tpu.memory_space<hbm>> -> memref<164x128xi32, #tpu.memory_space<hbm>>
      tpu.wait_dma2 semaphore(%run_scoped3A : memref<!tpu.dma_semaphore, #tpu.memory_space<semaphore_mem>>) src(%dma_wait3A_89 : memref<164x128xi32, #tpu.memory_space<hbm>>) dst(%arg10 : memref<164x128xi32, #tpu.memory_space<vmem>>)
      tpu.yield
    }) : () -> ()
    "tpu.region"() ({
      %run_scoped3A = tpu.sem_alloc : memref<!tpu.dma_semaphore, #tpu.memory_space<semaphore_mem>>
      tpu.enqueue_dma source(%arg7 : memref<16xf32, #tpu.memory_space<hbm>>) target(%arg16 : memref<16xf32, #tpu.memory_space<vmem>>) target_semaphore(%run_scoped3A : memref<!tpu.dma_semaphore, #tpu.memory_space<semaphore_mem>>)
      tpu.wait_dma2 semaphore(%run_scoped3A : memref<!tpu.dma_semaphore, #tpu.memory_space<semaphore_mem>>) src(%arg7 : memref<16xf32, #tpu.memory_space<hbm>>) dst(%arg16 : memref<16xf32, #tpu.memory_space<vmem>>)
      tpu.yield
    }) : () -> ()
    %get3A = arith.constant 0 : index
    %get3A_1 = tpu.vector_load %arg16[%get3A] {strides = array<i32>} : memref<16xf32, #tpu.memory_space<vmem>>, vector<16xf32>,
    %get3A_2 = vector.shape_cast %get3A_1 : vector<16xf32> to vector<16xf32>
    %scan3A = arith.constant 0 : i32
    %scan3A_3 = arith.constant 0 : i32
    %scan3A_4 = arith.constant 164 : i32
    %scan3A_5 = arith.addi %scan3A_3, %scan3A_4 : i32
    %scan3A_6 = arith.constant 1 : i32
    %scan3A_7 = scf.for %scan3A_76 = %scan3A_3 to %scan3A_5 step %scan3A_6 iter_args(%scan3A_77 = %scan3A) -> (i32)  : i32 {
      %get3A_78 = arith.index_cast %scan3A_76 : i32 to index
      %get3A_79 = arith.constant 0 : index
      %get3A_80 = tpu.vector_load %arg9[%get3A_78, %get3A_79] {strides = array<i32>} : memref<164x128xi32, #tpu.memory_space<vmem>>, vector<1x16xi32>,
      %get3A_81 = vector.shape_cast %get3A_80 : vector<1x16xi32> to vector<16xi32>
      %add3A_82 = vector.broadcast %mul3A_0 : i32 to vector<16xi32>
      %add3A_83 = arith.addi %get3A_81, %add3A_82 : vector<16xi32>
      %swap3A = arith.index_cast %scan3A_76 : i32 to index
      %swap3A_84 = arith.constant 0 : index
      %swap3A_85 = tpu.vector_load %arg9[%swap3A, %swap3A_84] {strides = array<i32>} : memref<164x128xi32, #tpu.memory_space<vmem>>, vector<1x16xi32>,
      %swap3A_86 = vector.shape_cast %swap3A_85 : vector<1x16xi32> to vector<16xi32>
      %swap3A_87 = vector.shape_cast %add3A_83 : vector<16xi32> to vector<1x16xi32>
      tpu.vector_store %arg9[%swap3A, %swap3A_84], %swap3A_87 {strides = array<i32>} : memref<164x128xi32, #tpu.memory_space<vmem>>, vector<1x16xi32>,
      %get3A_88 = arith.index_cast %scan3A_76 : i32 to index
      %get3A_89 = arith.constant 16 : index
      %get3A_90 = tpu.vector_load %arg9[%get3A_88, %get3A_89] {strides = array<i32>} : memref<164x128xi32, #tpu.memory_space<vmem>>, vector<1x16xi32>,
      %get3A_91 = vector.shape_cast %get3A_90 : vector<1x16xi32> to vector<16xi32>
      %add3A_92 = vector.broadcast %mul3A_0 : i32 to vector<16xi32>
      %add3A_93 = arith.addi %get3A_91, %add3A_92 : vector<16xi32>
      %swap3A_94 = arith.index_cast %scan3A_76 : i32 to index
      %swap3A_95 = arith.constant 16 : index
      %swap3A_96 = tpu.vector_load %arg9[%swap3A_94, %swap3A_95] {strides = array<i32>} : memref<164x128xi32, #tpu.memory_space<vmem>>, vector<1x16xi32>,
      %swap3A_97 = vector.shape_cast %swap3A_96 : vector<1x16xi32> to vector<16xi32>
      %swap3A_98 = vector.shape_cast %add3A_93 : vector<16xi32> to vector<1x16xi32>
      tpu.vector_store %arg9[%swap3A_94, %swap3A_95], %swap3A_98 {strides = array<i32>} : memref<164x128xi32, #tpu.memory_space<vmem>>, vector<1x16xi32>,
      %get3A_99 = arith.index_cast %scan3A_76 : i32 to index
      %get3A_100 = arith.constant 32 : index
      %get3A_101 = tpu.vector_load %arg9[%get3A_99, %get3A_100] {strides = array<i32>} : memref<164x128xi32, #tpu.memory_space<vmem>>, vector<1x16xi32>,
      %get3A_102 = vector.shape_cast %get3A_101 : vector<1x16xi32> to vector<16xi32>
      %add3A_103 = vector.broadcast %mul3A_0 : i32 to vector<16xi32>
      %add3A_104 = arith.addi %get3A_102, %add3A_103 : vector<16xi32>
      %swap3A_105 = arith.index_cast %scan3A_76 : i32 to index
      %swap3A_106 = arith.constant 32 : index
      %swap3A_107 = tpu.vector_load %arg9[%swap3A_105, %swap3A_106] {strides = array<i32>} : memref<164x128xi32, #tpu.memory_space<vmem>>, vector<1x16xi32>,
      %swap3A_108 = vector.shape_cast %swap3A_107 : vector<1x16xi32> to vector<16xi32>
      %swap3A_109 = vector.shape_cast %add3A_104 : vector<16xi32> to vector<1x16xi32>
      tpu.vector_store %arg9[%swap3A_105, %swap3A_106], %swap3A_109 {strides = array<i32>} : memref<164x128xi32, #tpu.memory_space<vmem>>, vector<1x16xi32>,
      %get3A_110 = arith.index_cast %scan3A_76 : i32 to index
      %get3A_111 = arith.constant 48 : index
      %get3A_112 = tpu.vector_load %arg9[%get3A_110, %get3A_111] {strides = array<i32>} : memref<164x128xi32, #tpu.memory_space<vmem>>, vector<1x16xi32>,
      %get3A_113 = vector.shape_cast %get3A_112 : vector<1x16xi32> to vector<16xi32>
      %add3A_114 = vector.broadcast %mul3A_0 : i32 to vector<16xi32>
      %add3A_115 = arith.addi %get3A_113, %add3A_114 : vector<16xi32>
      %swap3A_116 = arith.index_cast %scan3A_76 : i32 to index
      %swap3A_117 = arith.constant 48 : index
      %swap3A_118 = tpu.vector_load %arg9[%swap3A_116, %swap3A_117] {strides = array<i32>} : memref<164x128xi32, #tpu.memory_space<vmem>>, vector<1x16xi32>,
      %swap3A_119 = vector.shape_cast %swap3A_118 : vector<1x16xi32> to vector<16xi32>
      %swap3A_120 = vector.shape_cast %add3A_115 : vector<16xi32> to vector<1x16xi32>
      tpu.vector_store %arg9[%swap3A_116, %swap3A_117], %swap3A_120 {strides = array<i32>} : memref<164x128xi32, #tpu.memory_space<vmem>>, vector<1x16xi32>,
      %get3A_121 = arith.index_cast %scan3A_76 : i32 to index
      %get3A_122 = arith.constant 64 : index
      %get3A_123 = tpu.vector_load %arg9[%get3A_121, %get3A_122] {strides = array<i32>} : memref<164x128xi32, #tpu.memory_space<vmem>>, vector<1x16xi32>,
      %get3A_124 = vector.shape_cast %get3A_123 : vector<1x16xi32> to vector<16xi32>
      %add3A_125 = vector.broadcast %mul3A_0 : i32 to vector<16xi32>
      %add3A_126 = arith.addi %get3A_124, %add3A_125 : vector<16xi32>
      %swap3A_127 = arith.index_cast %scan3A_76 : i32 to index
      %swap3A_128 = arith.constant 64 : index
      %swap3A_129 = tpu.vector_load %arg9[%swap3A_127, %swap3A_128] {strides = array<i32>} : memref<164x128xi32, #tpu.memory_space<vmem>>, vector<1x16xi32>,
      %swap3A_130 = vector.shape_cast %swap3A_129 : vector<1x16xi32> to vector<16xi32>
      %swap3A_131 = vector.shape_cast %add3A_126 : vector<16xi32> to vector<1x16xi32>
      tpu.vector_store %arg9[%swap3A_127, %swap3A_128], %swap3A_131 {strides = array<i32>} : memref<164x128xi32, #tpu.memory_space<vmem>>, vector<1x16xi32>,
      %get3A_132 = arith.index_cast %scan3A_76 : i32 to index
      %get3A_133 = arith.constant 80 : index
      %get3A_134 = tpu.vector_load %arg9[%get3A_132, %get3A_133] {strides = array<i32>} : memref<164x128xi32, #tpu.memory_space<vmem>>, vector<1x16xi32>,
      %get3A_135 = vector.shape_cast %get3A_134 : vector<1x16xi32> to vector<16xi32>
      %add3A_136 = vector.broadcast %mul3A_0 : i32 to vector<16xi32>
      %add3A_137 = arith.addi %get3A_135, %add3A_136 : vector<16xi32>
      %swap3A_138 = arith.index_cast %scan3A_76 : i32 to index
      %swap3A_139 = arith.constant 80 : index
      %swap3A_140 = tpu.vector_load %arg9[%swap3A_138, %swap3A_139] {strides = array<i32>} : memref<164x128xi32, #tpu.memory_space<vmem>>, vector<1x16xi32>,
      %swap3A_141 = vector.shape_cast %swap3A_140 : vector<1x16xi32> to vector<16xi32>
      %swap3A_142 = vector.shape_cast %add3A_137 : vector<16xi32> to vector<1x16xi32>
      tpu.vector_store %arg9[%swap3A_138, %swap3A_139], %swap3A_142 {strides = array<i32>} : memref<164x128xi32, #tpu.memory_space<vmem>>, vector<1x16xi32>,
      %get3A_143 = arith.index_cast %scan3A_76 : i32 to index
      %get3A_144 = arith.constant 96 : index
      %get3A_145 = tpu.vector_load %arg9[%get3A_143, %get3A_144] {strides = array<i32>} : memref<164x128xi32, #tpu.memory_space<vmem>>, vector<1x16xi32>,
      %get3A_146 = vector.shape_cast %get3A_145 : vector<1x16xi32> to vector<16xi32>
      %add3A_147 = vector.broadcast %mul3A_0 : i32 to vector<16xi32>
      %add3A_148 = arith.addi %get3A_146, %add3A_147 : vector<16xi32>
      %swap3A_149 = arith.index_cast %scan3A_76 : i32 to index
      %swap3A_150 = arith.constant 96 : index
      %swap3A_151 = tpu.vector_load %arg9[%swap3A_149, %swap3A_150] {strides = array<i32>} : memref<164x128xi32, #tpu.memory_space<vmem>>, vector<1x16xi32>,
      %swap3A_152 = vector.shape_cast %swap3A_151 : vector<1x16xi32> to vector<16xi32>
      %swap3A_153 = vector.shape_cast %add3A_148 : vector<16xi32> to vector<1x16xi32>
      tpu.vector_store %arg9[%swap3A_149, %swap3A_150], %swap3A_153 {strides = array<i32>} : memref<164x128xi32, #tpu.memory_space<vmem>>, vector<1x16xi32>,
      %get3A_154 = arith.index_cast %scan3A_76 : i32 to index
      %get3A_155 = arith.constant 112 : index
      %get3A_156 = tpu.vector_load %arg9[%get3A_154, %get3A_155] {strides = array<i32>} : memref<164x128xi32, #tpu.memory_space<vmem>>, vector<1x16xi32>,
      %get3A_157 = vector.shape_cast %get3A_156 : vector<1x16xi32> to vector<16xi32>
      %add3A_158 = vector.broadcast %mul3A_0 : i32 to vector<16xi32>
      %add3A_159 = arith.addi %get3A_157, %add3A_158 : vector<16xi32>
      %swap3A_160 = arith.index_cast %scan3A_76 : i32 to index
      %swap3A_161 = arith.constant 112 : index
      %swap3A_162 = tpu.vector_load %arg9[%swap3A_160, %swap3A_161] {strides = array<i32>} : memref<164x128xi32, #tpu.memory_space<vmem>>, vector<1x16xi32>,
      %swap3A_163 = vector.shape_cast %swap3A_162 : vector<1x16xi32> to vector<16xi32>
      %swap3A_164 = vector.shape_cast %add3A_159 : vector<16xi32> to vector<1x16xi32>
      tpu.vector_store %arg9[%swap3A_160, %swap3A_161], %swap3A_164 {strides = array<i32>} : memref<164x128xi32, #tpu.memory_space<vmem>>, vector<1x16xi32>,
      %scan3A_165 = arith.constant 0 : i32
      scf.yield %scan3A_165 : i32
    }
    %scan3A_8 = arith.constant 164 : i32
    %scan3A_9 = arith.constant 0 : i32
    %scan3A_10 = arith.constant 0 : i32
    %scan3A_11 = arith.constant 128 : i32
    %scan3A_12 = arith.addi %scan3A_10, %scan3A_11 : i32
    %scan3A_13 = arith.constant 1 : i32
    %scan3A_14 = scf.for %scan3A_76 = %scan3A_10 to %scan3A_12 step %scan3A_13 iter_args(%scan3A_77 = %scan3A_9) -> (i32)  : i32 {
      %broadcast_in_dim3A = arith.constant 0.000000e+00 : f32
      %broadcast_in_dim3A_78 = vector.broadcast %broadcast_in_dim3A : f32 to vector<16xf32>
      %swap3A = arith.index_cast %scan3A_76 : i32 to index
      %swap3A_79 = arith.constant 0 : index
      %swap3A_80 = tpu.vector_load %arg11[%swap3A, %swap3A_79] {strides = array<i32>} : memref<128x16xf32, #tpu.memory_space<vmem>>, vector<1x16xf32>,
      %swap3A_81 = vector.shape_cast %swap3A_80 : vector<1x16xf32> to vector<16xf32>
      %swap3A_82 = vector.shape_cast %broadcast_in_dim3A_78 : vector<16xf32> to vector<1x16xf32>
      tpu.vector_store %arg11[%swap3A, %swap3A_79], %swap3A_82 {strides = array<i32>} : memref<128x16xf32, #tpu.memory_space<vmem>>, vector<1x16xf32>,
      %broadcast_in_dim3A_83 = arith.constant 0.000000e+00 : f32
      %broadcast_in_dim3A_84 = vector.broadcast %broadcast_in_dim3A_83 : f32 to vector<16xf32>
      %swap3A_85 = arith.index_cast %scan3A_76 : i32 to index
      %swap3A_86 = arith.constant 0 : index
      %swap3A_87 = tpu.vector_load %arg15[%swap3A_85, %swap3A_86] {strides = array<i32>} : memref<128x32xf32, #tpu.memory_space<vmem>>, vector<1x16xf32>,
      %swap3A_88 = vector.shape_cast %swap3A_87 : vector<1x16xf32> to vector<16xf32>
      %swap3A_89 = vector.shape_cast %broadcast_in_dim3A_84 : vector<16xf32> to vector<1x16xf32>
      tpu.vector_store %arg15[%swap3A_85, %swap3A_86], %swap3A_89 {strides = array<i32>} : memref<128x32xf32, #tpu.memory_space<vmem>>, vector<1x16xf32>,
      %broadcast_in_dim3A_90 = arith.constant 0.000000e+00 : f32
      %broadcast_in_dim3A_91 = vector.broadcast %broadcast_in_dim3A_90 : f32 to vector<16xf32>
      %swap3A_92 = arith.index_cast %scan3A_76 : i32 to index
      %swap3A_93 = arith.constant 16 : index
      %swap3A_94 = tpu.vector_load %arg15[%swap3A_92, %swap3A_93] {strides = array<i32>} : memref<128x32xf32, #tpu.memory_space<vmem>>, vector<1x16xf32>,
      %swap3A_95 = vector.shape_cast %swap3A_94 : vector<1x16xf32> to vector<16xf32>
      %swap3A_96 = vector.shape_cast %broadcast_in_dim3A_91 : vector<16xf32> to vector<1x16xf32>
      tpu.vector_store %arg15[%swap3A_92, %swap3A_93], %swap3A_96 {strides = array<i32>} : memref<128x32xf32, #tpu.memory_space<vmem>>, vector<1x16xf32>,
      %scan3A_97 = arith.constant 0 : i32
      scf.yield %scan3A_97 : i32
    }
    %scan3A_15 = arith.constant 128 : i32
    %mul3A_16 = arith.constant 640 : i32
    %mul3A_17 = arith.muli %arg1, %mul3A_16 : i32
    %add3A = arith.constant 0 : i32
    %add3A_18 = arith.addi %mul3A_17, %add3A : i32
    "tpu.region"() ({
      %run_scoped3A = tpu.sem_alloc : memref<!tpu.dma_semaphore, #tpu.memory_space<semaphore_mem>>
      %dma_start3A = arith.constant 0 : i32
      %dma_start3A_76 = tpu.memref_slice %arg17[%add3A_18, %dma_start3A] : memref<10240x16xf32, #tpu.memory_space<vmem_shared>> -> memref<128x16xf32, #tpu.memory_space<vmem_shared>>
      %dma_start3A_77 = arith.constant 0 : i32
      %dma_start3A_78 = tpu.memref_slice %arg17[%add3A_18, %dma_start3A_77] : memref<10240x16xf32, #tpu.memory_space<vmem_shared>> -> memref<128x16xf32, #tpu.memory_space<vmem_shared>>
      tpu.enqueue_dma source(%arg11 : memref<128x16xf32, #tpu.memory_space<vmem>>) target(%dma_start3A_78 : memref<128x16xf32, #tpu.memory_space<vmem_shared>>) target_semaphore(%run_scoped3A : memref<!tpu.dma_semaphore, #tpu.memory_space<semaphore_mem>>)
      %dma_wait3A = arith.constant 0 : i32
      %dma_wait3A_79 = tpu.memref_slice %arg17[%add3A_18, %dma_wait3A] : memref<10240x16xf32, #tpu.memory_space<vmem_shared>> -> memref<128x16xf32, #tpu.memory_space<vmem_shared>>
      %dma_wait3A_80 = arith.constant 0 : i32
      %dma_wait3A_81 = tpu.memref_slice %arg17[%add3A_18, %dma_wait3A_80] : memref<10240x16xf32, #tpu.memory_space<vmem_shared>> -> memref<128x16xf32, #tpu.memory_space<vmem_shared>>
      tpu.wait_dma2 semaphore(%run_scoped3A : memref<!tpu.dma_semaphore, #tpu.memory_space<semaphore_mem>>) src(%arg11 : memref<128x16xf32, #tpu.memory_space<vmem>>) dst(%dma_wait3A_81 : memref<128x16xf32, #tpu.memory_space<vmem_shared>>)
      tpu.yield
    }) : () -> ()
    "tpu.region"() ({
      %run_scoped3A = tpu.sem_alloc : memref<!tpu.dma_semaphore, #tpu.memory_space<semaphore_mem>>
      %dma_start3A = arith.constant 0 : i32
      %dma_start3A_76 = tpu.memref_slice %arg18[%add3A_18, %dma_start3A] : memref<10240x32xf32, #tpu.memory_space<vmem_shared>> -> memref<128x32xf32, #tpu.memory_space<vmem_shared>>
      %dma_start3A_77 = arith.constant 0 : i32
      %dma_start3A_78 = tpu.memref_slice %arg18[%add3A_18, %dma_start3A_77] : memref<10240x32xf32, #tpu.memory_space<vmem_shared>> -> memref<128x32xf32, #tpu.memory_space<vmem_shared>>
      tpu.enqueue_dma source(%arg15 : memref<128x32xf32, #tpu.memory_space<vmem>>) target(%dma_start3A_78 : memref<128x32xf32, #tpu.memory_space<vmem_shared>>) target_semaphore(%run_scoped3A : memref<!tpu.dma_semaphore, #tpu.memory_space<semaphore_mem>>)
      %dma_wait3A = arith.constant 0 : i32
      %dma_wait3A_79 = tpu.memref_slice %arg18[%add3A_18, %dma_wait3A] : memref<10240x32xf32, #tpu.memory_space<vmem_shared>> -> memref<128x32xf32, #tpu.memory_space<vmem_shared>>
      %dma_wait3A_80 = arith.constant 0 : i32
      %dma_wait3A_81 = tpu.memref_slice %arg18[%add3A_18, %dma_wait3A_80] : memref<10240x32xf32, #tpu.memory_space<vmem_shared>> -> memref<128x32xf32, #tpu.memory_space<vmem_shared>>
      tpu.wait_dma2 semaphore(%run_scoped3A : memref<!tpu.dma_semaphore, #tpu.memory_space<semaphore_mem>>) src(%arg15 : memref<128x32xf32, #tpu.memory_space<vmem>>) dst(%dma_wait3A_81 : memref<128x32xf32, #tpu.memory_space<vmem_shared>>)
      tpu.yield
    }) : () -> ()
    %mul3A_19 = arith.constant 640 : i32
    %mul3A_20 = arith.muli %arg1, %mul3A_19 : i32
    %add3A_21 = arith.constant 128 : i32
    %add3A_22 = arith.addi %mul3A_20, %add3A_21 : i32
    "tpu.region"() ({
      %run_scoped3A = tpu.sem_alloc : memref<!tpu.dma_semaphore, #tpu.memory_space<semaphore_mem>>
      %dma_start3A = arith.constant 0 : i32
      %dma_start3A_76 = tpu.memref_slice %arg17[%add3A_22, %dma_start3A] : memref<10240x16xf32, #tpu.memory_space<vmem_shared>> -> memref<128x16xf32, #tpu.memory_space<vmem_shared>>
      %dma_start3A_77 = arith.constant 0 : i32
      %dma_start3A_78 = tpu.memref_slice %arg17[%add3A_22, %dma_start3A_77] : memref<10240x16xf32, #tpu.memory_space<vmem_shared>> -> memref<128x16xf32, #tpu.memory_space<vmem_shared>>
      tpu.enqueue_dma source(%arg11 : memref<128x16xf32, #tpu.memory_space<vmem>>) target(%dma_start3A_78 : memref<128x16xf32, #tpu.memory_space<vmem_shared>>) target_semaphore(%run_scoped3A : memref<!tpu.dma_semaphore, #tpu.memory_space<semaphore_mem>>)
      %dma_wait3A = arith.constant 0 : i32
      %dma_wait3A_79 = tpu.memref_slice %arg17[%add3A_22, %dma_wait3A] : memref<10240x16xf32, #tpu.memory_space<vmem_shared>> -> memref<128x16xf32, #tpu.memory_space<vmem_shared>>
      %dma_wait3A_80 = arith.constant 0 : i32
      %dma_wait3A_81 = tpu.memref_slice %arg17[%add3A_22, %dma_wait3A_80] : memref<10240x16xf32, #tpu.memory_space<vmem_shared>> -> memref<128x16xf32, #tpu.memory_space<vmem_shared>>
      tpu.wait_dma2 semaphore(%run_scoped3A : memref<!tpu.dma_semaphore, #tpu.memory_space<semaphore_mem>>) src(%arg11 : memref<128x16xf32, #tpu.memory_space<vmem>>) dst(%dma_wait3A_81 : memref<128x16xf32, #tpu.memory_space<vmem_shared>>)
      tpu.yield
    }) : () -> ()
    "tpu.region"() ({
      %run_scoped3A = tpu.sem_alloc : memref<!tpu.dma_semaphore, #tpu.memory_space<semaphore_mem>>
      %dma_start3A = arith.constant 0 : i32
      %dma_start3A_76 = tpu.memref_slice %arg18[%add3A_22, %dma_start3A] : memref<10240x32xf32, #tpu.memory_space<vmem_shared>> -> memref<128x32xf32, #tpu.memory_space<vmem_shared>>
      %dma_start3A_77 = arith.constant 0 : i32
      %dma_start3A_78 = tpu.memref_slice %arg18[%add3A_22, %dma_start3A_77] : memref<10240x32xf32, #tpu.memory_space<vmem_shared>> -> memref<128x32xf32, #tpu.memory_space<vmem_shared>>
      tpu.enqueue_dma source(%arg15 : memref<128x32xf32, #tpu.memory_space<vmem>>) target(%dma_start3A_78 : memref<128x32xf32, #tpu.memory_space<vmem_shared>>) target_semaphore(%run_scoped3A : memref<!tpu.dma_semaphore, #tpu.memory_space<semaphore_mem>>)
      %dma_wait3A = arith.constant 0 : i32
      %dma_wait3A_79 = tpu.memref_slice %arg18[%add3A_22, %dma_wait3A] : memref<10240x32xf32, #tpu.memory_space<vmem_shared>> -> memref<128x32xf32, #tpu.memory_space<vmem_shared>>
      %dma_wait3A_80 = arith.constant 0 : i32
      %dma_wait3A_81 = tpu.memref_slice %arg18[%add3A_22, %dma_wait3A_80] : memref<10240x32xf32, #tpu.memory_space<vmem_shared>> -> memref<128x32xf32, #tpu.memory_space<vmem_shared>>
      tpu.wait_dma2 semaphore(%run_scoped3A : memref<!tpu.dma_semaphore, #tpu.memory_space<semaphore_mem>>) src(%arg15 : memref<128x32xf32, #tpu.memory_space<vmem>>) dst(%dma_wait3A_81 : memref<128x32xf32, #tpu.memory_space<vmem_shared>>)
      tpu.yield
    }) : () -> ()
    %mul3A_23 = arith.constant 640 : i32
    %mul3A_24 = arith.muli %arg1, %mul3A_23 : i32
    %add3A_25 = arith.constant 256 : i32
    %add3A_26 = arith.addi %mul3A_24, %add3A_25 : i32
    "tpu.region"() ({
      %run_scoped3A = tpu.sem_alloc : memref<!tpu.dma_semaphore, #tpu.memory_space<semaphore_mem>>
      %dma_start3A = arith.constant 0 : i32
      %dma_start3A_76 = tpu.memref_slice %arg17[%add3A_26, %dma_start3A] : memref<10240x16xf32, #tpu.memory_space<vmem_shared>> -> memref<128x16xf32, #tpu.memory_space<vmem_shared>>
      %dma_start3A_77 = arith.constant 0 : i32
      %dma_start3A_78 = tpu.memref_slice %arg17[%add3A_26, %dma_start3A_77] : memref<10240x16xf32, #tpu.memory_space<vmem_shared>> -> memref<128x16xf32, #tpu.memory_space<vmem_shared>>
      tpu.enqueue_dma source(%arg11 : memref<128x16xf32, #tpu.memory_space<vmem>>) target(%dma_start3A_78 : memref<128x16xf32, #tpu.memory_space<vmem_shared>>) target_semaphore(%run_scoped3A : memref<!tpu.dma_semaphore, #tpu.memory_space<semaphore_mem>>)
      %dma_wait3A = arith.constant 0 : i32
      %dma_wait3A_79 = tpu.memref_slice %arg17[%add3A_26, %dma_wait3A] : memref<10240x16xf32, #tpu.memory_space<vmem_shared>> -> memref<128x16xf32, #tpu.memory_space<vmem_shared>>
      %dma_wait3A_80 = arith.constant 0 : i32
      %dma_wait3A_81 = tpu.memref_slice %arg17[%add3A_26, %dma_wait3A_80] : memref<10240x16xf32, #tpu.memory_space<vmem_shared>> -> memref<128x16xf32, #tpu.memory_space<vmem_shared>>
      tpu.wait_dma2 semaphore(%run_scoped3A : memref<!tpu.dma_semaphore, #tpu.memory_space<semaphore_mem>>) src(%arg11 : memref<128x16xf32, #tpu.memory_space<vmem>>) dst(%dma_wait3A_81 : memref<128x16xf32, #tpu.memory_space<vmem_shared>>)
      tpu.yield
    }) : () -> ()
    "tpu.region"() ({
      %run_scoped3A = tpu.sem_alloc : memref<!tpu.dma_semaphore, #tpu.memory_space<semaphore_mem>>
      %dma_start3A = arith.constant 0 : i32
      %dma_start3A_76 = tpu.memref_slice %arg18[%add3A_26, %dma_start3A] : memref<10240x32xf32, #tpu.memory_space<vmem_shared>> -> memref<128x32xf32, #tpu.memory_space<vmem_shared>>
      %dma_start3A_77 = arith.constant 0 : i32
      %dma_start3A_78 = tpu.memref_slice %arg18[%add3A_26, %dma_start3A_77] : memref<10240x32xf32, #tpu.memory_space<vmem_shared>> -> memref<128x32xf32, #tpu.memory_space<vmem_shared>>
      tpu.enqueue_dma source(%arg15 : memref<128x32xf32, #tpu.memory_space<vmem>>) target(%dma_start3A_78 : memref<128x32xf32, #tpu.memory_space<vmem_shared>>) target_semaphore(%run_scoped3A : memref<!tpu.dma_semaphore, #tpu.memory_space<semaphore_mem>>)
      %dma_wait3A = arith.constant 0 : i32
      %dma_wait3A_79 = tpu.memref_slice %arg18[%add3A_26, %dma_wait3A] : memref<10240x32xf32, #tpu.memory_space<vmem_shared>> -> memref<128x32xf32, #tpu.memory_space<vmem_shared>>
      %dma_wait3A_80 = arith.constant 0 : i32
      %dma_wait3A_81 = tpu.memref_slice %arg18[%add3A_26, %dma_wait3A_80] : memref<10240x32xf32, #tpu.memory_space<vmem_shared>> -> memref<128x32xf32, #tpu.memory_space<vmem_shared>>
      tpu.wait_dma2 semaphore(%run_scoped3A : memref<!tpu.dma_semaphore, #tpu.memory_space<semaphore_mem>>) src(%arg15 : memref<128x32xf32, #tpu.memory_space<vmem>>) dst(%dma_wait3A_81 : memref<128x32xf32, #tpu.memory_space<vmem_shared>>)
      tpu.yield
    }) : () -> ()
    %mul3A_27 = arith.constant 640 : i32
    %mul3A_28 = arith.muli %arg1, %mul3A_27 : i32
    %add3A_29 = arith.constant 384 : i32
    %add3A_30 = arith.addi %mul3A_28, %add3A_29 : i32
    "tpu.region"() ({
      %run_scoped3A = tpu.sem_alloc : memref<!tpu.dma_semaphore, #tpu.memory_space<semaphore_mem>>
      %dma_start3A = arith.constant 0 : i32
      %dma_start3A_76 = tpu.memref_slice %arg17[%add3A_30, %dma_start3A] : memref<10240x16xf32, #tpu.memory_space<vmem_shared>> -> memref<128x16xf32, #tpu.memory_space<vmem_shared>>
      %dma_start3A_77 = arith.constant 0 : i32
      %dma_start3A_78 = tpu.memref_slice %arg17[%add3A_30, %dma_start3A_77] : memref<10240x16xf32, #tpu.memory_space<vmem_shared>> -> memref<128x16xf32, #tpu.memory_space<vmem_shared>>
      tpu.enqueue_dma source(%arg11 : memref<128x16xf32, #tpu.memory_space<vmem>>) target(%dma_start3A_78 : memref<128x16xf32, #tpu.memory_space<vmem_shared>>) target_semaphore(%run_scoped3A : memref<!tpu.dma_semaphore, #tpu.memory_space<semaphore_mem>>)
      %dma_wait3A = arith.constant 0 : i32
      %dma_wait3A_79 = tpu.memref_slice %arg17[%add3A_30, %dma_wait3A] : memref<10240x16xf32, #tpu.memory_space<vmem_shared>> -> memref<128x16xf32, #tpu.memory_space<vmem_shared>>
      %dma_wait3A_80 = arith.constant 0 : i32
      %dma_wait3A_81 = tpu.memref_slice %arg17[%add3A_30, %dma_wait3A_80] : memref<10240x16xf32, #tpu.memory_space<vmem_shared>> -> memref<128x16xf32, #tpu.memory_space<vmem_shared>>
      tpu.wait_dma2 semaphore(%run_scoped3A : memref<!tpu.dma_semaphore, #tpu.memory_space<semaphore_mem>>) src(%arg11 : memref<128x16xf32, #tpu.memory_space<vmem>>) dst(%dma_wait3A_81 : memref<128x16xf32, #tpu.memory_space<vmem_shared>>)
      tpu.yield
    }) : () -> ()
    "tpu.region"() ({
      %run_scoped3A = tpu.sem_alloc : memref<!tpu.dma_semaphore, #tpu.memory_space<semaphore_mem>>
      %dma_start3A = arith.constant 0 : i32
      %dma_start3A_76 = tpu.memref_slice %arg18[%add3A_30, %dma_start3A] : memref<10240x32xf32, #tpu.memory_space<vmem_shared>> -> memref<128x32xf32, #tpu.memory_space<vmem_shared>>
      %dma_start3A_77 = arith.constant 0 : i32
      %dma_start3A_78 = tpu.memref_slice %arg18[%add3A_30, %dma_start3A_77] : memref<10240x32xf32, #tpu.memory_space<vmem_shared>> -> memref<128x32xf32, #tpu.memory_space<vmem_shared>>
      tpu.enqueue_dma source(%arg15 : memref<128x32xf32, #tpu.memory_space<vmem>>) target(%dma_start3A_78 : memref<128x32xf32, #tpu.memory_space<vmem_shared>>) target_semaphore(%run_scoped3A : memref<!tpu.dma_semaphore, #tpu.memory_space<semaphore_mem>>)
      %dma_wait3A = arith.constant 0 : i32
      %dma_wait3A_79 = tpu.memref_slice %arg18[%add3A_30, %dma_wait3A] : memref<10240x32xf32, #tpu.memory_space<vmem_shared>> -> memref<128x32xf32, #tpu.memory_space<vmem_shared>>
      %dma_wait3A_80 = arith.constant 0 : i32
      %dma_wait3A_81 = tpu.memref_slice %arg18[%add3A_30, %dma_wait3A_80] : memref<10240x32xf32, #tpu.memory_space<vmem_shared>> -> memref<128x32xf32, #tpu.memory_space<vmem_shared>>
      tpu.wait_dma2 semaphore(%run_scoped3A : memref<!tpu.dma_semaphore, #tpu.memory_space<semaphore_mem>>) src(%arg15 : memref<128x32xf32, #tpu.memory_space<vmem>>) dst(%dma_wait3A_81 : memref<128x32xf32, #tpu.memory_space<vmem_shared>>)
      tpu.yield
    }) : () -> ()
    %mul3A_31 = arith.constant 640 : i32
    %mul3A_32 = arith.muli %arg1, %mul3A_31 : i32
    %add3A_33 = arith.constant 512 : i32
    %add3A_34 = arith.addi %mul3A_32, %add3A_33 : i32
    "tpu.region"() ({
      %run_scoped3A = tpu.sem_alloc : memref<!tpu.dma_semaphore, #tpu.memory_space<semaphore_mem>>
      %dma_start3A = arith.constant 0 : i32
      %dma_start3A_76 = tpu.memref_slice %arg17[%add3A_34, %dma_start3A] : memref<10240x16xf32, #tpu.memory_space<vmem_shared>> -> memref<128x16xf32, #tpu.memory_space<vmem_shared>>
      %dma_start3A_77 = arith.constant 0 : i32
      %dma_start3A_78 = tpu.memref_slice %arg17[%add3A_34, %dma_start3A_77] : memref<10240x16xf32, #tpu.memory_space<vmem_shared>> -> memref<128x16xf32, #tpu.memory_space<vmem_shared>>
      tpu.enqueue_dma source(%arg11 : memref<128x16xf32, #tpu.memory_space<vmem>>) target(%dma_start3A_78 : memref<128x16xf32, #tpu.memory_space<vmem_shared>>) target_semaphore(%run_scoped3A : memref<!tpu.dma_semaphore, #tpu.memory_space<semaphore_mem>>)
      %dma_wait3A = arith.constant 0 : i32
      %dma_wait3A_79 = tpu.memref_slice %arg17[%add3A_34, %dma_wait3A] : memref<10240x16xf32, #tpu.memory_space<vmem_shared>> -> memref<128x16xf32, #tpu.memory_space<vmem_shared>>
      %dma_wait3A_80 = arith.constant 0 : i32
      %dma_wait3A_81 = tpu.memref_slice %arg17[%add3A_34, %dma_wait3A_80] : memref<10240x16xf32, #tpu.memory_space<vmem_shared>> -> memref<128x16xf32, #tpu.memory_space<vmem_shared>>
      tpu.wait_dma2 semaphore(%run_scoped3A : memref<!tpu.dma_semaphore, #tpu.memory_space<semaphore_mem>>) src(%arg11 : memref<128x16xf32, #tpu.memory_space<vmem>>) dst(%dma_wait3A_81 : memref<128x16xf32, #tpu.memory_space<vmem_shared>>)
      tpu.yield
    }) : () -> ()
    "tpu.region"() ({
      %run_scoped3A = tpu.sem_alloc : memref<!tpu.dma_semaphore, #tpu.memory_space<semaphore_mem>>
      %dma_start3A = arith.constant 0 : i32
      %dma_start3A_76 = tpu.memref_slice %arg18[%add3A_34, %dma_start3A] : memref<10240x32xf32, #tpu.memory_space<vmem_shared>> -> memref<128x32xf32, #tpu.memory_space<vmem_shared>>
      %dma_start3A_77 = arith.constant 0 : i32
      %dma_start3A_78 = tpu.memref_slice %arg18[%add3A_34, %dma_start3A_77] : memref<10240x32xf32, #tpu.memory_space<vmem_shared>> -> memref<128x32xf32, #tpu.memory_space<vmem_shared>>
      tpu.enqueue_dma source(%arg15 : memref<128x32xf32, #tpu.memory_space<vmem>>) target(%dma_start3A_78 : memref<128x32xf32, #tpu.memory_space<vmem_shared>>) target_semaphore(%run_scoped3A : memref<!tpu.dma_semaphore, #tpu.memory_space<semaphore_mem>>)
      %dma_wait3A = arith.constant 0 : i32
      %dma_wait3A_79 = tpu.memref_slice %arg18[%add3A_34, %dma_wait3A] : memref<10240x32xf32, #tpu.memory_space<vmem_shared>> -> memref<128x32xf32, #tpu.memory_space<vmem_shared>>
      %dma_wait3A_80 = arith.constant 0 : i32
      %dma_wait3A_81 = tpu.memref_slice %arg18[%add3A_34, %dma_wait3A_80] : memref<10240x32xf32, #tpu.memory_space<vmem_shared>> -> memref<128x32xf32, #tpu.memory_space<vmem_shared>>
      tpu.wait_dma2 semaphore(%run_scoped3A : memref<!tpu.dma_semaphore, #tpu.memory_space<semaphore_mem>>) src(%arg15 : memref<128x32xf32, #tpu.memory_space<vmem>>) dst(%dma_wait3A_81 : memref<128x32xf32, #tpu.memory_space<vmem_shared>>)
      tpu.yield
    }) : () -> ()
    %barrier3A = arith.constant 0 : index
    tpu.barrier barrier_id(%barrier3A)
    %scan3A_35 = arith.constant 0 : i32
    %scan3A_36 = arith.constant 0 : i32
    %scan3A_37 = arith.constant 164 : i32
    %scan3A_38 = arith.addi %scan3A_36, %scan3A_37 : i32
    %scan3A_39 = arith.constant 1 : i32
    %scan3A_40 = scf.for %scan3A_76 = %scan3A_36 to %scan3A_38 step %scan3A_39 iter_args(%scan3A_77 = %scan3A_35) -> (i32)  : i32 {
      "tpu.region"() ({
        %run_scoped3A = tpu.sem_alloc : memref<!tpu.dma_semaphore, #tpu.memory_space<semaphore_mem>>
        %dma_start3A = arith.constant 0 : i32
        %dma_start3A_86 = tpu.memref_slice %arg9[%scan3A_76, %dma_start3A] : memref<164x128xi32, #tpu.memory_space<vmem>> -> memref<1x128xi32, #tpu.memory_space<vmem>>
        %dma_start3A_87 = tpu.memref_squeeze %dma_start3A_86 : memref<1x128xi32, #tpu.memory_space<vmem>> -> memref<128xi32, #tpu.memory_space<vmem>>
        %dma_start3A_88 = arith.constant 0 : i32
        %dma_start3A_89 = arith.constant 0 : i32
        %dma_start3A_90 = tpu.memref_slice %arg3[%dma_start3A_88, %dma_start3A_89] : memref<20480x16xf32, #tpu.memory_space<hbm>> -> memref<20480x16xf32, #tpu.memory_space<hbm>>
        tpu.enqueue_indirect_dma source(%dma_start3A_90 : memref<20480x16xf32, #tpu.memory_space<hbm>>) target(%arg11 : memref<128x16xf32, #tpu.memory_space<vmem>>) offsets(%dma_start3A_87 : memref<128xi32, #tpu.memory_space<vmem>>) semaphore(%run_scoped3A : memref<!tpu.dma_semaphore, #tpu.memory_space<semaphore_mem>>)
        %dma_wait3A = arith.constant 0 : i32
        %dma_wait3A_91 = tpu.memref_slice %arg9[%scan3A_76, %dma_wait3A] : memref<164x128xi32, #tpu.memory_space<vmem>> -> memref<1x128xi32, #tpu.memory_space<vmem>>
        %dma_wait3A_92 = tpu.memref_squeeze %dma_wait3A_91 : memref<1x128xi32, #tpu.memory_space<vmem>> -> memref<128xi32, #tpu.memory_space<vmem>>
        %dma_wait3A_93 = arith.constant 0 : i32
        %dma_wait3A_94 = arith.constant 0 : i32
        %dma_wait3A_95 = tpu.memref_slice %arg3[%dma_wait3A_93, %dma_wait3A_94] : memref<20480x16xf32, #tpu.memory_space<hbm>> -> memref<20480x16xf32, #tpu.memory_space<hbm>>
        tpu.wait_indirect_dma semaphore(%run_scoped3A : memref<!tpu.dma_semaphore, #tpu.memory_space<semaphore_mem>>) src(%dma_wait3A_95 : memref<20480x16xf32, #tpu.memory_space<hbm>>) dst(%arg11 : memref<128x16xf32, #tpu.memory_space<vmem>>)
        tpu.yield
      }) : () -> ()
      "tpu.region"() ({
        %run_scoped3A = tpu.sem_alloc : memref<!tpu.dma_semaphore, #tpu.memory_space<semaphore_mem>>
        %dma_start3A = arith.constant 0 : i32
        %dma_start3A_86 = tpu.memref_slice %arg10[%scan3A_76, %dma_start3A] : memref<164x128xi32, #tpu.memory_space<vmem>> -> memref<1x128xi32, #tpu.memory_space<vmem>>
        %dma_start3A_87 = tpu.memref_squeeze %dma_start3A_86 : memref<1x128xi32, #tpu.memory_space<vmem>> -> memref<128xi32, #tpu.memory_space<vmem>>
        %dma_start3A_88 = arith.constant 0 : i32
        %dma_start3A_89 = arith.constant 0 : i32
        %dma_start3A_90 = tpu.memref_slice %arg4[%dma_start3A_88, %dma_start3A_89] : memref<10240x16xf32, #tpu.memory_space<hbm>> -> memref<10240x16xf32, #tpu.memory_space<hbm>>
        tpu.enqueue_indirect_dma source(%dma_start3A_90 : memref<10240x16xf32, #tpu.memory_space<hbm>>) target(%arg12 : memref<128x16xf32, #tpu.memory_space<vmem>>) offsets(%dma_start3A_87 : memref<128xi32, #tpu.memory_space<vmem>>) semaphore(%run_scoped3A : memref<!tpu.dma_semaphore, #tpu.memory_space<semaphore_mem>>)
        %dma_wait3A = arith.constant 0 : i32
        %dma_wait3A_91 = tpu.memref_slice %arg10[%scan3A_76, %dma_wait3A] : memref<164x128xi32, #tpu.memory_space<vmem>> -> memref<1x128xi32, #tpu.memory_space<vmem>>
        %dma_wait3A_92 = tpu.memref_squeeze %dma_wait3A_91 : memref<1x128xi32, #tpu.memory_space<vmem>> -> memref<128xi32, #tpu.memory_space<vmem>>
        %dma_wait3A_93 = arith.constant 0 : i32
        %dma_wait3A_94 = arith.constant 0 : i32
        %dma_wait3A_95 = tpu.memref_slice %arg4[%dma_wait3A_93, %dma_wait3A_94] : memref<10240x16xf32, #tpu.memory_space<hbm>> -> memref<10240x16xf32, #tpu.memory_space<hbm>>
        tpu.wait_indirect_dma semaphore(%run_scoped3A : memref<!tpu.dma_semaphore, #tpu.memory_space<semaphore_mem>>) src(%dma_wait3A_95 : memref<10240x16xf32, #tpu.memory_space<hbm>>) dst(%arg12 : memref<128x16xf32, #tpu.memory_space<vmem>>)
        tpu.yield
      }) : () -> ()
      %scan3A_78 = arith.constant 0 : i32
      %scan3A_79 = arith.constant 0 : i32
      %scan3A_80 = arith.constant 128 : i32
      %scan3A_81 = arith.addi %scan3A_79, %scan3A_80 : i32
      %scan3A_82 = arith.constant 1 : i32
      %scan3A_83 = scf.for %scan3A_86 = %scan3A_79 to %scan3A_81 step %scan3A_82 iter_args(%scan3A_87 = %scan3A_78) -> (i32)  : i32 {
        %get3A_88 = arith.index_cast %scan3A_86 : i32 to index
        %get3A_89 = arith.constant 0 : index
        %get3A_90 = tpu.vector_load %arg11[%get3A_88, %get3A_89] {strides = array<i32>} : memref<128x16xf32, #tpu.memory_space<vmem>>, vector<1x16xf32>,
        %get3A_91 = vector.shape_cast %get3A_90 : vector<1x16xf32> to vector<16xf32>
        %get3A_92 = arith.index_cast %scan3A_86 : i32 to index
        %get3A_93 = arith.constant 0 : index
        %get3A_94 = tpu.vector_load %arg12[%get3A_92, %get3A_93] {strides = array<i32>} : memref<128x16xf32, #tpu.memory_space<vmem>>, vector<1x16xf32>,
        %get3A_95 = vector.shape_cast %get3A_94 : vector<1x16xf32> to vector<16xf32>
        %add3A_96 = arith.addf %get3A_91, %get3A_95 : vector<16xf32>
        %ge3A = arith.constant 0.000000e+00 : f32
        %ge3A_97 = vector.broadcast %ge3A : f32 to vector<16xf32>
        %ge3A_98 = arith.cmpf oge, %add3A_96, %ge3A_97 : vector<16xf32>
        %mul3A_99 = arith.constant 2.000000e-01 : f32
        %mul3A_100 = vector.broadcast %mul3A_99 : f32 to vector<16xf32>
        %mul3A_101 = arith.mulf %add3A_96, %mul3A_100 : vector<16xf32>
        %select_n3A = arith.select %ge3A_98, %add3A_96, %mul3A_101 : vector<16xi1>, vector<16xf32>
        %sub3A = arith.subf %select_n3A, %get3A_2 : vector<16xf32>
        %exp3A = math.exp %sub3A : vector<16xf32>
        %swap3A = arith.index_cast %scan3A_86 : i32 to index
        %swap3A_102 = arith.constant 0 : index
        %swap3A_103 = tpu.vector_load %arg13[%swap3A, %swap3A_102] {strides = array<i32>} : memref<128x16xf32, #tpu.memory_space<vmem>>, vector<1x16xf32>,
        %swap3A_104 = vector.shape_cast %swap3A_103 : vector<1x16xf32> to vector<16xf32>
        %swap3A_105 = vector.shape_cast %exp3A : vector<16xf32> to vector<1x16xf32>
        tpu.vector_store %arg13[%swap3A, %swap3A_102], %swap3A_105 {strides = array<i32>} : memref<128x16xf32, #tpu.memory_space<vmem>>, vector<1x16xf32>,
        %scan3A_106 = arith.constant 0 : i32
        scf.yield %scan3A_106 : i32
      }
      %scan3A_84 = arith.constant 128 : i32
      "tpu.region"() ({
        %run_scoped3A = tpu.sem_alloc : memref<!tpu.dma_semaphore, #tpu.memory_space<semaphore_mem>>
        %dma_start3A = arith.constant 0 : i32
        %dma_start3A_86 = tpu.memref_slice %arg10[%scan3A_76, %dma_start3A] : memref<164x128xi32, #tpu.memory_space<vmem>> -> memref<1x128xi32, #tpu.memory_space<vmem>>
        %dma_start3A_87 = tpu.memref_squeeze %dma_start3A_86 : memref<1x128xi32, #tpu.memory_space<vmem>> -> memref<128xi32, #tpu.memory_space<vmem>>
        %dma_start3A_88 = arith.constant 0 : i32
        %dma_start3A_89 = arith.constant 0 : i32
        %dma_start3A_90 = tpu.memref_slice %arg17[%dma_start3A_88, %dma_start3A_89] : memref<10240x16xf32, #tpu.memory_space<vmem_shared>> -> memref<10240x16xf32, #tpu.memory_space<vmem_shared>>
        tpu.enqueue_indirect_dma source(%arg13 : memref<128x16xf32, #tpu.memory_space<vmem>>) target(%dma_start3A_90 : memref<10240x16xf32, #tpu.memory_space<vmem_shared>>) offsets(%dma_start3A_87 : memref<128xi32, #tpu.memory_space<vmem>>) semaphore(%run_scoped3A : memref<!tpu.dma_semaphore, #tpu.memory_space<semaphore_mem>>) {add = true}
        %dma_wait3A = arith.constant 0 : i32
        %dma_wait3A_91 = tpu.memref_slice %arg10[%scan3A_76, %dma_wait3A] : memref<164x128xi32, #tpu.memory_space<vmem>> -> memref<1x128xi32, #tpu.memory_space<vmem>>
        %dma_wait3A_92 = tpu.memref_squeeze %dma_wait3A_91 : memref<1x128xi32, #tpu.memory_space<vmem>> -> memref<128xi32, #tpu.memory_space<vmem>>
        %dma_wait3A_93 = arith.constant 0 : i32
        %dma_wait3A_94 = arith.constant 0 : i32
        %dma_wait3A_95 = tpu.memref_slice %arg17[%dma_wait3A_93, %dma_wait3A_94] : memref<10240x16xf32, #tpu.memory_space<vmem_shared>> -> memref<10240x16xf32, #tpu.memory_space<vmem_shared>>
        tpu.wait_indirect_dma semaphore(%run_scoped3A : memref<!tpu.dma_semaphore, #tpu.memory_space<semaphore_mem>>) src(%arg13 : memref<128x16xf32, #tpu.memory_space<vmem>>) dst(%dma_wait3A_95 : memref<10240x16xf32, #tpu.memory_space<vmem_shared>>)
        tpu.yield
      }) : () -> ()
      %scan3A_85 = arith.constant 0 : i32
      scf.yield %scan3A_85 : i32
    }
    %scan3A_41 = arith.constant 164 : i32
    %barrier3A_42 = arith.constant 0 : index
    tpu.barrier barrier_id(%barrier3A_42)
    %scan3A_43 = arith.constant 0 : i32
    %scan3A_44 = arith.constant 0 : i32
    %scan3A_45 = arith.constant 164 : i32
    %scan3A_46 = arith.addi %scan3A_44, %scan3A_45 : i32
    %scan3A_47 = arith.constant 1 : i32
    %scan3A_48 = scf.for %scan3A_76 = %scan3A_44 to %scan3A_46 step %scan3A_47 iter_args(%scan3A_77 = %scan3A_43) -> (i32)  : i32 {
      "tpu.region"() ({
        %run_scoped3A = tpu.sem_alloc : memref<!tpu.dma_semaphore, #tpu.memory_space<semaphore_mem>>
        %dma_start3A = arith.constant 0 : i32
        %dma_start3A_86 = tpu.memref_slice %arg9[%scan3A_76, %dma_start3A] : memref<164x128xi32, #tpu.memory_space<vmem>> -> memref<1x128xi32, #tpu.memory_space<vmem>>
        %dma_start3A_87 = tpu.memref_squeeze %dma_start3A_86 : memref<1x128xi32, #tpu.memory_space<vmem>> -> memref<128xi32, #tpu.memory_space<vmem>>
        %dma_start3A_88 = arith.constant 0 : i32
        %dma_start3A_89 = arith.constant 0 : i32
        %dma_start3A_90 = tpu.memref_slice %arg3[%dma_start3A_88, %dma_start3A_89] : memref<20480x16xf32, #tpu.memory_space<hbm>> -> memref<20480x16xf32, #tpu.memory_space<hbm>>
        tpu.enqueue_indirect_dma source(%dma_start3A_90 : memref<20480x16xf32, #tpu.memory_space<hbm>>) target(%arg11 : memref<128x16xf32, #tpu.memory_space<vmem>>) offsets(%dma_start3A_87 : memref<128xi32, #tpu.memory_space<vmem>>) semaphore(%run_scoped3A : memref<!tpu.dma_semaphore, #tpu.memory_space<semaphore_mem>>)
        %dma_wait3A = arith.constant 0 : i32
        %dma_wait3A_91 = tpu.memref_slice %arg9[%scan3A_76, %dma_wait3A] : memref<164x128xi32, #tpu.memory_space<vmem>> -> memref<1x128xi32, #tpu.memory_space<vmem>>
        %dma_wait3A_92 = tpu.memref_squeeze %dma_wait3A_91 : memref<1x128xi32, #tpu.memory_space<vmem>> -> memref<128xi32, #tpu.memory_space<vmem>>
        %dma_wait3A_93 = arith.constant 0 : i32
        %dma_wait3A_94 = arith.constant 0 : i32
        %dma_wait3A_95 = tpu.memref_slice %arg3[%dma_wait3A_93, %dma_wait3A_94] : memref<20480x16xf32, #tpu.memory_space<hbm>> -> memref<20480x16xf32, #tpu.memory_space<hbm>>
        tpu.wait_indirect_dma semaphore(%run_scoped3A : memref<!tpu.dma_semaphore, #tpu.memory_space<semaphore_mem>>) src(%dma_wait3A_95 : memref<20480x16xf32, #tpu.memory_space<hbm>>) dst(%arg11 : memref<128x16xf32, #tpu.memory_space<vmem>>)
        tpu.yield
      }) : () -> ()
      "tpu.region"() ({
        %run_scoped3A = tpu.sem_alloc : memref<!tpu.dma_semaphore, #tpu.memory_space<semaphore_mem>>
        %dma_start3A = arith.constant 0 : i32
        %dma_start3A_86 = tpu.memref_slice %arg10[%scan3A_76, %dma_start3A] : memref<164x128xi32, #tpu.memory_space<vmem>> -> memref<1x128xi32, #tpu.memory_space<vmem>>
        %dma_start3A_87 = tpu.memref_squeeze %dma_start3A_86 : memref<1x128xi32, #tpu.memory_space<vmem>> -> memref<128xi32, #tpu.memory_space<vmem>>
        %dma_start3A_88 = arith.constant 0 : i32
        %dma_start3A_89 = arith.constant 0 : i32
        %dma_start3A_90 = tpu.memref_slice %arg4[%dma_start3A_88, %dma_start3A_89] : memref<10240x16xf32, #tpu.memory_space<hbm>> -> memref<10240x16xf32, #tpu.memory_space<hbm>>
        tpu.enqueue_indirect_dma source(%dma_start3A_90 : memref<10240x16xf32, #tpu.memory_space<hbm>>) target(%arg12 : memref<128x16xf32, #tpu.memory_space<vmem>>) offsets(%dma_start3A_87 : memref<128xi32, #tpu.memory_space<vmem>>) semaphore(%run_scoped3A : memref<!tpu.dma_semaphore, #tpu.memory_space<semaphore_mem>>)
        %dma_wait3A = arith.constant 0 : i32
        %dma_wait3A_91 = tpu.memref_slice %arg10[%scan3A_76, %dma_wait3A] : memref<164x128xi32, #tpu.memory_space<vmem>> -> memref<1x128xi32, #tpu.memory_space<vmem>>
        %dma_wait3A_92 = tpu.memref_squeeze %dma_wait3A_91 : memref<1x128xi32, #tpu.memory_space<vmem>> -> memref<128xi32, #tpu.memory_space<vmem>>
        %dma_wait3A_93 = arith.constant 0 : i32
        %dma_wait3A_94 = arith.constant 0 : i32
        %dma_wait3A_95 = tpu.memref_slice %arg4[%dma_wait3A_93, %dma_wait3A_94] : memref<10240x16xf32, #tpu.memory_space<hbm>> -> memref<10240x16xf32, #tpu.memory_space<hbm>>
        tpu.wait_indirect_dma semaphore(%run_scoped3A : memref<!tpu.dma_semaphore, #tpu.memory_space<semaphore_mem>>) src(%dma_wait3A_95 : memref<10240x16xf32, #tpu.memory_space<hbm>>) dst(%arg12 : memref<128x16xf32, #tpu.memory_space<vmem>>)
        tpu.yield
      }) : () -> ()
      "tpu.region"() ({
        %run_scoped3A = tpu.sem_alloc : memref<!tpu.dma_semaphore, #tpu.memory_space<semaphore_mem>>
        %dma_start3A = arith.constant 0 : i32
        %dma_start3A_86 = tpu.memref_slice %arg9[%scan3A_76, %dma_start3A] : memref<164x128xi32, #tpu.memory_space<vmem>> -> memref<1x128xi32, #tpu.memory_space<vmem>>
        %dma_start3A_87 = tpu.memref_squeeze %dma_start3A_86 : memref<1x128xi32, #tpu.memory_space<vmem>> -> memref<128xi32, #tpu.memory_space<vmem>>
        %dma_start3A_88 = arith.constant 0 : i32
        %dma_start3A_89 = arith.constant 0 : i32
        %dma_start3A_90 = tpu.memref_slice %arg2[%dma_start3A_88, %dma_start3A_89] : memref<20480x32xf32, #tpu.memory_space<hbm>> -> memref<20480x32xf32, #tpu.memory_space<hbm>>
        tpu.enqueue_indirect_dma source(%dma_start3A_90 : memref<20480x32xf32, #tpu.memory_space<hbm>>) target(%arg15 : memref<128x32xf32, #tpu.memory_space<vmem>>) offsets(%dma_start3A_87 : memref<128xi32, #tpu.memory_space<vmem>>) semaphore(%run_scoped3A : memref<!tpu.dma_semaphore, #tpu.memory_space<semaphore_mem>>)
        %dma_wait3A = arith.constant 0 : i32
        %dma_wait3A_91 = tpu.memref_slice %arg9[%scan3A_76, %dma_wait3A] : memref<164x128xi32, #tpu.memory_space<vmem>> -> memref<1x128xi32, #tpu.memory_space<vmem>>
        %dma_wait3A_92 = tpu.memref_squeeze %dma_wait3A_91 : memref<1x128xi32, #tpu.memory_space<vmem>> -> memref<128xi32, #tpu.memory_space<vmem>>
        %dma_wait3A_93 = arith.constant 0 : i32
        %dma_wait3A_94 = arith.constant 0 : i32
        %dma_wait3A_95 = tpu.memref_slice %arg2[%dma_wait3A_93, %dma_wait3A_94] : memref<20480x32xf32, #tpu.memory_space<hbm>> -> memref<20480x32xf32, #tpu.memory_space<hbm>>
        tpu.wait_indirect_dma semaphore(%run_scoped3A : memref<!tpu.dma_semaphore, #tpu.memory_space<semaphore_mem>>) src(%dma_wait3A_95 : memref<20480x32xf32, #tpu.memory_space<hbm>>) dst(%arg15 : memref<128x32xf32, #tpu.memory_space<vmem>>)
        tpu.yield
      }) : () -> ()
      "tpu.region"() ({
        %run_scoped3A = tpu.sem_alloc : memref<!tpu.dma_semaphore, #tpu.memory_space<semaphore_mem>>
        %dma_start3A = arith.constant 0 : i32
        %dma_start3A_86 = tpu.memref_slice %arg10[%scan3A_76, %dma_start3A] : memref<164x128xi32, #tpu.memory_space<vmem>> -> memref<1x128xi32, #tpu.memory_space<vmem>>
        %dma_start3A_87 = tpu.memref_squeeze %dma_start3A_86 : memref<1x128xi32, #tpu.memory_space<vmem>> -> memref<128xi32, #tpu.memory_space<vmem>>
        %dma_start3A_88 = arith.constant 0 : i32
        %dma_start3A_89 = arith.constant 0 : i32
        %dma_start3A_90 = tpu.memref_slice %arg17[%dma_start3A_88, %dma_start3A_89] : memref<10240x16xf32, #tpu.memory_space<vmem_shared>> -> memref<10240x16xf32, #tpu.memory_space<vmem_shared>>
        tpu.enqueue_indirect_dma source(%dma_start3A_90 : memref<10240x16xf32, #tpu.memory_space<vmem_shared>>) target(%arg14 : memref<128x16xf32, #tpu.memory_space<vmem>>) offsets(%dma_start3A_87 : memref<128xi32, #tpu.memory_space<vmem>>) semaphore(%run_scoped3A : memref<!tpu.dma_semaphore, #tpu.memory_space<semaphore_mem>>)
        %dma_wait3A = arith.constant 0 : i32
        %dma_wait3A_91 = tpu.memref_slice %arg10[%scan3A_76, %dma_wait3A] : memref<164x128xi32, #tpu.memory_space<vmem>> -> memref<1x128xi32, #tpu.memory_space<vmem>>
        %dma_wait3A_92 = tpu.memref_squeeze %dma_wait3A_91 : memref<1x128xi32, #tpu.memory_space<vmem>> -> memref<128xi32, #tpu.memory_space<vmem>>
        %dma_wait3A_93 = arith.constant 0 : i32
        %dma_wait3A_94 = arith.constant 0 : i32
        %dma_wait3A_95 = tpu.memref_slice %arg17[%dma_wait3A_93, %dma_wait3A_94] : memref<10240x16xf32, #tpu.memory_space<vmem_shared>> -> memref<10240x16xf32, #tpu.memory_space<vmem_shared>>
        tpu.wait_indirect_dma semaphore(%run_scoped3A : memref<!tpu.dma_semaphore, #tpu.memory_space<semaphore_mem>>) src(%dma_wait3A_95 : memref<10240x16xf32, #tpu.memory_space<vmem_shared>>) dst(%arg14 : memref<128x16xf32, #tpu.memory_space<vmem>>)
        tpu.yield
      }) : () -> ()
      %scan3A_78 = arith.constant 0 : i32
      %scan3A_79 = arith.constant 0 : i32
      %scan3A_80 = arith.constant 128 : i32
      %scan3A_81 = arith.addi %scan3A_79, %scan3A_80 : i32
      %scan3A_82 = arith.constant 1 : i32
      %scan3A_83 = scf.for %scan3A_86 = %scan3A_79 to %scan3A_81 step %scan3A_82 iter_args(%scan3A_87 = %scan3A_78) -> (i32)  : i32 {
        %get3A_88 = arith.index_cast %scan3A_86 : i32 to index
        %get3A_89 = arith.constant 0 : index
        %get3A_90 = tpu.vector_load %arg11[%get3A_88, %get3A_89] {strides = array<i32>} : memref<128x16xf32, #tpu.memory_space<vmem>>, vector<1x16xf32>,
        %get3A_91 = vector.shape_cast %get3A_90 : vector<1x16xf32> to vector<16xf32>
        %get3A_92 = arith.index_cast %scan3A_86 : i32 to index
        %get3A_93 = arith.constant 0 : index
        %get3A_94 = tpu.vector_load %arg12[%get3A_92, %get3A_93] {strides = array<i32>} : memref<128x16xf32, #tpu.memory_space<vmem>>, vector<1x16xf32>,
        %get3A_95 = vector.shape_cast %get3A_94 : vector<1x16xf32> to vector<16xf32>
        %add3A_96 = arith.addf %get3A_91, %get3A_95 : vector<16xf32>
        %ge3A = arith.constant 0.000000e+00 : f32
        %ge3A_97 = vector.broadcast %ge3A : f32 to vector<16xf32>
        %ge3A_98 = arith.cmpf oge, %add3A_96, %ge3A_97 : vector<16xf32>
        %mul3A_99 = arith.constant 2.000000e-01 : f32
        %mul3A_100 = vector.broadcast %mul3A_99 : f32 to vector<16xf32>
        %mul3A_101 = arith.mulf %add3A_96, %mul3A_100 : vector<16xf32>
        %select_n3A = arith.select %ge3A_98, %add3A_96, %mul3A_101 : vector<16xi1>, vector<16xf32>
        %sub3A = arith.subf %select_n3A, %get3A_2 : vector<16xf32>
        %exp3A = math.exp %sub3A : vector<16xf32>
        %get3A_102 = arith.index_cast %scan3A_86 : i32 to index
        %get3A_103 = arith.constant 0 : index
        %get3A_104 = tpu.vector_load %arg14[%get3A_102, %get3A_103] {strides = array<i32>} : memref<128x16xf32, #tpu.memory_space<vmem>>, vector<1x16xf32>,
        %get3A_105 = vector.shape_cast %get3A_104 : vector<1x16xf32> to vector<16xf32>
        %add3A_106 = arith.constant 1.000000e-16 : f32
        %add3A_107 = vector.broadcast %add3A_106 : f32 to vector<16xf32>
        %add3A_108 = arith.addf %get3A_105, %add3A_107 : vector<16xf32>
        %div3A = arith.divf %exp3A, %add3A_108 : vector<16xf32>
        %broadcast_in_dim3A = arith.constant 0 : i32
        %broadcast_in_dim3A_109 = vector.broadcast %broadcast_in_dim3A : i32 to vector<16xi32>
        %lt3A = arith.constant 0 : i32
        %lt3A_110 = vector.broadcast %lt3A : i32 to vector<16xi32>
        %lt3A_111 = arith.cmpi slt, %broadcast_in_dim3A_109, %lt3A_110 : vector<16xi32>
        %add3A_112 = arith.constant 16 : i32
        %add3A_113 = vector.broadcast %add3A_112 : i32 to vector<16xi32>
        %add3A_114 = arith.addi %broadcast_in_dim3A_109, %add3A_113 : vector<16xi32>
        %select_n3A_115 = arith.select %lt3A_111, %add3A_114, %broadcast_in_dim3A_109 : vector<16xi1>, vector<16xi32>
        %broadcast_in_dim3A_116 = vector.shape_cast %select_n3A_115 : vector<16xi32> to vector<16x1xi32>
        %gather3A = vector.shape_cast %broadcast_in_dim3A_116 : vector<16x1xi32> to vector<16xi32>
        %gather3A_117 = tpu.dynamic_gather %div3A[%gather3A] in [0] : vector<16xf32>, vector<16xi32> -> vector<16xf32>
        %get3A_118 = arith.index_cast %scan3A_86 : i32 to index
        %get3A_119 = arith.constant 0 : index
        %get3A_120 = tpu.vector_load %arg15[%get3A_118, %get3A_119] {strides = array<i32>} : memref<128x32xf32, #tpu.memory_space<vmem>>, vector<1x16xf32>,
        %get3A_121 = vector.shape_cast %get3A_120 : vector<1x16xf32> to vector<16xf32>
        %mul3A_122 = arith.mulf %get3A_121, %gather3A_117 : vector<16xf32>
        %swap3A = arith.index_cast %scan3A_86 : i32 to index
        %swap3A_123 = arith.constant 0 : index
        %swap3A_124 = tpu.vector_load %arg15[%swap3A, %swap3A_123] {strides = array<i32>} : memref<128x32xf32, #tpu.memory_space<vmem>>, vector<1x16xf32>,
        %swap3A_125 = vector.shape_cast %swap3A_124 : vector<1x16xf32> to vector<16xf32>
        %swap3A_126 = vector.shape_cast %mul3A_122 : vector<16xf32> to vector<1x16xf32>
        tpu.vector_store %arg15[%swap3A, %swap3A_123], %swap3A_126 {strides = array<i32>} : memref<128x32xf32, #tpu.memory_space<vmem>>, vector<1x16xf32>,
        %broadcast_in_dim3A_127 = arith.constant 0 : i32
        %broadcast_in_dim3A_128 = vector.broadcast %broadcast_in_dim3A_127 : i32 to vector<16xi32>
        %lt3A_129 = arith.constant 0 : i32
        %lt3A_130 = vector.broadcast %lt3A_129 : i32 to vector<16xi32>
        %lt3A_131 = arith.cmpi slt, %broadcast_in_dim3A_128, %lt3A_130 : vector<16xi32>
        %add3A_132 = arith.constant 16 : i32
        %add3A_133 = vector.broadcast %add3A_132 : i32 to vector<16xi32>
        %add3A_134 = arith.addi %broadcast_in_dim3A_128, %add3A_133 : vector<16xi32>
        %select_n3A_135 = arith.select %lt3A_131, %add3A_134, %broadcast_in_dim3A_128 : vector<16xi1>, vector<16xi32>
        %broadcast_in_dim3A_136 = vector.shape_cast %select_n3A_135 : vector<16xi32> to vector<16x1xi32>
        %gather3A_137 = vector.shape_cast %broadcast_in_dim3A_136 : vector<16x1xi32> to vector<16xi32>
        %gather3A_138 = tpu.dynamic_gather %div3A[%gather3A_137] in [0] : vector<16xf32>, vector<16xi32> -> vector<16xf32>
        %get3A_139 = arith.index_cast %scan3A_86 : i32 to index
        %get3A_140 = arith.constant 16 : index
        %get3A_141 = tpu.vector_load %arg15[%get3A_139, %get3A_140] {strides = array<i32>} : memref<128x32xf32, #tpu.memory_space<vmem>>, vector<1x16xf32>,
        %get3A_142 = vector.shape_cast %get3A_141 : vector<1x16xf32> to vector<16xf32>
        %mul3A_143 = arith.mulf %get3A_142, %gather3A_138 : vector<16xf32>
        %swap3A_144 = arith.index_cast %scan3A_86 : i32 to index
        %swap3A_145 = arith.constant 16 : index
        %swap3A_146 = tpu.vector_load %arg15[%swap3A_144, %swap3A_145] {strides = array<i32>} : memref<128x32xf32, #tpu.memory_space<vmem>>, vector<1x16xf32>,
        %swap3A_147 = vector.shape_cast %swap3A_146 : vector<1x16xf32> to vector<16xf32>
        %swap3A_148 = vector.shape_cast %mul3A_143 : vector<16xf32> to vector<1x16xf32>
        tpu.vector_store %arg15[%swap3A_144, %swap3A_145], %swap3A_148 {strides = array<i32>} : memref<128x32xf32, #tpu.memory_space<vmem>>, vector<1x16xf32>,
        %scan3A_149 = arith.constant 0 : i32
        scf.yield %scan3A_149 : i32
      }
      %scan3A_84 = arith.constant 128 : i32
      "tpu.region"() ({
        %run_scoped3A = tpu.sem_alloc : memref<!tpu.dma_semaphore, #tpu.memory_space<semaphore_mem>>
        %dma_start3A = arith.constant 0 : i32
        %dma_start3A_86 = tpu.memref_slice %arg10[%scan3A_76, %dma_start3A] : memref<164x128xi32, #tpu.memory_space<vmem>> -> memref<1x128xi32, #tpu.memory_space<vmem>>
        %dma_start3A_87 = tpu.memref_squeeze %dma_start3A_86 : memref<1x128xi32, #tpu.memory_space<vmem>> -> memref<128xi32, #tpu.memory_space<vmem>>
        %dma_start3A_88 = arith.constant 0 : i32
        %dma_start3A_89 = arith.constant 0 : i32
        %dma_start3A_90 = tpu.memref_slice %arg18[%dma_start3A_88, %dma_start3A_89] : memref<10240x32xf32, #tpu.memory_space<vmem_shared>> -> memref<10240x32xf32, #tpu.memory_space<vmem_shared>>
        tpu.enqueue_indirect_dma source(%arg15 : memref<128x32xf32, #tpu.memory_space<vmem>>) target(%dma_start3A_90 : memref<10240x32xf32, #tpu.memory_space<vmem_shared>>) offsets(%dma_start3A_87 : memref<128xi32, #tpu.memory_space<vmem>>) semaphore(%run_scoped3A : memref<!tpu.dma_semaphore, #tpu.memory_space<semaphore_mem>>) {add = true}
        %dma_wait3A = arith.constant 0 : i32
        %dma_wait3A_91 = tpu.memref_slice %arg10[%scan3A_76, %dma_wait3A] : memref<164x128xi32, #tpu.memory_space<vmem>> -> memref<1x128xi32, #tpu.memory_space<vmem>>
        %dma_wait3A_92 = tpu.memref_squeeze %dma_wait3A_91 : memref<1x128xi32, #tpu.memory_space<vmem>> -> memref<128xi32, #tpu.memory_space<vmem>>
        %dma_wait3A_93 = arith.constant 0 : i32
        %dma_wait3A_94 = arith.constant 0 : i32
        %dma_wait3A_95 = tpu.memref_slice %arg18[%dma_wait3A_93, %dma_wait3A_94] : memref<10240x32xf32, #tpu.memory_space<vmem_shared>> -> memref<10240x32xf32, #tpu.memory_space<vmem_shared>>
        tpu.wait_indirect_dma semaphore(%run_scoped3A : memref<!tpu.dma_semaphore, #tpu.memory_space<semaphore_mem>>) src(%arg15 : memref<128x32xf32, #tpu.memory_space<vmem>>) dst(%dma_wait3A_95 : memref<10240x32xf32, #tpu.memory_space<vmem_shared>>)
        tpu.yield
      }) : () -> ()
      %scan3A_85 = arith.constant 0 : i32
      scf.yield %scan3A_85 : i32
    }
    %scan3A_49 = arith.constant 164 : i32
    %barrier3A_50 = arith.constant 0 : index
    tpu.barrier barrier_id(%barrier3A_50)
    %mul3A_51 = arith.constant 640 : i32
    %mul3A_52 = arith.muli %arg1, %mul3A_51 : i32
    %add3A_53 = arith.constant 0 : i32
    %add3A_54 = arith.addi %mul3A_52, %add3A_53 : i32
    "tpu.region"() ({
      %run_scoped3A = tpu.sem_alloc : memref<!tpu.dma_semaphore, #tpu.memory_space<semaphore_mem>>
      %dma_start3A = arith.constant 0 : i32
      %dma_start3A_76 = tpu.memref_slice %arg18[%add3A_54, %dma_start3A] : memref<10240x32xf32, #tpu.memory_space<vmem_shared>> -> memref<128x32xf32, #tpu.memory_space<vmem_shared>>
      %dma_start3A_77 = arith.constant 0 : i32
      %dma_start3A_78 = tpu.memref_slice %arg18[%add3A_54, %dma_start3A_77] : memref<10240x32xf32, #tpu.memory_space<vmem_shared>> -> memref<128x32xf32, #tpu.memory_space<vmem_shared>>
      tpu.enqueue_dma source(%dma_start3A_78 : memref<128x32xf32, #tpu.memory_space<vmem_shared>>) target(%arg15 : memref<128x32xf32, #tpu.memory_space<vmem>>) target_semaphore(%run_scoped3A : memref<!tpu.dma_semaphore, #tpu.memory_space<semaphore_mem>>)
      %dma_wait3A = arith.constant 0 : i32
      %dma_wait3A_79 = tpu.memref_slice %arg18[%add3A_54, %dma_wait3A] : memref<10240x32xf32, #tpu.memory_space<vmem_shared>> -> memref<128x32xf32, #tpu.memory_space<vmem_shared>>
      %dma_wait3A_80 = arith.constant 0 : i32
      %dma_wait3A_81 = tpu.memref_slice %arg18[%add3A_54, %dma_wait3A_80] : memref<10240x32xf32, #tpu.memory_space<vmem_shared>> -> memref<128x32xf32, #tpu.memory_space<vmem_shared>>
      tpu.wait_dma2 semaphore(%run_scoped3A : memref<!tpu.dma_semaphore, #tpu.memory_space<semaphore_mem>>) src(%dma_wait3A_81 : memref<128x32xf32, #tpu.memory_space<vmem_shared>>) dst(%arg15 : memref<128x32xf32, #tpu.memory_space<vmem>>)
      tpu.yield
    }) : () -> ()
    %add3A_55 = arith.addi %mul3A_0, %add3A_54 : i32
    "tpu.region"() ({
      %run_scoped3A = tpu.sem_alloc : memref<!tpu.dma_semaphore, #tpu.memory_space<semaphore_mem>>
      %dma_start3A = arith.constant 0 : i32
      %dma_start3A_76 = tpu.memref_slice %arg8[%add3A_55, %dma_start3A] : memref<20480x32xf32, #tpu.memory_space<hbm>> -> memref<128x32xf32, #tpu.memory_space<hbm>>
      %dma_start3A_77 = arith.constant 0 : i32
      %dma_start3A_78 = tpu.memref_slice %arg8[%add3A_55, %dma_start3A_77] : memref<20480x32xf32, #tpu.memory_space<hbm>> -> memref<128x32xf32, #tpu.memory_space<hbm>>
      tpu.enqueue_dma source(%arg15 : memref<128x32xf32, #tpu.memory_space<vmem>>) target(%dma_start3A_78 : memref<128x32xf32, #tpu.memory_space<hbm>>) target_semaphore(%run_scoped3A : memref<!tpu.dma_semaphore, #tpu.memory_space<semaphore_mem>>)
      %dma_wait3A = arith.constant 0 : i32
      %dma_wait3A_79 = tpu.memref_slice %arg8[%add3A_55, %dma_wait3A] : memref<20480x32xf32, #tpu.memory_space<hbm>> -> memref<128x32xf32, #tpu.memory_space<hbm>>
      %dma_wait3A_80 = arith.constant 0 : i32
      %dma_wait3A_81 = tpu.memref_slice %arg8[%add3A_55, %dma_wait3A_80] : memref<20480x32xf32, #tpu.memory_space<hbm>> -> memref<128x32xf32, #tpu.memory_space<hbm>>
      tpu.wait_dma2 semaphore(%run_scoped3A : memref<!tpu.dma_semaphore, #tpu.memory_space<semaphore_mem>>) src(%arg15 : memref<128x32xf32, #tpu.memory_space<vmem>>) dst(%dma_wait3A_81 : memref<128x32xf32, #tpu.memory_space<hbm>>)
      tpu.yield
    }) : () -> ()
    %mul3A_56 = arith.constant 640 : i32
    %mul3A_57 = arith.muli %arg1, %mul3A_56 : i32
    %add3A_58 = arith.constant 128 : i32
    %add3A_59 = arith.addi %mul3A_57, %add3A_58 : i32
    "tpu.region"() ({
      %run_scoped3A = tpu.sem_alloc : memref<!tpu.dma_semaphore, #tpu.memory_space<semaphore_mem>>
      %dma_start3A = arith.constant 0 : i32
      %dma_start3A_76 = tpu.memref_slice %arg18[%add3A_59, %dma_start3A] : memref<10240x32xf32, #tpu.memory_space<vmem_shared>> -> memref<128x32xf32, #tpu.memory_space<vmem_shared>>
      %dma_start3A_77 = arith.constant 0 : i32
      %dma_start3A_78 = tpu.memref_slice %arg18[%add3A_59, %dma_start3A_77] : memref<10240x32xf32, #tpu.memory_space<vmem_shared>> -> memref<128x32xf32, #tpu.memory_space<vmem_shared>>
      tpu.enqueue_dma source(%dma_start3A_78 : memref<128x32xf32, #tpu.memory_space<vmem_shared>>) target(%arg15 : memref<128x32xf32, #tpu.memory_space<vmem>>) target_semaphore(%run_scoped3A : memref<!tpu.dma_semaphore, #tpu.memory_space<semaphore_mem>>)
      %dma_wait3A = arith.constant 0 : i32
      %dma_wait3A_79 = tpu.memref_slice %arg18[%add3A_59, %dma_wait3A] : memref<10240x32xf32, #tpu.memory_space<vmem_shared>> -> memref<128x32xf32, #tpu.memory_space<vmem_shared>>
      %dma_wait3A_80 = arith.constant 0 : i32
      %dma_wait3A_81 = tpu.memref_slice %arg18[%add3A_59, %dma_wait3A_80] : memref<10240x32xf32, #tpu.memory_space<vmem_shared>> -> memref<128x32xf32, #tpu.memory_space<vmem_shared>>
      tpu.wait_dma2 semaphore(%run_scoped3A : memref<!tpu.dma_semaphore, #tpu.memory_space<semaphore_mem>>) src(%dma_wait3A_81 : memref<128x32xf32, #tpu.memory_space<vmem_shared>>) dst(%arg15 : memref<128x32xf32, #tpu.memory_space<vmem>>)
      tpu.yield
    }) : () -> ()
    %add3A_60 = arith.addi %mul3A_0, %add3A_59 : i32
    "tpu.region"() ({
      %run_scoped3A = tpu.sem_alloc : memref<!tpu.dma_semaphore, #tpu.memory_space<semaphore_mem>>
      %dma_start3A = arith.constant 0 : i32
      %dma_start3A_76 = tpu.memref_slice %arg8[%add3A_60, %dma_start3A] : memref<20480x32xf32, #tpu.memory_space<hbm>> -> memref<128x32xf32, #tpu.memory_space<hbm>>
      %dma_start3A_77 = arith.constant 0 : i32
      %dma_start3A_78 = tpu.memref_slice %arg8[%add3A_60, %dma_start3A_77] : memref<20480x32xf32, #tpu.memory_space<hbm>> -> memref<128x32xf32, #tpu.memory_space<hbm>>
      tpu.enqueue_dma source(%arg15 : memref<128x32xf32, #tpu.memory_space<vmem>>) target(%dma_start3A_78 : memref<128x32xf32, #tpu.memory_space<hbm>>) target_semaphore(%run_scoped3A : memref<!tpu.dma_semaphore, #tpu.memory_space<semaphore_mem>>)
      %dma_wait3A = arith.constant 0 : i32
      %dma_wait3A_79 = tpu.memref_slice %arg8[%add3A_60, %dma_wait3A] : memref<20480x32xf32, #tpu.memory_space<hbm>> -> memref<128x32xf32, #tpu.memory_space<hbm>>
      %dma_wait3A_80 = arith.constant 0 : i32
      %dma_wait3A_81 = tpu.memref_slice %arg8[%add3A_60, %dma_wait3A_80] : memref<20480x32xf32, #tpu.memory_space<hbm>> -> memref<128x32xf32, #tpu.memory_space<hbm>>
      tpu.wait_dma2 semaphore(%run_scoped3A : memref<!tpu.dma_semaphore, #tpu.memory_space<semaphore_mem>>) src(%arg15 : memref<128x32xf32, #tpu.memory_space<vmem>>) dst(%dma_wait3A_81 : memref<128x32xf32, #tpu.memory_space<hbm>>)
      tpu.yield
    }) : () -> ()
    %mul3A_61 = arith.constant 640 : i32
    %mul3A_62 = arith.muli %arg1, %mul3A_61 : i32
    %add3A_63 = arith.constant 256 : i32
    %add3A_64 = arith.addi %mul3A_62, %add3A_63 : i32
    "tpu.region"() ({
      %run_scoped3A = tpu.sem_alloc : memref<!tpu.dma_semaphore, #tpu.memory_space<semaphore_mem>>
      %dma_start3A = arith.constant 0 : i32
      %dma_start3A_76 = tpu.memref_slice %arg18[%add3A_64, %dma_start3A] : memref<10240x32xf32, #tpu.memory_space<vmem_shared>> -> memref<128x32xf32, #tpu.memory_space<vmem_shared>>
      %dma_start3A_77 = arith.constant 0 : i32
      %dma_start3A_78 = tpu.memref_slice %arg18[%add3A_64, %dma_start3A_77] : memref<10240x32xf32, #tpu.memory_space<vmem_shared>> -> memref<128x32xf32, #tpu.memory_space<vmem_shared>>
      tpu.enqueue_dma source(%dma_start3A_78 : memref<128x32xf32, #tpu.memory_space<vmem_shared>>) target(%arg15 : memref<128x32xf32, #tpu.memory_space<vmem>>) target_semaphore(%run_scoped3A : memref<!tpu.dma_semaphore, #tpu.memory_space<semaphore_mem>>)
      %dma_wait3A = arith.constant 0 : i32
      %dma_wait3A_79 = tpu.memref_slice %arg18[%add3A_64, %dma_wait3A] : memref<10240x32xf32, #tpu.memory_space<vmem_shared>> -> memref<128x32xf32, #tpu.memory_space<vmem_shared>>
      %dma_wait3A_80 = arith.constant 0 : i32
      %dma_wait3A_81 = tpu.memref_slice %arg18[%add3A_64, %dma_wait3A_80] : memref<10240x32xf32, #tpu.memory_space<vmem_shared>> -> memref<128x32xf32, #tpu.memory_space<vmem_shared>>
      tpu.wait_dma2 semaphore(%run_scoped3A : memref<!tpu.dma_semaphore, #tpu.memory_space<semaphore_mem>>) src(%dma_wait3A_81 : memref<128x32xf32, #tpu.memory_space<vmem_shared>>) dst(%arg15 : memref<128x32xf32, #tpu.memory_space<vmem>>)
      tpu.yield
    }) : () -> ()
    %add3A_65 = arith.addi %mul3A_0, %add3A_64 : i32
    "tpu.region"() ({
      %run_scoped3A = tpu.sem_alloc : memref<!tpu.dma_semaphore, #tpu.memory_space<semaphore_mem>>
      %dma_start3A = arith.constant 0 : i32
      %dma_start3A_76 = tpu.memref_slice %arg8[%add3A_65, %dma_start3A] : memref<20480x32xf32, #tpu.memory_space<hbm>> -> memref<128x32xf32, #tpu.memory_space<hbm>>
      %dma_start3A_77 = arith.constant 0 : i32
      %dma_start3A_78 = tpu.memref_slice %arg8[%add3A_65, %dma_start3A_77] : memref<20480x32xf32, #tpu.memory_space<hbm>> -> memref<128x32xf32, #tpu.memory_space<hbm>>
      tpu.enqueue_dma source(%arg15 : memref<128x32xf32, #tpu.memory_space<vmem>>) target(%dma_start3A_78 : memref<128x32xf32, #tpu.memory_space<hbm>>) target_semaphore(%run_scoped3A : memref<!tpu.dma_semaphore, #tpu.memory_space<semaphore_mem>>)
      %dma_wait3A = arith.constant 0 : i32
      %dma_wait3A_79 = tpu.memref_slice %arg8[%add3A_65, %dma_wait3A] : memref<20480x32xf32, #tpu.memory_space<hbm>> -> memref<128x32xf32, #tpu.memory_space<hbm>>
      %dma_wait3A_80 = arith.constant 0 : i32
      %dma_wait3A_81 = tpu.memref_slice %arg8[%add3A_65, %dma_wait3A_80] : memref<20480x32xf32, #tpu.memory_space<hbm>> -> memref<128x32xf32, #tpu.memory_space<hbm>>
      tpu.wait_dma2 semaphore(%run_scoped3A : memref<!tpu.dma_semaphore, #tpu.memory_space<semaphore_mem>>) src(%arg15 : memref<128x32xf32, #tpu.memory_space<vmem>>) dst(%dma_wait3A_81 : memref<128x32xf32, #tpu.memory_space<hbm>>)
      tpu.yield
    }) : () -> ()
    %mul3A_66 = arith.constant 640 : i32
    %mul3A_67 = arith.muli %arg1, %mul3A_66 : i32
    %add3A_68 = arith.constant 384 : i32
    %add3A_69 = arith.addi %mul3A_67, %add3A_68 : i32
    "tpu.region"() ({
      %run_scoped3A = tpu.sem_alloc : memref<!tpu.dma_semaphore, #tpu.memory_space<semaphore_mem>>
      %dma_start3A = arith.constant 0 : i32
      %dma_start3A_76 = tpu.memref_slice %arg18[%add3A_69, %dma_start3A] : memref<10240x32xf32, #tpu.memory_space<vmem_shared>> -> memref<128x32xf32, #tpu.memory_space<vmem_shared>>
      %dma_start3A_77 = arith.constant 0 : i32
      %dma_start3A_78 = tpu.memref_slice %arg18[%add3A_69, %dma_start3A_77] : memref<10240x32xf32, #tpu.memory_space<vmem_shared>> -> memref<128x32xf32, #tpu.memory_space<vmem_shared>>
      tpu.enqueue_dma source(%dma_start3A_78 : memref<128x32xf32, #tpu.memory_space<vmem_shared>>) target(%arg15 : memref<128x32xf32, #tpu.memory_space<vmem>>) target_semaphore(%run_scoped3A : memref<!tpu.dma_semaphore, #tpu.memory_space<semaphore_mem>>)
      %dma_wait3A = arith.constant 0 : i32
      %dma_wait3A_79 = tpu.memref_slice %arg18[%add3A_69, %dma_wait3A] : memref<10240x32xf32, #tpu.memory_space<vmem_shared>> -> memref<128x32xf32, #tpu.memory_space<vmem_shared>>
      %dma_wait3A_80 = arith.constant 0 : i32
      %dma_wait3A_81 = tpu.memref_slice %arg18[%add3A_69, %dma_wait3A_80] : memref<10240x32xf32, #tpu.memory_space<vmem_shared>> -> memref<128x32xf32, #tpu.memory_space<vmem_shared>>
      tpu.wait_dma2 semaphore(%run_scoped3A : memref<!tpu.dma_semaphore, #tpu.memory_space<semaphore_mem>>) src(%dma_wait3A_81 : memref<128x32xf32, #tpu.memory_space<vmem_shared>>) dst(%arg15 : memref<128x32xf32, #tpu.memory_space<vmem>>)
      tpu.yield
    }) : () -> ()
    %add3A_70 = arith.addi %mul3A_0, %add3A_69 : i32
    "tpu.region"() ({
      %run_scoped3A = tpu.sem_alloc : memref<!tpu.dma_semaphore, #tpu.memory_space<semaphore_mem>>
      %dma_start3A = arith.constant 0 : i32
      %dma_start3A_76 = tpu.memref_slice %arg8[%add3A_70, %dma_start3A] : memref<20480x32xf32, #tpu.memory_space<hbm>> -> memref<128x32xf32, #tpu.memory_space<hbm>>
      %dma_start3A_77 = arith.constant 0 : i32
      %dma_start3A_78 = tpu.memref_slice %arg8[%add3A_70, %dma_start3A_77] : memref<20480x32xf32, #tpu.memory_space<hbm>> -> memref<128x32xf32, #tpu.memory_space<hbm>>
      tpu.enqueue_dma source(%arg15 : memref<128x32xf32, #tpu.memory_space<vmem>>) target(%dma_start3A_78 : memref<128x32xf32, #tpu.memory_space<hbm>>) target_semaphore(%run_scoped3A : memref<!tpu.dma_semaphore, #tpu.memory_space<semaphore_mem>>)
      %dma_wait3A = arith.constant 0 : i32
      %dma_wait3A_79 = tpu.memref_slice %arg8[%add3A_70, %dma_wait3A] : memref<20480x32xf32, #tpu.memory_space<hbm>> -> memref<128x32xf32, #tpu.memory_space<hbm>>
      %dma_wait3A_80 = arith.constant 0 : i32
      %dma_wait3A_81 = tpu.memref_slice %arg8[%add3A_70, %dma_wait3A_80] : memref<20480x32xf32, #tpu.memory_space<hbm>> -> memref<128x32xf32, #tpu.memory_space<hbm>>
      tpu.wait_dma2 semaphore(%run_scoped3A : memref<!tpu.dma_semaphore, #tpu.memory_space<semaphore_mem>>) src(%arg15 : memref<128x32xf32, #tpu.memory_space<vmem>>) dst(%dma_wait3A_81 : memref<128x32xf32, #tpu.memory_space<hbm>>)
      tpu.yield
    }) : () -> ()
    %mul3A_71 = arith.constant 640 : i32
    %mul3A_72 = arith.muli %arg1, %mul3A_71 : i32
    %add3A_73 = arith.constant 512 : i32
    %add3A_74 = arith.addi %mul3A_72, %add3A_73 : i32
    "tpu.region"() ({
      %run_scoped3A = tpu.sem_alloc : memref<!tpu.dma_semaphore, #tpu.memory_space<semaphore_mem>>
      %dma_start3A = arith.constant 0 : i32
      %dma_start3A_76 = tpu.memref_slice %arg18[%add3A_74, %dma_start3A] : memref<10240x32xf32, #tpu.memory_space<vmem_shared>> -> memref<128x32xf32, #tpu.memory_space<vmem_shared>>
      %dma_start3A_77 = arith.constant 0 : i32
      %dma_start3A_78 = tpu.memref_slice %arg18[%add3A_74, %dma_start3A_77] : memref<10240x32xf32, #tpu.memory_space<vmem_shared>> -> memref<128x32xf32, #tpu.memory_space<vmem_shared>>
      tpu.enqueue_dma source(%dma_start3A_78 : memref<128x32xf32, #tpu.memory_space<vmem_shared>>) target(%arg15 : memref<128x32xf32, #tpu.memory_space<vmem>>) target_semaphore(%run_scoped3A : memref<!tpu.dma_semaphore, #tpu.memory_space<semaphore_mem>>)
      %dma_wait3A = arith.constant 0 : i32
      %dma_wait3A_79 = tpu.memref_slice %arg18[%add3A_74, %dma_wait3A] : memref<10240x32xf32, #tpu.memory_space<vmem_shared>> -> memref<128x32xf32, #tpu.memory_space<vmem_shared>>
      %dma_wait3A_80 = arith.constant 0 : i32
      %dma_wait3A_81 = tpu.memref_slice %arg18[%add3A_74, %dma_wait3A_80] : memref<10240x32xf32, #tpu.memory_space<vmem_shared>> -> memref<128x32xf32, #tpu.memory_space<vmem_shared>>
      tpu.wait_dma2 semaphore(%run_scoped3A : memref<!tpu.dma_semaphore, #tpu.memory_space<semaphore_mem>>) src(%dma_wait3A_81 : memref<128x32xf32, #tpu.memory_space<vmem_shared>>) dst(%arg15 : memref<128x32xf32, #tpu.memory_space<vmem>>)
      tpu.yield
    }) : () -> ()
    %add3A_75 = arith.addi %mul3A_0, %add3A_74 : i32
    "tpu.region"() ({
      %run_scoped3A = tpu.sem_alloc : memref<!tpu.dma_semaphore, #tpu.memory_space<semaphore_mem>>
      %dma_start3A = arith.constant 0 : i32
      %dma_start3A_76 = tpu.memref_slice %arg8[%add3A_75, %dma_start3A] : memref<20480x32xf32, #tpu.memory_space<hbm>> -> memref<128x32xf32, #tpu.memory_space<hbm>>
      %dma_start3A_77 = arith.constant 0 : i32
      %dma_start3A_78 = tpu.memref_slice %arg8[%add3A_75, %dma_start3A_77] : memref<20480x32xf32, #tpu.memory_space<hbm>> -> memref<128x32xf32, #tpu.memory_space<hbm>>
      tpu.enqueue_dma source(%arg15 : memref<128x32xf32, #tpu.memory_space<vmem>>) target(%dma_start3A_78 : memref<128x32xf32, #tpu.memory_space<hbm>>) target_semaphore(%run_scoped3A : memref<!tpu.dma_semaphore, #tpu.memory_space<semaphore_mem>>)
      %dma_wait3A = arith.constant 0 : i32
      %dma_wait3A_79 = tpu.memref_slice %arg8[%add3A_75, %dma_wait3A] : memref<20480x32xf32, #tpu.memory_space<hbm>> -> memref<128x32xf32, #tpu.memory_space<hbm>>
      %dma_wait3A_80 = arith.constant 0 : i32
      %dma_wait3A_81 = tpu.memref_slice %arg8[%add3A_75, %dma_wait3A_80] : memref<20480x32xf32, #tpu.memory_space<hbm>> -> memref<128x32xf32, #tpu.memory_space<hbm>>
      tpu.wait_dma2 semaphore(%run_scoped3A : memref<!tpu.dma_semaphore, #tpu.memory_space<semaphore_mem>>) src(%arg15 : memref<128x32xf32, #tpu.memory_space<vmem>>) dst(%dma_wait3A_81 : memref<128x32xf32, #tpu.memory_space<hbm>>)
      tpu.yield
    }) : () -> ()
    return
  }
}

module attributes {stable_mosaic.version = 14 : i64} {
  func.func @_t1_body(%arg0: i32, %arg1: memref<2000x128xf32, #tpu.memory_space<vmem>>, %arg2: memref<128x128xf32, #tpu.memory_space<vmem>>, %arg3: memref<1x128xf32, #tpu.memory_space<vmem>>, %arg4: memref<1x128xf32, #tpu.memory_space<vmem>>, %arg5: memref<128x4xf32, #tpu.memory_space<vmem>>, %arg6: memref<2000x128xf32, #tpu.memory_space<vmem>>, %arg7: memref<2000x8xf32, #tpu.memory_space<vmem>>, %arg8: memref<8x128xf32, #tpu.memory_space<vmem>>) attributes {dimension_semantics = [#tpu.dimension_semantics<arbitrary>], iteration_bounds = array<i64: 5>, scalar_prefetch = 0 : i64, scratch_operands = 0 : i64, tpu.core_type = #tpu.core_type<tc>, window_params = [{transform_indices = @transform_0, window_bounds = array<i64: 2000, 128>}, {pipeline_mode = #tpu.pipeline_mode<synchronous>, transform_indices = @transform_1, window_bounds = array<i64: 128, 128>}, {pipeline_mode = #tpu.pipeline_mode<synchronous>, transform_indices = @transform_2, window_bounds = array<i64: 1, 128>}, {pipeline_mode = #tpu.pipeline_mode<synchronous>, transform_indices = @transform_3, window_bounds = array<i64: 1, 128>}, {pipeline_mode = #tpu.pipeline_mode<synchronous>, transform_indices = @transform_4, window_bounds = array<i64: 128, 4>}, {transform_indices = @transform_5, window_bounds = array<i64: 2000, 128>}, {transform_indices = @transform_6, window_bounds = array<i64: 2000, 8>}, {pipeline_mode = #tpu.pipeline_mode<synchronous>, transform_indices = @transform_7, window_bounds = array<i64: 8, 128>}]} {
    %get3A = arith.constant 0 : index
    %get3A_0 = arith.constant 0 : index
    %get3A_1 = vector.load %arg1[%get3A, %get3A_0] : memref<2000x128xf32, #tpu.memory_space<vmem>>, vector<2000x128xf32>
    %get3A_2 = arith.constant 0 : index
    %get3A_3 = arith.constant 0 : index
    %get3A_4 = vector.load %arg2[%get3A_2, %get3A_3] : memref<128x128xf32, #tpu.memory_space<vmem>>, vector<128x128xf32>
    %dot_general3A = arith.constant dense<0.000000e+00> : vector<2000x128xf32>
    %dot_general3A_5 = tpu.matmul %get3A_1, %get3A_4, %dot_general3A {dimension_numbers = #tpu.dot_dimension_numbers<[1], [0], [0], [1], [0, 0, 1, 1], [], []>, transpose_lhs_hint = false} : vector<2000x128xf32>, vector<128x128xf32>, vector<2000x128xf32> -> vector<2000x128xf32>
    %swap3A = arith.constant 0 : index
    %swap3A_6 = arith.constant 0 : index
    %swap3A_7 = vector.load %arg6[%swap3A, %swap3A_6] : memref<2000x128xf32, #tpu.memory_space<vmem>>, vector<2000x128xf32>
    tpu.vector_store %arg6[%swap3A, %swap3A_6], %dot_general3A_5 {strides = array<i32>} : memref<2000x128xf32, #tpu.memory_space<vmem>>, vector<2000x128xf32>,
    %get3A_8 = arith.constant 0 : index
    %get3A_9 = arith.constant 0 : index
    %get3A_10 = vector.load %arg3[%get3A_8, %get3A_9] : memref<1x128xf32, #tpu.memory_space<vmem>>, vector<1x128xf32>
    %mul3A = vector.broadcast %get3A_10 : vector<1x128xf32> to vector<2000x128xf32>
    %mul3A_11 = arith.mulf %dot_general3A_5, %mul3A : vector<2000x128xf32>
    %get3A_12 = arith.constant 0 : index
    %get3A_13 = arith.constant 0 : index
    %get3A_14 = vector.load %arg5[%get3A_12, %get3A_13] : memref<128x4xf32, #tpu.memory_space<vmem>>, vector<128x4xf32>
    %dot_general3A_15 = arith.constant dense<0.000000e+00> : vector<2000x4xf32>
    %dot_general3A_16 = tpu.matmul %mul3A_11, %get3A_14, %dot_general3A_15 {dimension_numbers = #tpu.dot_dimension_numbers<[1], [0], [0], [1], [0, 0, 1, 1], [], []>, transpose_lhs_hint = false} : vector<2000x128xf32>, vector<128x4xf32>, vector<2000x4xf32> -> vector<2000x4xf32>
    %get3A_17 = arith.constant 0 : index
    %get3A_18 = arith.constant 0 : index
    %get3A_19 = vector.load %arg4[%get3A_17, %get3A_18] : memref<1x128xf32, #tpu.memory_space<vmem>>, vector<1x128xf32>
    %mul3A_20 = vector.broadcast %get3A_19 : vector<1x128xf32> to vector<2000x128xf32>
    %mul3A_21 = arith.mulf %dot_general3A_5, %mul3A_20 : vector<2000x128xf32>
    %get3A_22 = arith.constant 0 : index
    %get3A_23 = arith.constant 0 : index
    %get3A_24 = vector.load %arg5[%get3A_22, %get3A_23] : memref<128x4xf32, #tpu.memory_space<vmem>>, vector<128x4xf32>
    %dot_general3A_25 = arith.constant dense<0.000000e+00> : vector<2000x4xf32>
    %dot_general3A_26 = tpu.matmul %mul3A_21, %get3A_24, %dot_general3A_25 {dimension_numbers = #tpu.dot_dimension_numbers<[1], [0], [0], [1], [0, 0, 1, 1], [], []>, transpose_lhs_hint = false} : vector<2000x128xf32>, vector<128x4xf32>, vector<2000x4xf32> -> vector<2000x4xf32>
    %concatenate3A = tpu.concatenate %dot_general3A_16, %dot_general3A_26 in 1 : vector<2000x4xf32>, vector<2000x4xf32> -> vector<2000x8xf32>
    %swap3A_27 = arith.constant 0 : index
    %swap3A_28 = arith.constant 0 : index
    %swap3A_29 = vector.load %arg7[%swap3A_27, %swap3A_28] : memref<2000x8xf32, #tpu.memory_space<vmem>>, vector<2000x8xf32>
    tpu.vector_store %arg7[%swap3A_27, %swap3A_28], %concatenate3A {strides = array<i32>} : memref<2000x8xf32, #tpu.memory_space<vmem>>, vector<2000x8xf32>,
    %reduce_max3A = arith.constant dense<0xFF800000> : vector<4xf32>
    %reduce_max3A_30 = vector.multi_reduction <maximumf>, %dot_general3A_16, %reduce_max3A [0] : vector<2000x4xf32> to vector<4xf32>
    %reduce_max3A_31 = arith.constant dense<0xFF800000> : vector<4xf32>
    %reduce_max3A_32 = vector.multi_reduction <maximumf>, %dot_general3A_26, %reduce_max3A_31 [0] : vector<2000x4xf32> to vector<4xf32>
    %concatenate3A_33 = tpu.concatenate %reduce_max3A_30, %reduce_max3A_32 in 0 : vector<4xf32>, vector<4xf32> -> vector<8xf32>
    %broadcast_in_dim3A = vector.shape_cast %concatenate3A_33 : vector<8xf32> to vector<8x1xf32>
    %broadcast_in_dim3A_34 = vector.shape_cast %broadcast_in_dim3A : vector<8x1xf32> to vector<8x1xf32>
    %broadcast_in_dim3A_35 = vector.broadcast %broadcast_in_dim3A_34 : vector<8x1xf32> to vector<8x128xf32>
    %eq3A = arith.constant 0 : i32
    %eq3A_36 = arith.cmpi eq, %arg0, %eq3A : i32
    %convert_element_type3A = arith.extui %eq3A_36 : i1 to i32
    %cond3A = arith.constant 0 : i32
    %cond3A_37 = arith.cmpi ne, %convert_element_type3A, %cond3A : i32
    scf.if %cond3A_37 {
      %broadcast_in_dim3A_44 = arith.constant 0xFF800000 : f32
      %broadcast_in_dim3A_45 = vector.broadcast %broadcast_in_dim3A_44 : f32 to vector<8x128xf32>
      %swap3A_46 = arith.constant 0 : index
      %swap3A_47 = arith.constant 0 : index
      %swap3A_48 = vector.load %arg8[%swap3A_46, %swap3A_47] : memref<8x128xf32, #tpu.memory_space<vmem>>, vector<8x128xf32>
      tpu.vector_store %arg8[%swap3A_46, %swap3A_47], %broadcast_in_dim3A_45 {strides = array<i32>} : memref<8x128xf32, #tpu.memory_space<vmem>>, vector<8x128xf32>,
    } else {
    }
    %get3A_38 = arith.constant 0 : index
    %get3A_39 = arith.constant 0 : index
    %get3A_40 = vector.load %arg8[%get3A_38, %get3A_39] : memref<8x128xf32, #tpu.memory_space<vmem>>, vector<8x128xf32>
    %max3A = arith.maximumf %get3A_40, %broadcast_in_dim3A_35 : vector<8x128xf32>
    %swap3A_41 = arith.constant 0 : index
    %swap3A_42 = arith.constant 0 : index
    %swap3A_43 = vector.load %arg8[%swap3A_41, %swap3A_42] : memref<8x128xf32, #tpu.memory_space<vmem>>, vector<8x128xf32>
    tpu.vector_store %arg8[%swap3A_41, %swap3A_42], %max3A {strides = array<i32>} : memref<8x128xf32, #tpu.memory_space<vmem>>, vector<8x128xf32>,
    return
  }
  func.func @transform_0(%arg0: i32) -> (i32, i32) {
    %c0_i32 = arith.constant 0 : i32
    %c0_i32_0 = arith.constant 0 : i32
    return %arg0, %c0_i32 : i32, i32
  }
  func.func @transform_1(%arg0: i32) -> (i32, i32) {
    %c0_i32 = arith.constant 0 : i32
    %c0_i32_0 = arith.constant 0 : i32
    %c0_i32_1 = arith.constant 0 : i32
    return %c0_i32, %c0_i32_0 : i32, i32
  }
  func.func @transform_2(%arg0: i32) -> (i32, i32) {
    %c0_i32 = arith.constant 0 : i32
    %c0_i32_0 = arith.constant 0 : i32
    %c0_i32_1 = arith.constant 0 : i32
    return %c0_i32, %c0_i32_0 : i32, i32
  }
  func.func @transform_3(%arg0: i32) -> (i32, i32) {
    %c0_i32 = arith.constant 0 : i32
    %c0_i32_0 = arith.constant 0 : i32
    %c0_i32_1 = arith.constant 0 : i32
    return %c0_i32, %c0_i32_0 : i32, i32
  }
  func.func @transform_4(%arg0: i32) -> (i32, i32) {
    %c0_i32 = arith.constant 0 : i32
    %c0_i32_0 = arith.constant 0 : i32
    %c0_i32_1 = arith.constant 0 : i32
    return %c0_i32, %c0_i32_0 : i32, i32
  }
  func.func @transform_5(%arg0: i32) -> (i32, i32) {
    %c0_i32 = arith.constant 0 : i32
    %c0_i32_0 = arith.constant 0 : i32
    return %arg0, %c0_i32 : i32, i32
  }
  func.func @transform_6(%arg0: i32) -> (i32, i32) {
    %c0_i32 = arith.constant 0 : i32
    %c0_i32_0 = arith.constant 0 : i32
    return %arg0, %c0_i32 : i32, i32
  }
  func.func @transform_7(%arg0: i32) -> (i32, i32) {
    %c0_i32 = arith.constant 0 : i32
    %c0_i32_0 = arith.constant 0 : i32
    %c0_i32_1 = arith.constant 0 : i32
    return %c0_i32, %c0_i32_0 : i32, i32
  }
}

module attributes {stable_mosaic.version = 14 : i64} {
  func.func @_t2_body(%arg0: i32, %arg1: memref<2000x128xf32, #tpu.memory_space<vmem>>, %arg2: memref<1x128xf32, #tpu.memory_space<vmem>>, %arg3: memref<128x64xf32, #tpu.memory_space<vmem>>, %arg4: memref<1x64xf32, #tpu.memory_space<vmem>>, %arg5: memref<1x64xf32, #tpu.memory_space<vmem>>, %arg6: memref<1x64xf32, #tpu.memory_space<vmem>>, %arg7: memref<2000x64xf32, #tpu.memory_space<vmem>>, %arg8: memref<2000x8xf32, #tpu.memory_space<vmem>>, %arg9: memref<8x128xf32, #tpu.memory_space<vmem>>) attributes {dimension_semantics = [#tpu.dimension_semantics<arbitrary>], iteration_bounds = array<i64: 5>, scalar_prefetch = 0 : i64, scratch_operands = 0 : i64, tpu.core_type = #tpu.core_type<tc>, window_params = [{transform_indices = @transform_0, window_bounds = array<i64: 2000, 128>}, {pipeline_mode = #tpu.pipeline_mode<synchronous>, transform_indices = @transform_1, window_bounds = array<i64: 1, 128>}, {pipeline_mode = #tpu.pipeline_mode<synchronous>, transform_indices = @transform_2, window_bounds = array<i64: 128, 64>}, {pipeline_mode = #tpu.pipeline_mode<synchronous>, transform_indices = @transform_3, window_bounds = array<i64: 1, 64>}, {pipeline_mode = #tpu.pipeline_mode<synchronous>, transform_indices = @transform_4, window_bounds = array<i64: 1, 64>}, {pipeline_mode = #tpu.pipeline_mode<synchronous>, transform_indices = @transform_5, window_bounds = array<i64: 1, 64>}, {transform_indices = @transform_6, window_bounds = array<i64: 2000, 64>}, {transform_indices = @transform_7, window_bounds = array<i64: 2000, 8>}, {pipeline_mode = #tpu.pipeline_mode<synchronous>, transform_indices = @transform_8, window_bounds = array<i64: 8, 128>}]} {
    %get3A = arith.constant 0 : index
    %get3A_0 = arith.constant 0 : index
    %get3A_1 = vector.load %arg1[%get3A, %get3A_0] : memref<2000x128xf32, #tpu.memory_space<vmem>>, vector<2000x128xf32>
    %get3A_2 = arith.constant 0 : index
    %get3A_3 = arith.constant 0 : index
    %get3A_4 = vector.load %arg2[%get3A_2, %get3A_3] : memref<1x128xf32, #tpu.memory_space<vmem>>, vector<1x128xf32>
    %add3A = vector.broadcast %get3A_4 : vector<1x128xf32> to vector<2000x128xf32>
    %add3A_5 = arith.addf %get3A_1, %add3A : vector<2000x128xf32>
    %max3A = arith.constant 0.000000e+00 : f32
    %max3A_6 = vector.broadcast %max3A : f32 to vector<2000x128xf32>
    %max3A_7 = arith.maximumf %add3A_5, %max3A_6 : vector<2000x128xf32>
    %get3A_8 = arith.constant 0 : index
    %get3A_9 = arith.constant 0 : index
    %get3A_10 = vector.load %arg3[%get3A_8, %get3A_9] : memref<128x64xf32, #tpu.memory_space<vmem>>, vector<128x64xf32>
    %dot_general3A = arith.constant dense<0.000000e+00> : vector<2000x64xf32>
    %dot_general3A_11 = tpu.matmul %max3A_7, %get3A_10, %dot_general3A {dimension_numbers = #tpu.dot_dimension_numbers<[1], [0], [0], [1], [0, 0, 1, 1], [], []>, transpose_lhs_hint = false} : vector<2000x128xf32>, vector<128x64xf32>, vector<2000x64xf32> -> vector<2000x64xf32>
    %get3A_12 = arith.constant 0 : index
    %get3A_13 = arith.constant 0 : index
    %get3A_14 = vector.load %arg6[%get3A_12, %get3A_13] : memref<1x64xf32, #tpu.memory_space<vmem>>, vector<1x64xf32>
    %add3A_15 = vector.broadcast %get3A_14 : vector<1x64xf32> to vector<2000x64xf32>
    %add3A_16 = arith.addf %dot_general3A_11, %add3A_15 : vector<2000x64xf32>
    %swap3A = arith.constant 0 : index
    %swap3A_17 = arith.constant 0 : index
    %swap3A_18 = vector.load %arg7[%swap3A, %swap3A_17] : memref<2000x64xf32, #tpu.memory_space<vmem>>, vector<2000x64xf32>
    tpu.vector_store %arg7[%swap3A, %swap3A_17], %add3A_16 {strides = array<i32>} : memref<2000x64xf32, #tpu.memory_space<vmem>>, vector<2000x64xf32>,
    %get3A_19 = arith.constant 0 : index
    %get3A_20 = arith.constant 0 : index
    %get3A_21 = vector.load %arg4[%get3A_19, %get3A_20] : memref<1x64xf32, #tpu.memory_space<vmem>>, vector<1x64xf32>
    %mul3A = vector.broadcast %get3A_21 : vector<1x64xf32> to vector<2000x64xf32>
    %mul3A_22 = arith.mulf %dot_general3A_11, %mul3A : vector<2000x64xf32>
    %reduce_sum3A = arith.constant dense<0.000000e+00> : vector<2000xf32>
    %reduce_sum3A_23 = vector.multi_reduction <add>, %mul3A_22, %reduce_sum3A [1] : vector<2000x64xf32> to vector<2000xf32>
    %broadcast_in_dim3A = vector.shape_cast %reduce_sum3A_23 : vector<2000xf32> to vector<2000x1xf32>
    %get3A_24 = arith.constant 0 : index
    %get3A_25 = arith.constant 0 : index
    %get3A_26 = vector.load %arg5[%get3A_24, %get3A_25] : memref<1x64xf32, #tpu.memory_space<vmem>>, vector<1x64xf32>
    %mul3A_27 = vector.broadcast %get3A_26 : vector<1x64xf32> to vector<2000x64xf32>
    %mul3A_28 = arith.mulf %dot_general3A_11, %mul3A_27 : vector<2000x64xf32>
    %reduce_sum3A_29 = arith.constant dense<0.000000e+00> : vector<2000xf32>
    %reduce_sum3A_30 = vector.multi_reduction <add>, %mul3A_28, %reduce_sum3A_29 [1] : vector<2000x64xf32> to vector<2000xf32>
    %broadcast_in_dim3A_31 = vector.shape_cast %reduce_sum3A_30 : vector<2000xf32> to vector<2000x1xf32>
    %broadcast_in_dim3A_32 = arith.constant 0.000000e+00 : f32
    %broadcast_in_dim3A_33 = vector.broadcast %broadcast_in_dim3A_32 : f32 to vector<2000x6xf32>
    %concatenate3A = tpu.concatenate %broadcast_in_dim3A, %broadcast_in_dim3A_31, %broadcast_in_dim3A_33 in 1 : vector<2000x1xf32>, vector<2000x1xf32>, vector<2000x6xf32> -> vector<2000x8xf32>
    %swap3A_34 = arith.constant 0 : index
    %swap3A_35 = arith.constant 0 : index
    %swap3A_36 = vector.load %arg8[%swap3A_34, %swap3A_35] : memref<2000x8xf32, #tpu.memory_space<vmem>>, vector<2000x8xf32>
    tpu.vector_store %arg8[%swap3A_34, %swap3A_35], %concatenate3A {strides = array<i32>} : memref<2000x8xf32, #tpu.memory_space<vmem>>, vector<2000x8xf32>,
    %broadcast_in_dim3A_37 = arith.constant 0xFF800000 : f32
    %broadcast_in_dim3A_38 = vector.broadcast %broadcast_in_dim3A_37 : f32 to vector<3xf32>
    %reduce_max3A = arith.constant dense<0xFF800000> : vector<1xf32>
    %reduce_max3A_39 = vector.multi_reduction <maximumf>, %broadcast_in_dim3A, %reduce_max3A [0] : vector<2000x1xf32> to vector<1xf32>
    %reduce_max3A_40 = arith.constant dense<0xFF800000> : vector<1xf32>
    %reduce_max3A_41 = vector.multi_reduction <maximumf>, %broadcast_in_dim3A_31, %reduce_max3A_40 [0] : vector<2000x1xf32> to vector<1xf32>
    %concatenate3A_42 = tpu.concatenate %reduce_max3A_39, %broadcast_in_dim3A_38, %reduce_max3A_41, %broadcast_in_dim3A_38 in 0 : vector<1xf32>, vector<3xf32>, vector<1xf32>, vector<3xf32> -> vector<8xf32>
    %broadcast_in_dim3A_43 = vector.shape_cast %concatenate3A_42 : vector<8xf32> to vector<8x1xf32>
    %broadcast_in_dim3A_44 = vector.shape_cast %broadcast_in_dim3A_43 : vector<8x1xf32> to vector<8x1xf32>
    %broadcast_in_dim3A_45 = vector.broadcast %broadcast_in_dim3A_44 : vector<8x1xf32> to vector<8x128xf32>
    %eq3A = arith.constant 0 : i32
    %eq3A_46 = arith.cmpi eq, %arg0, %eq3A : i32
    %convert_element_type3A = arith.extui %eq3A_46 : i1 to i32
    %cond3A = arith.constant 0 : i32
    %cond3A_47 = arith.cmpi ne, %convert_element_type3A, %cond3A : i32
    scf.if %cond3A_47 {
      %broadcast_in_dim3A_55 = arith.constant 0xFF800000 : f32
      %broadcast_in_dim3A_56 = vector.broadcast %broadcast_in_dim3A_55 : f32 to vector<8x128xf32>
      %swap3A_57 = arith.constant 0 : index
      %swap3A_58 = arith.constant 0 : index
      %swap3A_59 = vector.load %arg9[%swap3A_57, %swap3A_58] : memref<8x128xf32, #tpu.memory_space<vmem>>, vector<8x128xf32>
      tpu.vector_store %arg9[%swap3A_57, %swap3A_58], %broadcast_in_dim3A_56 {strides = array<i32>} : memref<8x128xf32, #tpu.memory_space<vmem>>, vector<8x128xf32>,
    } else {
    }
    %get3A_48 = arith.constant 0 : index
    %get3A_49 = arith.constant 0 : index
    %get3A_50 = vector.load %arg9[%get3A_48, %get3A_49] : memref<8x128xf32, #tpu.memory_space<vmem>>, vector<8x128xf32>
    %max3A_51 = arith.maximumf %get3A_50, %broadcast_in_dim3A_45 : vector<8x128xf32>
    %swap3A_52 = arith.constant 0 : index
    %swap3A_53 = arith.constant 0 : index
    %swap3A_54 = vector.load %arg9[%swap3A_52, %swap3A_53] : memref<8x128xf32, #tpu.memory_space<vmem>>, vector<8x128xf32>
    tpu.vector_store %arg9[%swap3A_52, %swap3A_53], %max3A_51 {strides = array<i32>} : memref<8x128xf32, #tpu.memory_space<vmem>>, vector<8x128xf32>,
    return
  }
  func.func @transform_0(%arg0: i32) -> (i32, i32) {
    %c0_i32 = arith.constant 0 : i32
    %c0_i32_0 = arith.constant 0 : i32
    return %arg0, %c0_i32 : i32, i32
  }
  func.func @transform_1(%arg0: i32) -> (i32, i32) {
    %c0_i32 = arith.constant 0 : i32
    %c0_i32_0 = arith.constant 0 : i32
    %c0_i32_1 = arith.constant 0 : i32
    return %c0_i32, %c0_i32_0 : i32, i32
  }
  func.func @transform_2(%arg0: i32) -> (i32, i32) {
    %c0_i32 = arith.constant 0 : i32
    %c0_i32_0 = arith.constant 0 : i32
    %c0_i32_1 = arith.constant 0 : i32
    return %c0_i32, %c0_i32_0 : i32, i32
  }
  func.func @transform_3(%arg0: i32) -> (i32, i32) {
    %c0_i32 = arith.constant 0 : i32
    %c0_i32_0 = arith.constant 0 : i32
    %c0_i32_1 = arith.constant 0 : i32
    return %c0_i32, %c0_i32_0 : i32, i32
  }
  func.func @transform_4(%arg0: i32) -> (i32, i32) {
    %c0_i32 = arith.constant 0 : i32
    %c0_i32_0 = arith.constant 0 : i32
    %c0_i32_1 = arith.constant 0 : i32
    return %c0_i32, %c0_i32_0 : i32, i32
  }
  func.func @transform_5(%arg0: i32) -> (i32, i32) {
    %c0_i32 = arith.constant 0 : i32
    %c0_i32_0 = arith.constant 0 : i32
    %c0_i32_1 = arith.constant 0 : i32
    return %c0_i32, %c0_i32_0 : i32, i32
  }
  func.func @transform_6(%arg0: i32) -> (i32, i32) {
    %c0_i32 = arith.constant 0 : i32
    %c0_i32_0 = arith.constant 0 : i32
    return %arg0, %c0_i32 : i32, i32
  }
  func.func @transform_7(%arg0: i32) -> (i32, i32) {
    %c0_i32 = arith.constant 0 : i32
    %c0_i32_0 = arith.constant 0 : i32
    return %arg0, %c0_i32 : i32, i32
  }
  func.func @transform_8(%arg0: i32) -> (i32, i32) {
    %c0_i32 = arith.constant 0 : i32
    %c0_i32_0 = arith.constant 0 : i32
    %c0_i32_1 = arith.constant 0 : i32
    return %c0_i32, %c0_i32_0 : i32, i32
  }
}

</mosaic_0001>

<sc_bundles>
// kernel: kernel.6.cloned.1.call-start
scs
__scs_entry_jumppad:
0x0: {  	(pc) =	sbr.rel $0x88, $3  }
0x1: {  	(tag) =	ssettag $0x0;
	lr =	simm.s32 $0x1  }
0x2: {  	[smem:$0x3F97] =	sst lr;
	_ =	strace $0xD0000000  }
0x3: {  	_ = 	snop  }
0x4: {  	_ = 	snop  }
0x5: {  	_ = 	snop  }
0x6: {  	_ = 	snop  }
0x7: {  	_ = 	snop  }
__scs_overlays_trampoline_lowered:
0x8: {  	[smem:$0x3FA6] =	sst s0  }
0x9: {  	[smem:$0x3FA7] =	sst s1  }
0xa: {  	[smem:$0x3FA8] =	sst s2  }
0xb: {  	[smem:$0x3FA9] =	sst s3  }
0xc: {  	[smem:$0x3FAA] =	sst s4  }
0xd: {  	[smem:$0x3FAB] =	sst s5  }
0xe: {  	[smem:$0x3FAC] =	sst s6  }
0xf: {  	[smem:$0x3FAD] =	sst s7  }
0x10: {  	[smem:$0x3FAE] =	sst s8  }
0x11: {  	[smem:$0x3FAF] =	sst s9;
	s0 =	simm.s32 @!p0 $0x0  }
0x12: {  	s1 =	sld [smem:$0x3F95];
	s0 =	simm.s32 @p0 $0x1  }
0x13: {  	[smem:$0x3FB0] =	sst s0;
	s0 =	simm.s32 @!p1 $0x0  }
0x14: {  	s2 =	sld [smem:$0x3F94];
	s0 =	simm.s32 @p1 $0x1  }
0x15: {  	[smem:$0x3FB1] =	sst s0;
	s0 =	simm.s32 @!p2 $0x0  }
0x16: {  	s3 =	sld [smem:$0x3FDB];
	s0 =	simm.s32 @p2 $0x1  }
0x17: {  	s4 =	simm.s32 $0x1BF5;
	[smem:$0x3FB3] =	sst s0  }
0x18: {  	s0 =	sld [smem:$0x3F96];
	_ =	swait.ge [sflag:s4], $0x0  }
0x19: {  	s7 =	sld [smem:$0x3F97]  }
0x1a: {  	s8 =	sadd.s32 $0xFFFFE003, lr  }
0x1b: {  	s9 =	sadd.s32 $0xFFFFFEF7, lr;
	s5 =	simm.s32 $0xFFFFFFFF;
	p2 =	slt.u32 s8, $0xFFFFF086  }
0x1c: {  	p1 =	slt.u32 s9, $0xF7A;
	s5 =	simm.s32 @!p2 $0x0  }
0x1d: {  	s5 =	simm.s32 @p1 $0x1;
	p0 =	seq.s32 s7, s2  }
0x1e: {  	s7 =	smul.u32 @!p0 $0xF7A, s2;
	p2 =	seq.s32 @!p0 s5, $0x0  }
0x1f: {  	s9 =	smul.u32 $0xF7A, s1;
	s8 =	simm.s32 @!p0 $0x1BF5;
	p2 =	por !p2, p0  }
0x20: {  	[sflag:s8] =	ssyncset.s32 @!p0 $0xFFFFF086;
	s6 =	sadd.s32 @!p0 s3, s7;
	s7 =	simm.s32 @!p0 $0x108  }
0x21: {  	s3 =	sadd.s32 s3, s9;
	s6 =	sadd.s32 @!p0 $0x88, s6;
	s7 =	simm.s32 @p2 $0x1082  }
0x22: {  	[simem:s7], [sflag:s8] =	dma.local @!p0 [hbm:s6], $0xF7A  }
0x23: {  	s9 =	sor.u32 $0xD0000000, s2;
	s6 =	simm.s32 $0x108;
	_ =	swait.ge @!p0 [sflag:s8], $0x0  }
0x24: {  	s3 =	sadd.s32 $0x88, s3;
	s6 =	simm.s32 @!p1 $0x1082;
	[sflag:s4] =	ssyncset.s32 $0xFFFFF086  }
0x25: {  	[simem:s6], [sflag:s4] =	dma.local [hbm:s3], $0xF7A  }
0x26: {  	[smem:$0x3F97] =	sst s1;
	(tag) =	ssettag s2;
	_ =	strace s9  }
0x27: {  	s1 =	sld [smem:$0x3FA7]  }
0x28: {  	s2 =	sld [smem:$0x3FA8]  }
0x29: {  	s4 =	sld [smem:$0x3FAA]  }
0x2a: {  	p0 =	seq.s32 s5, $0x0;
	s5 =	sld [smem:$0x3FAB]  }
0x2b: {  	s6 =	sld [smem:$0x3FAC]  }
0x2c: {  	s7 =	sld [smem:$0x3FAD]  }
0x2d: {  	s3 =	simm.s32 $0x108;
	s8 =	sld [smem:$0x3FAE]  }
0x2e: {  	s3 =	simm.s32 @!p0 $0x1082;
	s9 =	sld [smem:$0x3FAF]  }
0x2f: {  	lr =	sadd.s32 s0, s3;
	s0 =	sld [smem:$0x3FA6]  }
0x30: {  	s3 =	sld [smem:$0x3FA9]  }
0x31: {  	[smem:$0x3FB2] =	sst s10  }
0x32: {  	s10 =	sld [smem:$0x3FB0];
	_ =	sdelay $0x3  }
0x33: {  	p0 =	seq.s32 s10, $0x1;
	s10 =	sld [smem:$0x3FB2];
	_ =	sdelay $0x3  }
0x34: {  	[smem:$0x3FB2] =	sst s10  }
0x35: {  	s10 =	sld [smem:$0x3FB1];
	_ =	sdelay $0x3  }
0x36: {  	p1 =	seq.s32 s10, $0x1;
	s10 =	sld [smem:$0x3FB2];
	_ =	sdelay $0x3  }
0x37: {  	[smem:$0x3FB2] =	sst s10  }
0x38: {  	s10 =	sld [smem:$0x3FB3]  }
0x39: {  	_ = 	snop;
	(pc) =	sbr.ind lr, $3  }
0x3a: {  	_ = 	snop  }
0x3b: {  	_ = 	snop  }
0x3c: {  	p2 =	seq.s32 s10, $0x1;
	s10 =	sld [smem:$0x3FB2]  }
0x3d: {  	_ =	shalt  }
0x3e: {  	_ =	shalt  }
0x3f: {  	_ =	shalt  }
0x40: {  	_ =	shalt  }
0x41: {  	_ =	shalt  }
0x42: {  	_ =	shalt  }
0x43: {  	_ =	shalt  }
0x44: {  	_ =	shalt  }
0x45: {  	_ =	shalt  }
0x46: {  	_ =	shalt  }
0x47: {  	_ =	shalt  }
0x48: {  	_ =	shalt  }
0x49: {  	_ =	shalt  }
0x4a: {  	_ =	shalt  }
0x4b: {  	_ =	shalt  }
0x4c: {  	_ =	shalt  }
0x4d: {  	_ =	shalt  }
0x4e: {  	_ =	shalt  }
0x4f: {  	_ =	shalt  }
0x50: {  	_ =	shalt  }
0x51: {  	_ =	shalt  }
0x52: {  	_ =	shalt  }
0x53: {  	_ =	shalt  }
0x54: {  	_ =	shalt  }
0x55: {  	_ =	shalt  }
0x56: {  	_ =	shalt  }
0x57: {  	_ =	shalt  }
0x58: {  	_ =	shalt  }
0x59: {  	_ =	shalt  }
0x5a: {  	_ =	shalt  }
0x5b: {  	_ =	shalt  }
0x5c: {  	_ =	shalt  }
0x5d: {  	_ =	shalt  }
0x5e: {  	_ =	shalt  }
0x5f: {  	_ =	shalt  }
0x60: {  	_ =	shalt  }
0x61: {  	_ =	shalt  }
0x62: {  	_ =	shalt  }
0x63: {  	_ =	shalt  }
0x64: {  	_ =	shalt  }
0x65: {  	_ =	shalt  }
0x66: {  	_ =	shalt  }
0x67: {  	_ =	shalt  }
0x68: {  	_ =	shalt  }
0x69: {  	_ =	shalt  }
0x6a: {  	_ =	shalt  }
0x6b: {  	_ =	shalt  }
0x6c: {  	_ =	shalt  }
0x6d: {  	_ =	shalt  }
0x6e: {  	_ =	shalt  }
0x6f: {  	_ =	shalt  }
0x70: {  	_ =	shalt  }
0x71: {  	_ =	shalt  }
0x72: {  	_ =	shalt  }
0x73: {  	_ =	shalt  }
0x74: {  	_ =	shalt  }
0x75: {  	_ =	shalt  }
0x76: {  	_ =	shalt  }
0x77: {  	_ =	shalt  }
0x78: {  	_ =	shalt  }
0x79: {  	_ =	shalt  }
0x7a: {  	_ =	shalt  }
0x7b: {  	_ =	shalt  }
0x7c: {  	_ =	shalt  }
0x7d: {  	_ =	shalt  }
0x7e: {  	_ =	shalt  }
0x7f: {  	_ =	shalt  }
0x80: {  	_ =	shalt  }
0x81: {  	_ =	shalt  }
0x82: {  	_ =	shalt  }
0x83: {  	_ =	shalt  }
0x84: {  	_ =	shalt  }
0x85: {  	_ =	shalt  }
0x86: {  	_ =	shalt  }
0x87: {  	_ =	shalt  }
.Lfunc_end0:
.L_simem_size_0:
called_computation_lowered:
.L_overlay_start_0:
0x88: {  	s2 =	sld [smem:$0x3FD9]  }
0x89: {  	s3 =	sld [smem:$0x3FFE];
	_ =	sdelay $0x1  }
0x8a: {  	s1 =	srdreg.scid  }
0x8b: {  	s0 =	sand.u32 $0x1, s1  }
0x8c: {  	s17 =	sshll.u32 s0, $0xA;
	s2 =	sadd.s32 s3, s2  }
0x8d: {  	s2 =	sadd.s32 s2, s17  }
0x8e: {  	[smem:$0x3FBE] =	sst s2  }
0x8f: {  	_ = 	snop  }
0x90: {  	s2 =	sld [smem:$0x3FD0];
	(tm) =	ssettm $0x1  }
0x91: {  	s18 =	sld [smem:$0x3FFB];
	_ =	sdelay $0x3  }
0x92: {  	_ =	strace s18  }
0x93: {  	s3 =	sld [smem:$0x3FFC];
	_ =	sdelay $0x3  }
0x94: {  	_ =	strace s3  }
0x95: {  	s3 =	sld [smem:$0x3FFD];
	_ =	sdelay $0x3  }
0x96: {  	_ =	strace s3  }
0x97: {  	_ =	strace $0x8FFFFFFF  }
0x98: {  	s19 =	sld [smem:$0x3FDB];
	_ =	sdelay $0x1  }
0x99: {  	s4 =	simm.s32 $_scs_section_size  }
0x9a: {  	s5 =	simm.s32 $_size__tile_overlayer_lowered;
	s6 =	simm.s32 $_tile_overlayer_lowered  }
0x9b: {  	s22 =	simm.s32 $0x1BFF;
	s21 =	sshll.u32 s6, $0x1;
	s3 =	sadd.s32 s4, s19  }
0x9c: {  	s7 =	simm.s32 $0x0;
	s20 =	sshll.u32 s5, $0x1;
	s5 =	sadd.s32 s21, s3  }
0x9d: {  	[timem:s7], [sflag:s22] =	dma.local [hbm:s5], s20  }
0x9e: {  	_ =	swait.ge [sflag:s22], s20  }
0x9f: {  	s4 =	ssub.s32 $0x0, s20;
	[sflag:s22] =	ssyncset.done $0x0  }
0xa0: {  	[sflag:s22] =	ssyncadd.s32 s4;
	_ =	sdelay $0x1  }
0xa1: {  	s23 =	simm.s32 $0x1B8B  }
0xa2: {  	_ =	swait.ge [sflag:s23], $0x1  }
0xa3: {  	[sflag:s23] =	ssyncset.done $0x0  }
0xa4: {  	s25 =	simm.s32 $0x1B8E;
	s24 =	sld [smem:$0x3FFE];
	[sflag:s23] =	ssyncadd.s32 $0xFFFFFFFF  }
0xa5: {  	s26 =	simm.s32 $execute0_lowered;
	[smem:$0x3FD2] =	sst s25  }
0xa6: {  	s5 =	sshll.u32 s26, $0x1;
	_ =	strace $0x80000046;
	[dreg:$0x1] =	wrdreg $0xFFFFFFFF  }
0xa7: {  	s28 =	simm.s32 $_size_execute0_lowered;
	s3 =	sadd.s32 s3, s5;
	[dreg:$0x0] =	wrdreg $0x0  }
0xa8: {  	s5 =	sshll.u32 s28, $0x1;
	[dreg:$0x2] =	wrdreg s3  }
0xa9: {  	[dreg:$0x3] =	wrdreg s5  }
0xaa: {  	[dreg:$0x4] =	wrdreg $0xC0  }
0xab: {  	_ =	task [dreg:s7], $0x5FFFF  }
0xac: {  	[dreg:$0x1] =	wrdreg $0xFFFFFFFF  }
0xad: {  	[dreg:$0x0] =	wrdreg $0x60  }
0xae: {  	[dreg:$0x2] =	wrdreg s24  }
0xaf: {  	[dreg:$0x3] =	wrdreg s2  }
0xb0: {  	[dreg:$0x4] =	wrdreg $0xE4100  }
0xb1: {  	[dreg:$0x5] =	wrdreg $0x10C100  }
0xb2: {  	[dreg:$0x6] =	wrdreg $0x9  }
0xb3: {  	_ =	task.clear_ibuf [dreg:s7], $0x7FFFF;
	_ =	strace $0x90000046  }
0xb4: {  	s29 =	simm.s32 $0x9;
	_ =	strace $0x80000048  }
0xb5: {  	_ =	swait.ge [sflag:s29], $0x1  }
0xb6: {  	[sflag:s29] =	ssyncadd.s32 $0xFFFFFFFF  }
0xb7: {  	_ =	strace $0x90000048  }
0xb8: {  	_ =	sfence  }
0xb9: {  	s30 =	sld [smem:$0x0];
	_ =	sdelay $0x2  }
0xba: {  	s31 =	sshll.u32 s1, $0xD;
	s1 =	sshrl.u32 s1, $0x2  }
0xbb: {  	s3 =	sand.u32 $0x4000, s31;
	s1 =	sadd.s32 s1, s30  }
0xbc: {  	s0 =	sor.u32 s3, s0;
	s1 =	sshll.u32 s1, $0x11  }
0xbd: {  	s0 =	sor.u32 s1, s0  }
0xbe: {  	s0 =	sadd.s32 $0x8F2B, s0  }
0xbf: {  	[sflag:s0] =	ssyncadd.remote.s32 $0x1  }
0xc0: {  	_ =	sfence.sel $0xFFFF  }
0xc1: {  	[dreg:$0x0] =	wrdreg $0xFFFFFFFF;
	(pc) =	sbr.abs _section_cstart, $3  }
0xc2: {  	[dreg:$0x1] =	wrdreg $0xFFFFFFFF  }
0xc3: {  	_ =	task.clear_ibuf [dreg:s7], $0x2FFFF;
	_ =	strace $0x9FFFFFFF  }
0xc4: {  	(tm) =	ssettm $0x7FFFFFFF  }
0xc5: {  	_ =	shalt  }
tec
execute0_lowered:
.L_overlay_start_1:
0x0: {  	(tag) =	ssettag $0x1  }
0x1: {  	s0 =	rddreg [dreg:$0x0]  }
0x2: {  	s3 =	rddreg [dreg:$0x1]  }
0x3: {  	s1 =	rddreg [dreg:$0x2]  }
0x4: {  	s2 =	rddreg [dreg:$0x3];
	s4 =	simm.s32 $0x0  }
0x5: {  	s16 =	stileid.u32;
	s6 =	srdreg.scid;
	s28 =	simm.s32 $0x1  }
0x6: {  	s31 =	simm.s32 $0xA400;
	s29 =	simm.s32 $0xAC00;
	s8 =	smul.u32 $0xA40, s16  }
0x7: {  	s30 =	simm.s32 $0xB400;
	[smem:$0x7FF] =	sst s4;
	s13 =	smul.u32 $0x280, s16  }
0x8: {  	s5 =	sadd.s32 $0x1600, s0;
	s9 =	sand.u32 $0x1, s6;
	s15 =	smul.u32 $0xA000, s16  }
0x9: {  	s6 =	sadd.s32 $0x29600, s0;
	s7 =	sadd.s32 $0x33600, s0;
	s25 =	smul.u32 $0x28000, s16  }
0xa: {  	s14 =	sadd.s32 $0x42A00, s0;
	_ =	strace $0x80000047;
	s10 =	smul.u32 $0x2800, s9  }
0xb: {  	s12 =	ssub.s32 $0x2, s9;
	[dreg:$0x5] =	wrdreg s14;
	s11 =	sadd.s32 s8, s0  }
0xc: {  	s24 =	sshrl.u32 s12, $0x1;
	s0 =	sadd.s32 $0x42C00, s0;
	s3 =	sadd.s32 s3, s8  }
0xd: {  	s8 =	sshrl.u32 s15, $0x2;
	s19 =	sadd.s32 $0x80, s13;
	s16 =	sadd.s32 $0x100, s13  }
0xe: {  	s18 =	sadd.s32 $0x180, s13;
	s12 =	ssub.s32 s12, s24;
	[dreg:$0x6] =	wrdreg s3  }
0xf: {  	s26 =	sadd.s32 $0x38600, s11;
	s3 =	sadd.s32 s8, s1;
	s11 =	sshrl.u32 s25, $0x2  }
0x10: {  	s20 =	sshll.u32 s19, $0x6;
	s17 =	sadd.s32 s13, s10;
	s8 =	sadd.s32 s10, s19  }
0x11: {  	s13 =	sadd.s32 $0x200, s13;
	s21 =	sadd.s32 s10, s16;
	[dreg:$0x7] =	wrdreg s26  }
0x12: {  	s22 =	sadd.s32 s10, s18;
	[dreg:$0x8] =	wrdreg s3;
	s15 =	sshll.u32 s17, $0x3  }
0x13: {  	s8 =	sshll.u32 s8, $0x3;
	s17 =	sadd.s32 s10, s13;
	s25 =	sshrl.u32 s20, $0x2  }
0x14: {  	s26 =	sshll.u32 s16, $0x6;
	s19 =	sadd.s32 s20, s2;
	s13 =	sshll.u32 s13, $0x6  }
0x15: {  	s16 =	sshll.u32 s9, $0x1;
	s15 =	sadd.s32 s0, s15;
	s8 =	sadd.s32 s0, s8  }
0x16: {  	s24 =	sshll.u32 s17, $0x3;
	s17 =	sadd.s32 s11, s2;
	s3 =	sshrl.u32 s26, $0x2  }
0x17: {  	s11 =	sshll.u32 s18, $0x6;
	s18 =	sshllo.u32 s9, $0x1;
	[dreg:$0x9] =	wrdreg s15  }
0x18: {  	s9 =	simm.s32 $0x0;
	[dreg:$0xa] =	wrdreg s8;
	s8 =	sshll.u32 s21, $0x3  }
0x19: {  	s15 =	sshll.u32 s22, $0x3;
	s20 =	sadd.s32 s3, s1;
	s21 =	sadd.s32 s26, s2  }
0x1a: {  	s14 =	sshrl.u32 s11, $0x2;
	s26 =	smax.u32 s12, $0x1;
	s8 =	sadd.s32 s0, s8  }
0x1b: {  	s3 =	simm.s32 $0x80;
	s23 =	sadd.s32 s0, s15;
	[dreg:$0xb] =	wrdreg s8  }
0x1c: {  	s0 =	sadd.s32 s0, s24;
	s22 =	sadd.s32 s14, s1;
	[dreg:$0xc] =	wrdreg s23  }
0x1d: {  	s15 =	sshrl.u32 s13, $0x2;
	[dreg:$0xd] =	wrdreg s0;
	s0 =	sadd.s32 s25, s1  }
0x1e: {  	v3 =	vimm.f32 $0.0e+00;
	v1 =	vmov s16;
	v2 =	vmov s18;
	s23 =	sadd.s32 s11, s2;
	s24 =	sadd.s32 s15, s1;
	s25 =	sadd.s32 s13, s2  }
0x1f: {  	v0 =	vmov s10;
	v1 =	vbroadcast v1, $0x0;
	v2 =	vbroadcast v2, $0x0;
	s8 =	simm.s32 $0xBC00;
	[dreg:$0xe] =	wrdreg s0;
	s0 =	simm.s32 $0xC400  }
.LBB2_1:
0x20: {  	s10 =	rddreg [dreg:$0x6]  }
0x21: {  	[tilespmem:s4], [sflag:$0x1] =	stream.linear.gather [hbm4b:s10+s4], $0x5200, $0x38;
	[tilespmem:$0x1AC10] =	vst v63  }
0x22: {  	_ =	swait.ge [sflag:s28], $0x5200  }
0x23: {  	[sflag:s28] =	ssyncset.done $0x0  }
0x24: {  	s11 =	simm.s32 $0x5200;
	s15 =	rddreg [dreg:$0x7];
	[sflag:s28] =	ssyncadd.s32 $0xFFFFAE00  }
0x25: {  	[tilespmem:s11], [sflag:$0x1] =	stream.linear.gather [hbm4b:s15+s4], $0x5200, $0x38;
	[tilespmem:$0x1AC10] =	vst v63  }
0x26: {  	_ =	swait.ge [sflag:s28], $0x5200  }
0x27: {  	[sflag:s28] =	ssyncset.done $0x0  }
0x28: {  	s18 =	simm.s32 $0xE400;
	s16 =	rddreg [dreg:$0x5];
	[sflag:s28] =	ssyncadd.s32 $0xFFFFAE00  }
0x29: {  	[tilespmem:s18], [sflag:$0x1] =	stream.linear.gather [hbm4b:s16+s4], $0x10, $0x38;
	[tilespmem:$0x1AC10] =	vst v63  }
0x2a: {  	_ =	swait.ge [sflag:s28], $0x10  }
0x2b: {  	[sflag:s28] =	ssyncset.done $0x0  }
0x2c: {  	[sflag:s28] =	ssyncadd.s32 $0xFFFFFFF0  }
0x2d: {  	s10 =	simm.s32 $0x0;
	v4 =	vld [tilespmem:$0xE400]  }
0x2e: {  	v7 =	vld [tilespmem:s10+$0x0]  }
0x2f: {  	v9 =	vld [tilespmem:s10+$0x10]  }
0x30: {  	v8 =	vld [tilespmem:s10+$0x20]  }
0x31: {  	v6 =	vld [tilespmem:s10+$0x30]  }
0x32: {  	v5 =	vld [tilespmem:s10+$0x40]  }
0x33: {  	v10 =	vadd.s32 v0, v7;
	v7 =	vld [tilespmem:s10+$0x50]  }
0x34: {  	s11 =	simm.s32 $0x200;
	[tilespmem:s10+$0x0] =	vst v10;
	v10 =	vadd.s32 v0, v9;
	v9 =	vld [tilespmem:s10+$0x60]  }
.LBB2_2:
0x35: {  	s12 =	sshra.s32 s11, $0x2;
	p0 =	sne.s32 s11, $0x14600;
	[tilespmem:s10+$0x10] =	vst v10;
	v8 =	vadd.s32 v0, v8;
	v10 =	vld [tilespmem:s10+$0x70]  }
0x36: {  	v11 =	vld [tilespmem:s12+$0x0];
	[tilespmem:s10+$0x20] =	vst v8;
	v6 =	vadd.s32 v0, v6  }
0x37: {  	v12 =	vld [tilespmem:s12+$0x10];
	[tilespmem:s10+$0x30] =	vst v6;
	v5 =	vadd.s32 v0, v5  }
.Ltmp0:
0x38: {  	v8 =	vld [tilespmem:s12+$0x20];
	[tilespmem:s10+$0x40] =	vst v5;
	v5 =	vadd.s32 v0, v7;
	(pc) =	sbr.rel @p0 .LBB2_2-.Ltmp0, $4  }
0x39: {  	v6 =	vld [tilespmem:s12+$0x30];
	[tilespmem:s10+$0x50] =	vst v5;
	v7 =	vadd.s32 v0, v9  }
0x3a: {  	v5 =	vld [tilespmem:s12+$0x40];
	[tilespmem:s10+$0x60] =	vst v7;
	v9 =	vadd.s32 v0, v10  }
0x3b: {  	v10 =	vadd.s32 v0, v11;
	v7 =	vld [tilespmem:s12+$0x50];
	[tilespmem:s10+$0x70] =	vst v9;
	s10 =	smov.u32 s12  }
0x3c: {  	s11 =	sadd.s32 $0x200, s11;
	[tilespmem:s10+$0x0] =	vst v10;
	v10 =	vadd.s32 v0, v12;
	v9 =	vld [tilespmem:s10+$0x60]  }
0x3d: {  	[tilespmem:s10+$0x10] =	vst v10;
	v8 =	vadd.s32 v0, v8;
	v63 =	vld [tilespmem:s10+$0x70]  }
0x3e: {  	[tilespmem:s10+$0x20] =	vst v8;
	v6 =	vadd.s32 v0, v6  }
0x3f: {  	[tilespmem:s10+$0x30] =	vst v6;
	v5 =	vadd.s32 v0, v5  }
0x40: {  	[tilespmem:s10+$0x40] =	vst v5;
	v5 =	vadd.s32 v0, v7  }
0x41: {  	[tilespmem:s10+$0x50] =	vst v5;
	v5 =	vadd.s32 v0, v9  }
0x42: {  	[tilespmem:s10+$0x60] =	vst v5;
	v5 =	vadd.s32 v0, v63  }
0x43: {  	s11 =	simm.s32 $0x0;
	[tilespmem:s10+$0x70] =	vst v5  }
0x44: {  	s10 =	simm.s32 $0xC420;
	[tilespmem:s11+$0xA400] =	vst v3  }
0x45: {  	[tilespmem:s10+$0xFFFFFFE0] =	vst v3  }
0x46: {  	[tilespmem:s10+$0xFFFFFFF0] =	vst v3  }
0x47: {  	[tilespmem:s10+$0x0] =	vst v3  }
0x48: {  	s11 =	simm.s32 $0x40;
	[tilespmem:s10+$0x10] =	vst v3  }
.LBB2_4:
0x49: {  	s12 =	sshra.s32 s11, $0x2;
	p0 =	sne.s32 s11, $0x1FC0  }
.Ltmp1:
0x4a: {  	s11 =	sadd.s32 $0x40, s11;
	s10 =	sadd.s32 $0x40, s10;
	[tilespmem:s12+$0xA400] =	vst v3;
	(pc) =	sbr.rel @p0 .LBB2_4-.Ltmp1, $4  }
0x4b: {  	[tilespmem:s10+$0xFFFFFFE0] =	vst v3  }
0x4c: {  	[tilespmem:s10+$0xFFFFFFF0] =	vst v3  }
0x4d: {  	[tilespmem:s10+$0x0] =	vst v3  }
0x4e: {  	[tilespmem:s10+$0x10] =	vst v3  }
0x4f: {  	s10 =	rddreg [dreg:$0x8]  }
0x50: {  	[spmem:s10] =	stream.linear.scatter [tilespmem:s31], [sflag:$0x1], $0x800, $0x38;
	[tilespmem:$0x1AC10] =	vst v63  }
0x51: {  	_ =	swait.ge [sflag:s28], $0x800  }
0x52: {  	[sflag:s28] =	ssyncset.done $0x0  }
0x53: {  	[sflag:s28] =	ssyncadd.s32 $0xFFFFF800  }
0x54: {  	[spmem:s17] =	stream.linear.scatter [tilespmem:s0], [sflag:$0x1], $0x2000, $0x38;
	[tilespmem:$0x1AC10] =	vst v63  }
0x55: {  	_ =	swait.ge [sflag:s28], $0x2000  }
0x56: {  	[sflag:s28] =	ssyncset.done $0x0  }
0x57: {  	s18 =	rddreg [dreg:$0xe];
	[sflag:s28] =	ssyncadd.s32 $0xFFFFE000  }
0x58: {  	[spmem:s18] =	stream.linear.scatter [tilespmem:s31], [sflag:$0x1], $0x800, $0x38;
	[tilespmem:$0x1AC10] =	vst v63  }
0x59: {  	_ =	swait.ge [sflag:s28], $0x800  }
0x5a: {  	[sflag:s28] =	ssyncset.done $0x0  }
0x5b: {  	[sflag:s28] =	ssyncadd.s32 $0xFFFFF800  }
0x5c: {  	[spmem:s19] =	stream.linear.scatter [tilespmem:s0], [sflag:$0x1], $0x2000, $0x38;
	[tilespmem:$0x1AC10] =	vst v63  }
0x5d: {  	_ =	swait.ge [sflag:s28], $0x2000  }
0x5e: {  	[sflag:s28] =	ssyncset.done $0x0  }
0x5f: {  	[sflag:s28] =	ssyncadd.s32 $0xFFFFE000  }
0x60: {  	[spmem:s20] =	stream.linear.scatter [tilespmem:s31], [sflag:$0x1], $0x800, $0x38;
	[tilespmem:$0x1AC10] =	vst v63  }
0x61: {  	_ =	swait.ge [sflag:s28], $0x800  }
0x62: {  	[sflag:s28] =	ssyncset.done $0x0  }
0x63: {  	[sflag:s28] =	ssyncadd.s32 $0xFFFFF800  }
0x64: {  	[spmem:s21] =	stream.linear.scatter [tilespmem:s0], [sflag:$0x1], $0x2000, $0x38;
	[tilespmem:$0x1AC10] =	vst v63  }
0x65: {  	_ =	swait.ge [sflag:s28], $0x2000  }
0x66: {  	[sflag:s28] =	ssyncset.done $0x0  }
0x67: {  	[sflag:s28] =	ssyncadd.s32 $0xFFFFE000  }
0x68: {  	[spmem:s22] =	stream.linear.scatter [tilespmem:s31], [sflag:$0x1], $0x800, $0x38;
	[tilespmem:$0x1AC10] =	vst v63  }
0x69: {  	_ =	swait.ge [sflag:s28], $0x800  }
0x6a: {  	[sflag:s28] =	ssyncset.done $0x0  }
0x6b: {  	[sflag:s28] =	ssyncadd.s32 $0xFFFFF800  }
0x6c: {  	[spmem:s23] =	stream.linear.scatter [tilespmem:s0], [sflag:$0x1], $0x2000, $0x38;
	[tilespmem:$0x1AC10] =	vst v63  }
0x6d: {  	_ =	swait.ge [sflag:s28], $0x2000  }
0x6e: {  	[sflag:s28] =	ssyncset.done $0x0  }
0x6f: {  	[sflag:s28] =	ssyncadd.s32 $0xFFFFE000  }
0x70: {  	[spmem:s24] =	stream.linear.scatter [tilespmem:s31], [sflag:$0x1], $0x800, $0x38;
	[tilespmem:$0x1AC10] =	vst v63  }
0x71: {  	_ =	swait.ge [sflag:s28], $0x800  }
0x72: {  	[sflag:s28] =	ssyncset.done $0x0  }
0x73: {  	[sflag:s28] =	ssyncadd.s32 $0xFFFFF800  }
0x74: {  	[spmem:s25] =	stream.linear.scatter [tilespmem:s0], [sflag:$0x1], $0x2000, $0x38;
	[tilespmem:$0x1AC10] =	vst v63  }
0x75: {  	_ =	swait.ge [sflag:s28], $0x2000  }
0x76: {  	[sflag:s28] =	ssyncset.done $0x0  }
0x77: {  	[sflag:s28] =	ssyncadd.s32 $0xFFFFE000  }
0x78: {  	s10 =	simm.s32 $0x0;
	[bflag:$0x0] =	sbarrier.arrive $0xFFFF  }
.LBB2_6:
0x79: {  	s11 =	sshll.u32 s10, $0x7  }
0x7a: {  	[tilespmem:s31], [sflag:$0x1] =	stream.indirect.gather [hbm4b:s6+s3], $0x10, s11, s3, $0xb8;
	[tilespmem:$0x1AC10] =	vst v63  }
0x7b: {  	_ =	swait.ge [sflag:s28], $0x800  }
0x7c: {  	[sflag:s28] =	ssyncset.done $0x0  }
0x7d: {  	s11 =	sadd.s32 $0x5200, s11;
	[sflag:s28] =	ssyncadd.s32 $0xFFFFF800  }
0x7e: {  	[tilespmem:s29], [sflag:$0x1] =	stream.indirect.gather [hbm4b:s7+s3], $0x10, s11, s3, $0xb8;
	[tilespmem:$0x1AC10] =	vst v63  }
0x7f: {  	_ =	swait.ge [sflag:s28], $0x800  }
0x80: {  	[sflag:s28] =	ssyncset.done $0x0  }
0x81: {  	s12 =	simm.s32 $0x0;
	[sflag:s28] =	ssyncadd.s32 $0xFFFFF800  }
0x82: {  	v5 =	vld [tilespmem:s12+$0xA400]  }
0x83: {  	v6 =	vld [tilespmem:s12+$0xAC00];
	_ =	sdelay $0x1  }
0x84: {  	s13 =	simm.s32 $0x10  }
0x85: {  	v7 =	vld [tilespmem:s13+$0xA400]  }
0x86: {  	v8 =	vld [tilespmem:s13+$0xAC00]  }
0x87: {  	v5 =	vadd.f32 v6, v5;
	_ =	sdelay $0x1  }
0x88: {  	v9 =	vmul.f32 $2.000000030e-01, v5  }
0x89: {  	vm0 =	vge.f32 v5, $0.0e+00  }
0x8a: {  	v7 =	vadd.f32 v8, v7;
	v5 =	vsel vm0, v5, v9  }
0x8b: {  	s14 =	simm.s32 $0x20;
	v5 =	vsub.f32 v5, v4  }
0x8c: {  	v6 =	vld [tilespmem:s14+$0xA400];
	v10 =	vmul.f32 $2.000000030e-01, v7  }
0x8d: {  	v8 =	vld [tilespmem:s14+$0xAC00];
	vm14 =	vge.f32 v7, $0.0e+00;
	v5 =	vmul.f32 $1.442695020e+00, v5  }
0x8e: {  	v7 =	vsel vm14, v7, v10  }
0x8f: {  	v7 =	vsub.f32 v7, v4;
	(erf) = vpow2.f32 v5;
	_ =	sdelay $0x1  }
0x90: {  	s15 =	simm.s32 $0x30;
	v7 =	vmul.f32 $1.442695020e+00, v7  }
0x91: {  	v8 =	vadd.f32 v8, v6;
	v6 =	vld [tilespmem:s15+$0xAC00]  }
0x92: {  	v5 =	vld [tilespmem:s15+$0xA400];
	(erf) = vpow2.f32 v7  }
0x93: {  	v63 =	vmul.f32 $2.000000030e-01, v8  }
0x94: {  	vm15 =	vge.f32 v8, $0.0e+00  }
0x95: {  	s16 =	simm.s32 $0x100;
	v7 =	vsel vm15, v8, v63  }
.LBB2_7:
0x96: {  	s18 =	sshra.s32 s16, $0x2;
	v7 =	vsub.f32 v7, v4;
	p0 =	sne.s32 s16, $0x1FC0  }
.Ltmp2:
0x97: {  	s16 =	sadd.s32 $0x40, s16;
	v8 =	vadd.f32 v6, v5;
	v5 =	vld [tilespmem:s18+$0xA400];
	v9 =	vpop (erf);
	(pc) =	sbr.rel @p0 .LBB2_7-.Ltmp2, $4  }
0x98: {  	v6 =	vld [tilespmem:s18+$0xAC00];
	v7 =	vmul.f32 $1.442695020e+00, v7;
	[tilespmem:s12+$0xB400] =	vst v9;
	s12 =	smov.u32 s13;
	s13 =	smov.u32 s14;
	s14 =	smov.u32 s15  }
0x99: {  	s15 =	smov.u32 s18;
	v9 =	vmul.f32 $2.000000030e-01, v8  }
0x9a: {  	vm0 =	vge.f32 v8, $0.0e+00;
	(erf) = vpow2.f32 v7  }
0x9b: {  	v7 =	vsel vm0, v8, v9  }
0x9c: {  	_ = 	snop  }
0x9d: {  	v5 =	vadd.f32 v6, v5;
	_ =	sdelay $0x1  }
0x9e: {  	v6 =	vmul.f32 $2.000000030e-01, v5  }
0x9f: {  	vm0 =	vge.f32 v5, $0.0e+00  }
0xa0: {  	v7 =	vsub.f32 v7, v4;
	v5 =	vsel vm0, v5, v6  }
0xa1: {  	v5 =	vsub.f32 v5, v4  }
0xa2: {  	v6 =	vmul.f32 $1.442695020e+00, v7  }
0xa3: {  	v5 =	vmul.f32 $1.442695020e+00, v5  }
0xa4: {  	(erf) = vpow2.f32 v6  }
0xa5: {  	(erf) = vpow2.f32 v5;
	_ =	sdelay $0x5  }
0xa6: {  	v5 =	vpop (erf)  }
0xa7: {  	v6 =	vpop (erf);
	[tilespmem:s12+$0xB400] =	vst v5  }
0xa8: {  	s10 =	sadd.s32 $0x1, s10;
	[tilespmem:s13+$0xB400] =	vst v6;
	v5 =	vpop (erf)  }
0xa9: {  	p0 =	sne.s32 s10, $0xA4;
	[tilespmem:s14+$0xB400] =	vst v5;
	v5 =	vpop (erf)  }
.Ltmp3:
0xaa: {  	[tilespmem:s15+$0xB400] =	vst v5;
	(pc) =	sbr.rel @p0 .LBB2_6-.Ltmp3, $4  }
0xab: {  	[spmem:s1] =	stream.indirect.scatter.add.f32 [tilespmem:s30], [sflag:$0x1], $0x10, s11, s3, $0xb8;
	[tilespmem:$0x1AC10] =	vst v63  }
0xac: {  	_ =	swait.ge [sflag:s28], $0x800  }
0xad: {  	[sflag:s28] =	ssyncset.done $0x0  }
0xae: {  	[sflag:s28] =	ssyncadd.s32 $0xFFFFF800  }
0xaf: {  	[bflag:$0x0] =	sbarrier.arrive $0xFFFF;
	s10 =	simm.s32 $0x0  }
.LBB2_10:
0xb0: {  	s12 =	sshll.u32 s10, $0x7  }
0xb1: {  	[tilespmem:s31], [sflag:$0x1] =	stream.indirect.gather [hbm4b:s6+s3], $0x10, s12, s3, $0xb8;
	[tilespmem:$0x1AC10] =	vst v63  }
0xb2: {  	_ =	swait.ge [sflag:s28], $0x800  }
0xb3: {  	[sflag:s28] =	ssyncset.done $0x0  }
0xb4: {  	s11 =	sadd.s32 $0x5200, s12;
	[sflag:s28] =	ssyncadd.s32 $0xFFFFF800  }
0xb5: {  	[tilespmem:s29], [sflag:$0x1] =	stream.indirect.gather [hbm4b:s7+s3], $0x10, s11, s3, $0xb8;
	[tilespmem:$0x1AC10] =	vst v63  }
0xb6: {  	_ =	swait.ge [sflag:s28], $0x800  }
0xb7: {  	[sflag:s28] =	ssyncset.done $0x0  }
0xb8: {  	[sflag:s28] =	ssyncadd.s32 $0xFFFFF800  }
0xb9: {  	[tilespmem:s0], [sflag:$0x1] =	stream.indirect.gather [hbm4b:s5+s3], $0x40, s12, s3, $0xb8;
	[tilespmem:$0x1AC10] =	vst v63  }
0xba: {  	_ =	swait.ge [sflag:s28], $0x2000  }
0xbb: {  	[sflag:s28] =	ssyncset.done $0x0  }
0xbc: {  	[sflag:s28] =	ssyncadd.s32 $0xFFFFE000  }
0xbd: {  	[tilespmem:s8], [sflag:$0x1] =	stream.indirect.gather [spmem:s1], $0x10, s11, s3, $0xb8;
	[tilespmem:$0x1AC10] =	vst v63  }
0xbe: {  	_ =	swait.ge [sflag:s28], $0x800  }
0xbf: {  	[sflag:s28] =	ssyncset.done $0x0  }
0xc0: {  	s18 =	simm.s32 $0x0;
	[sflag:s28] =	ssyncadd.s32 $0xFFFFF800  }
0xc1: {  	v5 =	vld [tilespmem:s18+$0xAC00]  }
0xc2: {  	v6 =	vld [tilespmem:s18+$0xA400];
	_ =	sdelay $0x4  }
0xc3: {  	v5 =	vadd.f32 v5, v6  }
0xc4: {  	v6 =	vld [tilespmem:s18+$0xBC00]  }
0xc5: {  	v7 =	vmul.f32 $2.000000030e-01, v5  }
0xc6: {  	vm0 =	vge.f32 v5, $0.0e+00  }
0xc7: {  	v5 =	vsel vm0, v5, v7  }
0xc8: {  	v5 =	vsub.f32 v5, v4  }
0xc9: {  	v6 =	vadd.f32 $1.000000020e-16, v6  }
0xca: {  	v5 =	vmul.f32 $1.442695020e+00, v5  }
0xcb: {  	(erf) = vrcp.f32 v6  }
0xcc: {  	(erf) = vpow2.f32 v5;
	_ =	sdelay $0x7  }
0xcd: {  	s12 =	simm.s32 $0xC420;
	v5 =	vpop (erf)  }
0xce: {  	v6 =	vld [tilespmem:s12+$0x10];
	v7 =	vpop (erf)  }
0xcf: {  	v8 =	vld [tilespmem:s12+$0x0];
	v5 =	vmul.f32 v7, v5  }
0xd0: {  	v7 =	vld [tilespmem:s12+$0xFFFFFFF0]  }
0xd1: {  	v9 =	vld [tilespmem:s12+$0xFFFFFFE0];
	v10 =	vperm.xlane v5, v2;
	_ =	sdelay $0x1  }
0xd2: {  	v5 =	vperm.xlane v5, v1;
	v6 =	vmul.f32 v6, v10  }
0xd3: {  	v8 =	vmul.f32 v8, v10  }
0xd4: {  	v7 =	vmul.f32 v7, v5;
	[tilespmem:s12+$0x10] =	vst v6  }
0xd5: {  	v5 =	vmul.f32 v9, v5;
	[tilespmem:s12+$0x0] =	vst v8  }
0xd6: {  	[tilespmem:s12+$0xFFFFFFF0] =	vst v7  }
0xd7: {  	s14 =	simm.s32 $0x10;
	[tilespmem:s12+$0xFFFFFFE0] =	vst v5  }
0xd8: {  	s13 =	simm.s32 $0x80;
	v5 =	vld [tilespmem:s14+$0xAC00]  }
.LBB2_11:
0xd9: {  	p0 =	sne.s32 s13, $0x1FC0;
	v6 =	vld [tilespmem:s14+$0xA400]  }
0xda: {  	v7 =	vld [tilespmem:s14+$0xBC00];
	_ =	sdelay $0x3  }
0xdb: {  	v5 =	vadd.f32 v5, v6;
	_ =	sdelay $0x1  }
0xdc: {  	v6 =	vmul.f32 $2.000000030e-01, v5  }
0xdd: {  	vm0 =	vge.f32 v5, $0.0e+00  }
0xde: {  	v5 =	vsel vm0, v5, v6  }
0xdf: {  	v5 =	vsub.f32 v5, v4  }
0xe0: {  	v6 =	vadd.f32 $1.000000020e-16, v7  }
0xe1: {  	v5 =	vmul.f32 $1.442695020e+00, v5  }
0xe2: {  	(erf) = vrcp.f32 v6  }
0xe3: {  	(erf) = vpow2.f32 v5;
	_ =	sdelay $0x5  }
0xe4: {  	s12 =	sadd.s32 $0x40, s12  }
0xe5: {  	v5 =	vld [tilespmem:s12+$0xFFFFFFF0]  }
0xe6: {  	v6 =	vld [tilespmem:s12+$0x10];
	v7 =	vpop (erf)  }
0xe7: {  	v8 =	vld [tilespmem:s12+$0x0];
	v9 =	vpop (erf)  }
0xe8: {  	v7 =	vmul.f32 v9, v7;
	v9 =	vld [tilespmem:s12+$0xFFFFFFE0];
	_ =	sdelay $0x1  }
0xe9: {  	v10 =	vperm.xlane v7, v1;
	v7 =	vperm.xlane v7, v2;
	_ =	sdelay $0x1  }
0xea: {  	v8 =	vmul.f32 v8, v7;
	v6 =	vmul.f32 v6, v7  }
0xeb: {  	v5 =	vmul.f32 v5, v10;
	v7 =	vmul.f32 v9, v10  }
.Ltmp4:
0xec: {  	[tilespmem:s12+$0x10] =	vst v6;
	(pc) =	sbr.rel @p0 .LBB2_11-.Ltmp4, $4  }
0xed: {  	[tilespmem:s12+$0x0] =	vst v8  }
0xee: {  	[tilespmem:s12+$0xFFFFFFF0] =	vst v5  }
0xef: {  	s14 =	sshra.s32 s13, $0x2;
	[tilespmem:s12+$0xFFFFFFE0] =	vst v7  }
0xf0: {  	s13 =	sadd.s32 $0x40, s13;
	v5 =	vld [tilespmem:s14+$0xAC00]  }
0xf1: {  	v6 =	vld [tilespmem:s14+$0xA400];
	_ =	sdelay $0x4  }
0xf2: {  	v5 =	vadd.f32 v5, v6  }
0xf3: {  	v6 =	vld [tilespmem:s14+$0xBC00]  }
0xf4: {  	v7 =	vmul.f32 $2.000000030e-01, v5  }
0xf5: {  	vm0 =	vge.f32 v5, $0.0e+00  }
0xf6: {  	v5 =	vsel vm0, v5, v7  }
0xf7: {  	v5 =	vsub.f32 v5, v4  }
0xf8: {  	v6 =	vadd.f32 $1.000000020e-16, v6  }
0xf9: {  	v5 =	vmul.f32 $1.442695020e+00, v5  }
0xfa: {  	(erf) = vrcp.f32 v6  }
0xfb: {  	(erf) = vpow2.f32 v5;
	_ =	sdelay $0x7  }
0xfc: {  	s12 =	sadd.s32 $0x40, s12;
	v5 =	vpop (erf)  }
0xfd: {  	v6 =	vld [tilespmem:s12+$0x10];
	v7 =	vpop (erf)  }
0xfe: {  	v8 =	vld [tilespmem:s12+$0x0];
	v5 =	vmul.f32 v7, v5  }
0xff: {  	v7 =	vld [tilespmem:s12+$0xFFFFFFF0]  }
0x100: {  	v9 =	vld [tilespmem:s12+$0xFFFFFFE0];
	v10 =	vperm.xlane v5, v2;
	_ =	sdelay $0x1  }
0x101: {  	v5 =	vperm.xlane v5, v1;
	v6 =	vmul.f32 v6, v10  }
0x102: {  	v8 =	vmul.f32 v8, v10  }
0x103: {  	v7 =	vmul.f32 v7, v5;
	[tilespmem:s12+$0x10] =	vst v6  }
0x104: {  	s10 =	sadd.s32 $0x1, s10;
	v5 =	vmul.f32 v9, v5;
	[tilespmem:s12+$0x0] =	vst v8  }
0x105: {  	p0 =	sne.s32 s10, $0xA4;
	[tilespmem:s12+$0xFFFFFFF0] =	vst v7  }
.Ltmp5:
0x106: {  	[tilespmem:s12+$0xFFFFFFE0] =	vst v5;
	(pc) =	sbr.rel @p0 .LBB2_10-.Ltmp5, $4  }
0x107: {  	[spmem:s2] =	stream.indirect.scatter.add.f32 [tilespmem:s0], [sflag:$0x1], $0x40, s11, s3, $0xb8;
	[tilespmem:$0x1AC10] =	vst v63  }
0x108: {  	_ =	swait.ge [sflag:s28], $0x2000  }
0x109: {  	[sflag:s28] =	ssyncset.done $0x0  }
0x10a: {  	[sflag:s28] =	ssyncadd.s32 $0xFFFFE000  }
0x10b: {  	[bflag:$0x0] =	sbarrier.arrive $0xFFFF  }
0x10c: {  	[tilespmem:s0], [sflag:$0x1] =	stream.linear.gather [spmem:s17], $0x2000, $0x38;
	[tilespmem:$0x1AC10] =	vst v63  }
0x10d: {  	_ =	swait.ge [sflag:s28], $0x2000  }
0x10e: {  	[sflag:s28] =	ssyncset.done $0x0  }
0x10f: {  	s10 =	rddreg [dreg:$0x9];
	[sflag:s28] =	ssyncadd.s32 $0xFFFFE000  }
0x110: {  	[hbm4b:s10+s4] =	stream.linear.scatter [tilespmem:s0], [sflag:$0x1], $0x2000, $0x38;
	[tilespmem:$0x1AC10] =	vst v63  }
0x111: {  	_ =	swait.ge [sflag:s28], $0x2000  }
0x112: {  	[sflag:s28] =	ssyncset.done $0x0  }
0x113: {  	[sflag:s28] =	ssyncadd.s32 $0xFFFFE000  }
0x114: {  	[tilespmem:s0], [sflag:$0x1] =	stream.linear.gather [spmem:s19], $0x2000, $0x38;
	[tilespmem:$0x1AC10] =	vst v63  }
0x115: {  	_ =	swait.ge [sflag:s28], $0x2000  }
0x116: {  	[sflag:s28] =	ssyncset.done $0x0  }
0x117: {  	s14 =	rddreg [dreg:$0xa];
	[sflag:s28] =	ssyncadd.s32 $0xFFFFE000  }
0x118: {  	[hbm4b:s14+s4] =	stream.linear.scatter [tilespmem:s0], [sflag:$0x1], $0x2000, $0x38;
	[tilespmem:$0x1AC10] =	vst v63  }
0x119: {  	_ =	swait.ge [sflag:s28], $0x2000  }
0x11a: {  	[sflag:s28] =	ssyncset.done $0x0  }
0x11b: {  	[sflag:s28] =	ssyncadd.s32 $0xFFFFE000  }
0x11c: {  	[tilespmem:s0], [sflag:$0x1] =	stream.linear.gather [spmem:s21], $0x2000, $0x38;
	[tilespmem:$0x1AC10] =	vst v63  }
0x11d: {  	_ =	swait.ge [sflag:s28], $0x2000  }
0x11e: {  	[sflag:s28] =	ssyncset.done $0x0  }
0x11f: {  	s15 =	rddreg [dreg:$0xb];
	[sflag:s28] =	ssyncadd.s32 $0xFFFFE000  }
0x120: {  	[hbm4b:s15+s4] =	stream.linear.scatter [tilespmem:s0], [sflag:$0x1], $0x2000, $0x38;
	[tilespmem:$0x1AC10] =	vst v63  }
0x121: {  	_ =	swait.ge [sflag:s28], $0x2000  }
0x122: {  	[sflag:s28] =	ssyncset.done $0x0  }
0x123: {  	[sflag:s28] =	ssyncadd.s32 $0xFFFFE000  }
0x124: {  	[tilespmem:s0], [sflag:$0x1] =	stream.linear.gather [spmem:s23], $0x2000, $0x38;
	[tilespmem:$0x1AC10] =	vst v63  }
0x125: {  	_ =	swait.ge [sflag:s28], $0x2000  }
0x126: {  	[sflag:s28] =	ssyncset.done $0x0  }
0x127: {  	s16 =	rddreg [dreg:$0xc];
	[sflag:s28] =	ssyncadd.s32 $0xFFFFE000  }
0x128: {  	[hbm4b:s16+s4] =	stream.linear.scatter [tilespmem:s0], [sflag:$0x1], $0x2000, $0x38;
	[tilespmem:$0x1AC10] =	vst v63  }
0x129: {  	_ =	swait.ge [sflag:s28], $0x2000  }
0x12a: {  	[sflag:s28] =	ssyncset.done $0x0  }
0x12b: {  	[sflag:s28] =	ssyncadd.s32 $0xFFFFE000  }
0x12c: {  	[tilespmem:s0], [sflag:$0x1] =	stream.linear.gather [spmem:s25], $0x2000, $0x38;
	[tilespmem:$0x1AC10] =	vst v63  }
0x12d: {  	s9 =	sadd.s32 $0x1, s9;
	_ =	swait.ge [sflag:s28], $0x2000  }
0x12e: {  	p0 =	sne.s32 s9, s26;
	[sflag:s28] =	ssyncset.done $0x0  }
.Ltmp6:
0x12f: {  	s18 =	rddreg [dreg:$0xd];
	[sflag:s28] =	ssyncadd.s32 $0xFFFFE000;
	(pc) =	sbr.rel @p0 .LBB2_1-.Ltmp6, $4  }
0x130: {  	[hbm4b:s18+s4] =	stream.linear.scatter [tilespmem:s0], [sflag:$0x1], $0x2000, $0x38;
	[tilespmem:$0x1AC10] =	vst v63  }
0x131: {  	_ =	swait.ge [sflag:s28], $0x2000  }
0x132: {  	[sflag:s28] =	ssyncset.done $0x0  }
0x133: {  	[sflag:s28] =	ssyncadd.s32 $0xFFFFE000  }
0x134: {  	_ =	sfence.sel $0x180000  }
0x135: {  	[bflag:$0x0] =	sbarrier.arrive $0xFFFF  }
0x136: {  	_ =	strace $0x90000047  }
0x137: {  	s0 =	stileid.u32;
	[bflag:$0x2] =	sbarrier.arrive $0xFFFF  }
0x138: {  	p0 =	sne.s32 s0, $0x0;
	s0 =	rddreg [dreg:$0x4]  }
0x139: {  	s0 =	sadd.s32 @!p0 $0x100000, s0  }
0x13a: {  	[sflag:s0] =	ssyncadd.tile.s32 @!p0 $0x1;
	_ =	shalt  }
.Lfunc_end2:
_tile_overlayer_lowered:
.L_overlay_start_2:
0x13b: {  	(tag) =	ssettag $0x2  }
0x13c: {  	s0 =	rddreg [dreg:$0x0];
	s2 =	stileid.u32  }
0x13d: {  	s1 =	rddreg [dreg:$0x1];
	p0 =	sne.s32 s2, $0x0  }
0x13e: {  	s3 =	rddreg [dreg:$0x2];
	[bflag:$0x3] =	sbarrier.arrive $0xFFFF;
	s2 =	simm.s32 @!p0 $0x1C01  }
0x13f: {  	[timem:s3], [sflag:s2] =	dma.local @!p0 [hbm:s0], s1  }
0x140: {  	s0 =	simm.s32 @!p0 $0x1  }
0x141: {  	_ =	swait.ge @!p0 [sflag:s0], s1  }
0x142: {  	s1 =	ssub.s32 @!p0 $0x0, s1;
	[sflag:s0] =	ssyncset.done @!p0 $0x0  }
0x143: {  	[sflag:s0] =	ssyncadd.s32 @!p0 s1  }
0x144: {  	[bflag:$0x3] =	sbarrier.arrive $0xFFFF  }
0x145: {  	_ =	shalt  }

// kernel: kernel.9.cloned.1.call-start
scs
__scs_entry_jumppad:
0x0: {  	(pc) =	sbr.rel $0x88, $3  }
0x1: {  	(tag) =	ssettag $0x0;
	lr =	simm.s32 $0x1  }
0x2: {  	[smem:$0x3F97] =	sst lr;
	_ =	strace $0xD0000000  }
0x3: {  	_ = 	snop  }
0x4: {  	_ = 	snop  }
0x5: {  	_ = 	snop  }
0x6: {  	_ = 	snop  }
0x7: {  	_ = 	snop  }
__scs_overlays_trampoline_lowered:
0x8: {  	[smem:$0x3FA6] =	sst s0  }
0x9: {  	[smem:$0x3FA7] =	sst s1  }
0xa: {  	[smem:$0x3FA8] =	sst s2  }
0xb: {  	[smem:$0x3FA9] =	sst s3  }
0xc: {  	[smem:$0x3FAA] =	sst s4  }
0xd: {  	[smem:$0x3FAB] =	sst s5  }
0xe: {  	[smem:$0x3FAC] =	sst s6  }
0xf: {  	[smem:$0x3FAD] =	sst s7  }
0x10: {  	[smem:$0x3FAE] =	sst s8  }
0x11: {  	[smem:$0x3FAF] =	sst s9;
	s0 =	simm.s32 @!p0 $0x0  }
0x12: {  	s1 =	sld [smem:$0x3F95];
	s0 =	simm.s32 @p0 $0x1  }
0x13: {  	[smem:$0x3FB0] =	sst s0;
	s0 =	simm.s32 @!p1 $0x0  }
0x14: {  	s2 =	sld [smem:$0x3F94];
	s0 =	simm.s32 @p1 $0x1  }
0x15: {  	[smem:$0x3FB1] =	sst s0;
	s0 =	simm.s32 @!p2 $0x0  }
0x16: {  	s3 =	sld [smem:$0x3FDB];
	s0 =	simm.s32 @p2 $0x1  }
0x17: {  	s4 =	simm.s32 $0x1BF5;
	[smem:$0x3FB3] =	sst s0  }
0x18: {  	s0 =	sld [smem:$0x3F96];
	_ =	swait.ge [sflag:s4], $0x0  }
0x19: {  	s7 =	sld [smem:$0x3F97]  }
0x1a: {  	s8 =	sadd.s32 $0xFFFFE003, lr  }
0x1b: {  	s9 =	sadd.s32 $0xFFFFFEF7, lr;
	s5 =	simm.s32 $0xFFFFFFFF;
	p2 =	slt.u32 s8, $0xFFFFF086  }
0x1c: {  	p1 =	slt.u32 s9, $0xF7A;
	s5 =	simm.s32 @!p2 $0x0  }
0x1d: {  	s5 =	simm.s32 @p1 $0x1;
	p0 =	seq.s32 s7, s2  }
0x1e: {  	s7 =	smul.u32 @!p0 $0xF7A, s2;
	p2 =	seq.s32 @!p0 s5, $0x0  }
0x1f: {  	s9 =	smul.u32 $0xF7A, s1;
	s8 =	simm.s32 @!p0 $0x1BF5;
	p2 =	por !p2, p0  }
0x20: {  	[sflag:s8] =	ssyncset.s32 @!p0 $0xFFFFF086;
	s6 =	sadd.s32 @!p0 s3, s7;
	s7 =	simm.s32 @!p0 $0x108  }
0x21: {  	s3 =	sadd.s32 s3, s9;
	s6 =	sadd.s32 @!p0 $0x88, s6;
	s7 =	simm.s32 @p2 $0x1082  }
0x22: {  	[simem:s7], [sflag:s8] =	dma.local @!p0 [hbm:s6], $0xF7A  }
0x23: {  	s9 =	sor.u32 $0xD0000000, s2;
	s6 =	simm.s32 $0x108;
	_ =	swait.ge @!p0 [sflag:s8], $0x0  }
0x24: {  	s3 =	sadd.s32 $0x88, s3;
	s6 =	simm.s32 @!p1 $0x1082;
	[sflag:s4] =	ssyncset.s32 $0xFFFFF086  }
0x25: {  	[simem:s6], [sflag:s4] =	dma.local [hbm:s3], $0xF7A  }
0x26: {  	[smem:$0x3F97] =	sst s1;
	(tag) =	ssettag s2;
	_ =	strace s9  }
0x27: {  	s1 =	sld [smem:$0x3FA7]  }
0x28: {  	s2 =	sld [smem:$0x3FA8]  }
0x29: {  	s4 =	sld [smem:$0x3FAA]  }
0x2a: {  	p0 =	seq.s32 s5, $0x0;
	s5 =	sld [smem:$0x3FAB]  }
0x2b: {  	s6 =	sld [smem:$0x3FAC]  }
0x2c: {  	s7 =	sld [smem:$0x3FAD]  }
0x2d: {  	s3 =	simm.s32 $0x108;
	s8 =	sld [smem:$0x3FAE]  }
0x2e: {  	s3 =	simm.s32 @!p0 $0x1082;
	s9 =	sld [smem:$0x3FAF]  }
0x2f: {  	lr =	sadd.s32 s0, s3;
	s0 =	sld [smem:$0x3FA6]  }
0x30: {  	s3 =	sld [smem:$0x3FA9]  }
0x31: {  	[smem:$0x3FB2] =	sst s10  }
0x32: {  	s10 =	sld [smem:$0x3FB0];
	_ =	sdelay $0x3  }
0x33: {  	p0 =	seq.s32 s10, $0x1;
	s10 =	sld [smem:$0x3FB2];
	_ =	sdelay $0x3  }
0x34: {  	[smem:$0x3FB2] =	sst s10  }
0x35: {  	s10 =	sld [smem:$0x3FB1];
	_ =	sdelay $0x3  }
0x36: {  	p1 =	seq.s32 s10, $0x1;
	s10 =	sld [smem:$0x3FB2];
	_ =	sdelay $0x3  }
0x37: {  	[smem:$0x3FB2] =	sst s10  }
0x38: {  	s10 =	sld [smem:$0x3FB3]  }
0x39: {  	_ = 	snop;
	(pc) =	sbr.ind lr, $3  }
0x3a: {  	_ = 	snop  }
0x3b: {  	_ = 	snop  }
0x3c: {  	p2 =	seq.s32 s10, $0x1;
	s10 =	sld [smem:$0x3FB2]  }
0x3d: {  	_ =	shalt  }
0x3e: {  	_ =	shalt  }
0x3f: {  	_ =	shalt  }
0x40: {  	_ =	shalt  }
0x41: {  	_ =	shalt  }
0x42: {  	_ =	shalt  }
0x43: {  	_ =	shalt  }
0x44: {  	_ =	shalt  }
0x45: {  	_ =	shalt  }
0x46: {  	_ =	shalt  }
0x47: {  	_ =	shalt  }
0x48: {  	_ =	shalt  }
0x49: {  	_ =	shalt  }
0x4a: {  	_ =	shalt  }
0x4b: {  	_ =	shalt  }
0x4c: {  	_ =	shalt  }
0x4d: {  	_ =	shalt  }
0x4e: {  	_ =	shalt  }
0x4f: {  	_ =	shalt  }
0x50: {  	_ =	shalt  }
0x51: {  	_ =	shalt  }
0x52: {  	_ =	shalt  }
0x53: {  	_ =	shalt  }
0x54: {  	_ =	shalt  }
0x55: {  	_ =	shalt  }
0x56: {  	_ =	shalt  }
0x57: {  	_ =	shalt  }
0x58: {  	_ =	shalt  }
0x59: {  	_ =	shalt  }
0x5a: {  	_ =	shalt  }
0x5b: {  	_ =	shalt  }
0x5c: {  	_ =	shalt  }
0x5d: {  	_ =	shalt  }
0x5e: {  	_ =	shalt  }
0x5f: {  	_ =	shalt  }
0x60: {  	_ =	shalt  }
0x61: {  	_ =	shalt  }
0x62: {  	_ =	shalt  }
0x63: {  	_ =	shalt  }
0x64: {  	_ =	shalt  }
0x65: {  	_ =	shalt  }
0x66: {  	_ =	shalt  }
0x67: {  	_ =	shalt  }
0x68: {  	_ =	shalt  }
0x69: {  	_ =	shalt  }
0x6a: {  	_ =	shalt  }
0x6b: {  	_ =	shalt  }
0x6c: {  	_ =	shalt  }
0x6d: {  	_ =	shalt  }
0x6e: {  	_ =	shalt  }
0x6f: {  	_ =	shalt  }
0x70: {  	_ =	shalt  }
0x71: {  	_ =	shalt  }
0x72: {  	_ =	shalt  }
0x73: {  	_ =	shalt  }
0x74: {  	_ =	shalt  }
0x75: {  	_ =	shalt  }
0x76: {  	_ =	shalt  }
0x77: {  	_ =	shalt  }
0x78: {  	_ =	shalt  }
0x79: {  	_ =	shalt  }
0x7a: {  	_ =	shalt  }
0x7b: {  	_ =	shalt  }
0x7c: {  	_ =	shalt  }
0x7d: {  	_ =	shalt  }
0x7e: {  	_ =	shalt  }
0x7f: {  	_ =	shalt  }
0x80: {  	_ =	shalt  }
0x81: {  	_ =	shalt  }
0x82: {  	_ =	shalt  }
0x83: {  	_ =	shalt  }
0x84: {  	_ =	shalt  }
0x85: {  	_ =	shalt  }
0x86: {  	_ =	shalt  }
0x87: {  	_ =	shalt  }
.Lfunc_end0:
.L_simem_size_0:
called_computation.1_lowered:
.L_overlay_start_0:
0x88: {  	s2 =	sld [smem:$0x3FD9]  }
0x89: {  	s3 =	sld [smem:$0x3FFE];
	_ =	sdelay $0x1  }
0x8a: {  	s1 =	srdreg.scid  }
0x8b: {  	s0 =	sand.u32 $0x1, s1  }
0x8c: {  	s17 =	sshll.u32 s0, $0xA;
	s2 =	sadd.s32 s3, s2  }
0x8d: {  	s2 =	sadd.s32 s2, s17  }
0x8e: {  	[smem:$0x3FBE] =	sst s2  }
0x8f: {  	_ = 	snop  }
0x90: {  	s2 =	sld [smem:$0x3FD0];
	(tm) =	ssettm $0x1  }
0x91: {  	s18 =	sld [smem:$0x3FFB];
	_ =	sdelay $0x3  }
0x92: {  	_ =	strace s18  }
0x93: {  	s3 =	sld [smem:$0x3FFC];
	_ =	sdelay $0x3  }
0x94: {  	_ =	strace s3  }
0x95: {  	s3 =	sld [smem:$0x3FFD];
	_ =	sdelay $0x3  }
0x96: {  	_ =	strace s3  }
0x97: {  	_ =	strace $0x8FFFFFFF  }
0x98: {  	s19 =	sld [smem:$0x3FDB];
	_ =	sdelay $0x1  }
0x99: {  	s4 =	simm.s32 $_scs_section_size  }
0x9a: {  	s5 =	simm.s32 $_size__tile_overlayer_lowered;
	s6 =	simm.s32 $_tile_overlayer_lowered  }
0x9b: {  	s22 =	simm.s32 $0x1BFF;
	s21 =	sshll.u32 s6, $0x1;
	s3 =	sadd.s32 s4, s19  }
0x9c: {  	s7 =	simm.s32 $0x0;
	s20 =	sshll.u32 s5, $0x1;
	s5 =	sadd.s32 s21, s3  }
0x9d: {  	[timem:s7], [sflag:s22] =	dma.local [hbm:s5], s20  }
0x9e: {  	_ =	swait.ge [sflag:s22], s20  }
0x9f: {  	s4 =	ssub.s32 $0x0, s20;
	[sflag:s22] =	ssyncset.done $0x0  }
0xa0: {  	[sflag:s22] =	ssyncadd.s32 s4;
	_ =	sdelay $0x1  }
0xa1: {  	s23 =	simm.s32 $0x1B8B  }
0xa2: {  	_ =	swait.ge [sflag:s23], $0x1  }
0xa3: {  	[sflag:s23] =	ssyncset.done $0x0  }
0xa4: {  	s25 =	simm.s32 $0x1B8E;
	s24 =	sld [smem:$0x3FFE];
	[sflag:s23] =	ssyncadd.s32 $0xFFFFFFFF  }
0xa5: {  	s26 =	simm.s32 $execute0_lowered;
	[smem:$0x3FD2] =	sst s25  }
0xa6: {  	s5 =	sshll.u32 s26, $0x1;
	_ =	strace $0x80000049;
	[dreg:$0x1] =	wrdreg $0xFFFFFFFF  }
0xa7: {  	s28 =	simm.s32 $_size_execute0_lowered;
	s3 =	sadd.s32 s3, s5;
	[dreg:$0x0] =	wrdreg $0x0  }
0xa8: {  	s5 =	sshll.u32 s28, $0x1;
	[dreg:$0x2] =	wrdreg s3  }
0xa9: {  	[dreg:$0x3] =	wrdreg s5  }
0xaa: {  	[dreg:$0x4] =	wrdreg $0xC0  }
0xab: {  	_ =	task [dreg:s7], $0x5FFFF  }
0xac: {  	[dreg:$0x1] =	wrdreg $0xFFFFFFFF  }
0xad: {  	[dreg:$0x0] =	wrdreg $0x60  }
0xae: {  	[dreg:$0x2] =	wrdreg s24  }
0xaf: {  	[dreg:$0x3] =	wrdreg s2  }
0xb0: {  	[dreg:$0x4] =	wrdreg $0xD4100  }
0xb1: {  	[dreg:$0x5] =	wrdreg $0xFC100  }
0xb2: {  	[dreg:$0x6] =	wrdreg $0x9  }
0xb3: {  	_ =	task.clear_ibuf [dreg:s7], $0x7FFFF;
	_ =	strace $0x90000049  }
0xb4: {  	s29 =	simm.s32 $0x9;
	_ =	strace $0x8000004B  }
0xb5: {  	_ =	swait.ge [sflag:s29], $0x1  }
0xb6: {  	[sflag:s29] =	ssyncadd.s32 $0xFFFFFFFF  }
0xb7: {  	_ =	strace $0x9000004B  }
0xb8: {  	_ =	sfence  }
0xb9: {  	s30 =	sld [smem:$0x0];
	_ =	sdelay $0x2  }
0xba: {  	s31 =	sshll.u32 s1, $0xD;
	s1 =	sshrl.u32 s1, $0x2  }
0xbb: {  	s3 =	sand.u32 $0x4000, s31;
	s1 =	sadd.s32 s1, s30  }
0xbc: {  	s0 =	sor.u32 s3, s0;
	s1 =	sshll.u32 s1, $0x11  }
0xbd: {  	s0 =	sor.u32 s1, s0  }
0xbe: {  	s0 =	sadd.s32 $0x8F2B, s0  }
0xbf: {  	[sflag:s0] =	ssyncadd.remote.s32 $0x1  }
0xc0: {  	_ =	sfence.sel $0xFFFF  }
0xc1: {  	[dreg:$0x0] =	wrdreg $0xFFFFFFFF;
	(pc) =	sbr.abs _section_cstart, $3  }
0xc2: {  	[dreg:$0x1] =	wrdreg $0xFFFFFFFF  }
0xc3: {  	_ =	task.clear_ibuf [dreg:s7], $0x2FFFF;
	_ =	strace $0x9FFFFFFF  }
0xc4: {  	(tm) =	ssettm $0x7FFFFFFF  }
0xc5: {  	_ =	shalt  }
tec
execute0_lowered:
.L_overlay_start_1:
0x0: {  	(tag) =	ssettag $0x1  }
0x1: {  	s0 =	rddreg [dreg:$0x0]  }
0x2: {  	s1 =	rddreg [dreg:$0x1]  }
0x3: {  	s2 =	rddreg [dreg:$0x2]  }
0x4: {  	s4 =	rddreg [dreg:$0x3];
	s5 =	simm.s32 $0x0  }
0x5: {  	s13 =	stileid.u32;
	s7 =	srdreg.scid;
	s28 =	simm.s32 $0x1  }
0x6: {  	s31 =	simm.s32 $0xA400;
	s29 =	simm.s32 $0xAC00;
	s3 =	smul.u32 $0xA40, s13  }
0x7: {  	s30 =	simm.s32 $0xB400;
	[smem:$0x7FF] =	sst s5;
	s17 =	smul.u32 $0x280, s13  }
0x8: {  	s6 =	sadd.s32 $0x1600, s0;
	s8 =	sand.u32 $0x1, s7;
	s12 =	smul.u32 $0xA000, s13  }
0x9: {  	s7 =	sadd.s32 $0x15600, s0;
	s10 =	sadd.s32 $0x1A600, s0;
	s19 =	smul.u32 $0x14000, s13  }
0xa: {  	_ =	strace $0x8000004A;
	s9 =	smul.u32 $0x2800, s8;
	[dreg:$0x5] =	wrdreg s10  }
0xb: {  	s8 =	ssub.s32 $0x2, s8;
	s3 =	sadd.s32 s3, s0;
	s0 =	sadd.s32 $0x1A800, s0  }
0xc: {  	s11 =	sshrl.u32 s8, $0x1;
	s20 =	sshrl.u32 s12, $0x2;
	s21 =	sadd.s32 $0x80, s17  }
0xd: {  	s22 =	sshrl.u32 s19, $0x2;
	s26 =	sadd.s32 $0x100, s17;
	s15 =	sadd.s32 $0x180, s17  }
0xe: {  	s10 =	sadd.s32 $0x200, s17;
	s8 =	ssub.s32 s8, s11;
	s18 =	sadd.s32 $0x6AC00, s3  }
0xf: {  	s3 =	sadd.s32 $0x75000, s3;
	s23 =	sshll.u32 s21, $0x4;
	s12 =	sadd.s32 s22, s4  }
0x10: {  	s25 =	sshll.u32 s21, $0x5;
	s16 =	sadd.s32 s17, s9;
	s13 =	sadd.s32 s9, s21  }
0x11: {  	s19 =	sadd.s32 s9, s15;
	s22 =	sshll.u32 s26, $0x4;
	[dreg:$0x6] =	wrdreg s18  }
0x12: {  	[dreg:$0x7] =	wrdreg s3;
	s3 =	sadd.s32 s20, s2;
	s24 =	sadd.s32 s23, s2  }
0x13: {  	s14 =	sadd.s32 s25, s4;
	s11 =	sshll.u32 s16, $0x2;
	s17 =	sshll.u32 s13, $0x2  }
0x14: {  	s18 =	sadd.s32 s9, s26;
	s13 =	sshll.u32 s19, $0x2;
	s16 =	sadd.s32 s9, s10  }
0x15: {  	s23 =	sshll.u32 s15, $0x4;
	s25 =	sshll.u32 s10, $0x4;
	[dreg:$0x8] =	wrdreg s3  }
0x16: {  	v0 =	vmov s9;
	s9 =	simm.s32 $0x0;
	[dreg:$0x9] =	wrdreg s24;
	s11 =	sadd.s32 s0, s11  }
0x17: {  	s20 =	sadd.s32 s0, s13;
	s21 =	sshll.u32 s16, $0x2;
	s3 =	sshll.u32 s26, $0x5  }
0x18: {  	s24 =	sshll.u32 s15, $0x5;
	s26 =	sshll.u32 s10, $0x5;
	[dreg:$0xa] =	wrdreg s11  }
0x19: {  	s11 =	sadd.s32 s0, s17;
	[dreg:$0xd] =	wrdreg s20;
	s20 =	sadd.s32 s22, s2  }
0x1a: {  	s22 =	sadd.s32 s23, s2;
	s23 =	sadd.s32 s24, s4;
	s24 =	sadd.s32 s25, s2  }
0x1b: {  	s25 =	sadd.s32 s26, s4;
	[dreg:$0xb] =	wrdreg s11;
	s11 =	sshll.u32 s18, $0x2  }
0x1c: {  	s26 =	smax.u32 s8, $0x1;
	s8 =	simm.s32 $0xBC00;
	s11 =	sadd.s32 s0, s11  }
0x1d: {  	s0 =	sadd.s32 s0, s21;
	s21 =	sadd.s32 s3, s4;
	[dreg:$0xc] =	wrdreg s11  }
0x1e: {  	v1 =	vimm.f32 $0.0e+00;
	v2 =	vimm.s32 $0x0;
	s3 =	simm.s32 $0x80;
	[dreg:$0xe] =	wrdreg s0;
	s0 =	simm.s32 $0xC400  }
.LBB2_1:
0x1f: {  	s10 =	rddreg [dreg:$0x6]  }
0x20: {  	[tilespmem:s5], [sflag:$0x1] =	stream.linear.gather [hbm4b:s10+s5], $0x5200, $0x38;
	[tilespmem:$0x14C10] =	vst v63  }
0x21: {  	_ =	swait.ge [sflag:s28], $0x5200  }
0x22: {  	[sflag:s28] =	ssyncset.done $0x0  }
0x23: {  	s11 =	simm.s32 $0x5200;
	s17 =	rddreg [dreg:$0x7];
	[sflag:s28] =	ssyncadd.s32 $0xFFFFAE00  }
0x24: {  	[tilespmem:s11], [sflag:$0x1] =	stream.linear.gather [hbm4b:s17+s5], $0x5200, $0x38;
	[tilespmem:$0x14C10] =	vst v63  }
0x25: {  	_ =	swait.ge [sflag:s28], $0x5200  }
0x26: {  	[sflag:s28] =	ssyncset.done $0x0  }
0x27: {  	s19 =	simm.s32 $0xD400;
	s18 =	rddreg [dreg:$0x5];
	[sflag:s28] =	ssyncadd.s32 $0xFFFFAE00  }
0x28: {  	[tilespmem:s19], [sflag:$0x1] =	stream.linear.gather [hbm4b:s18+s5], $0x10, $0x38;
	[tilespmem:$0x14C10] =	vst v63  }
0x29: {  	_ =	swait.ge [sflag:s28], $0x10  }
0x2a: {  	[sflag:s28] =	ssyncset.done $0x0  }
0x2b: {  	[sflag:s28] =	ssyncadd.s32 $0xFFFFFFF0  }
0x2c: {  	s10 =	simm.s32 $0x0;
	v3 =	vld [tilespmem:$0xD400]  }
0x2d: {  	v6 =	vld [tilespmem:s10+$0x0]  }
0x2e: {  	v8 =	vld [tilespmem:s10+$0x10]  }
0x2f: {  	v7 =	vld [tilespmem:s10+$0x20]  }
0x30: {  	v5 =	vld [tilespmem:s10+$0x30]  }
0x31: {  	v4 =	vld [tilespmem:s10+$0x40]  }
0x32: {  	v9 =	vadd.s32 v0, v6;
	v6 =	vld [tilespmem:s10+$0x50]  }
0x33: {  	s11 =	simm.s32 $0x200;
	[tilespmem:s10+$0x0] =	vst v9;
	v9 =	vadd.s32 v0, v8;
	v8 =	vld [tilespmem:s10+$0x60]  }
.LBB2_2:
0x34: {  	s13 =	sshra.s32 s11, $0x2;
	p0 =	sne.s32 s11, $0x14600;
	[tilespmem:s10+$0x10] =	vst v9;
	v7 =	vadd.s32 v0, v7;
	v9 =	vld [tilespmem:s10+$0x70]  }
0x35: {  	v10 =	vld [tilespmem:s13+$0x0];
	[tilespmem:s10+$0x20] =	vst v7;
	v5 =	vadd.s32 v0, v5  }
0x36: {  	v11 =	vld [tilespmem:s13+$0x10];
	[tilespmem:s10+$0x30] =	vst v5;
	v4 =	vadd.s32 v0, v4  }
.Ltmp0:
0x37: {  	v7 =	vld [tilespmem:s13+$0x20];
	[tilespmem:s10+$0x40] =	vst v4;
	v4 =	vadd.s32 v0, v6;
	(pc) =	sbr.rel @p0 .LBB2_2-.Ltmp0, $4  }
0x38: {  	v5 =	vld [tilespmem:s13+$0x30];
	[tilespmem:s10+$0x50] =	vst v4;
	v6 =	vadd.s32 v0, v8  }
0x39: {  	v4 =	vld [tilespmem:s13+$0x40];
	[tilespmem:s10+$0x60] =	vst v6;
	v8 =	vadd.s32 v0, v9  }
0x3a: {  	v9 =	vadd.s32 v0, v10;
	v6 =	vld [tilespmem:s13+$0x50];
	[tilespmem:s10+$0x70] =	vst v8;
	s10 =	smov.u32 s13  }
0x3b: {  	s11 =	sadd.s32 $0x200, s11;
	[tilespmem:s10+$0x0] =	vst v9;
	v9 =	vadd.s32 v0, v11;
	v8 =	vld [tilespmem:s10+$0x60]  }
0x3c: {  	[tilespmem:s10+$0x10] =	vst v9;
	v7 =	vadd.s32 v0, v7;
	v63 =	vld [tilespmem:s10+$0x70]  }
0x3d: {  	[tilespmem:s10+$0x20] =	vst v7;
	v5 =	vadd.s32 v0, v5  }
0x3e: {  	[tilespmem:s10+$0x30] =	vst v5;
	v4 =	vadd.s32 v0, v4  }
0x3f: {  	[tilespmem:s10+$0x40] =	vst v4;
	v4 =	vadd.s32 v0, v6  }
0x40: {  	[tilespmem:s10+$0x50] =	vst v4;
	v4 =	vadd.s32 v0, v8  }
0x41: {  	[tilespmem:s10+$0x60] =	vst v4;
	v4 =	vadd.s32 v0, v63  }
0x42: {  	s11 =	simm.s32 $0x0;
	[tilespmem:s10+$0x70] =	vst v4  }
0x43: {  	s10 =	simm.s32 $0xC410;
	[tilespmem:s11+$0xA400] =	vst v1  }
0x44: {  	[tilespmem:s10+$0xFFFFFFF0] =	vst v1  }
0x45: {  	s11 =	simm.s32 $0x40;
	[tilespmem:s10+$0x0] =	vst v1  }
.LBB2_4:
0x46: {  	p0 =	sne.s32 s11, $0x1FC0  }
.Ltmp1:
0x47: {  	_ = 	snop;
	(pc) =	sbr.rel @p0 .LBB2_4-.Ltmp1, $4  }
0x48: {  	s13 =	sshra.s32 s11, $0x2  }
0x49: {  	s10 =	sadd.s32 $0x20, s10;
	[tilespmem:s13+$0xA400] =	vst v1  }
0x4a: {  	[tilespmem:s10+$0xFFFFFFF0] =	vst v1  }
0x4b: {  	s11 =	sadd.s32 $0x40, s11;
	[tilespmem:s10+$0x0] =	vst v1  }
0x4c: {  	s10 =	rddreg [dreg:$0x8]  }
0x4d: {  	[spmem:s10] =	stream.linear.scatter [tilespmem:s31], [sflag:$0x1], $0x800, $0x38;
	[tilespmem:$0x14C10] =	vst v63  }
0x4e: {  	_ =	swait.ge [sflag:s28], $0x800  }
0x4f: {  	[sflag:s28] =	ssyncset.done $0x0  }
0x50: {  	[sflag:s28] =	ssyncadd.s32 $0xFFFFF800  }
0x51: {  	[spmem:s12] =	stream.linear.scatter [tilespmem:s0], [sflag:$0x1], $0x1000, $0x38;
	[tilespmem:$0x14C10] =	vst v63  }
0x52: {  	_ =	swait.ge [sflag:s28], $0x1000  }
0x53: {  	[sflag:s28] =	ssyncset.done $0x0  }
0x54: {  	s19 =	rddreg [dreg:$0x9];
	[sflag:s28] =	ssyncadd.s32 $0xFFFFF000  }
0x55: {  	[spmem:s19] =	stream.linear.scatter [tilespmem:s31], [sflag:$0x1], $0x800, $0x38;
	[tilespmem:$0x14C10] =	vst v63  }
0x56: {  	_ =	swait.ge [sflag:s28], $0x800  }
0x57: {  	[sflag:s28] =	ssyncset.done $0x0  }
0x58: {  	[sflag:s28] =	ssyncadd.s32 $0xFFFFF800  }
0x59: {  	[spmem:s14] =	stream.linear.scatter [tilespmem:s0], [sflag:$0x1], $0x1000, $0x38;
	[tilespmem:$0x14C10] =	vst v63  }
0x5a: {  	_ =	swait.ge [sflag:s28], $0x1000  }
0x5b: {  	[sflag:s28] =	ssyncset.done $0x0  }
0x5c: {  	[sflag:s28] =	ssyncadd.s32 $0xFFFFF000  }
0x5d: {  	[spmem:s20] =	stream.linear.scatter [tilespmem:s31], [sflag:$0x1], $0x800, $0x38;
	[tilespmem:$0x14C10] =	vst v63  }
0x5e: {  	_ =	swait.ge [sflag:s28], $0x800  }
0x5f: {  	[sflag:s28] =	ssyncset.done $0x0  }
0x60: {  	[sflag:s28] =	ssyncadd.s32 $0xFFFFF800  }
0x61: {  	[spmem:s21] =	stream.linear.scatter [tilespmem:s0], [sflag:$0x1], $0x1000, $0x38;
	[tilespmem:$0x14C10] =	vst v63  }
0x62: {  	_ =	swait.ge [sflag:s28], $0x1000  }
0x63: {  	[sflag:s28] =	ssyncset.done $0x0  }
0x64: {  	[sflag:s28] =	ssyncadd.s32 $0xFFFFF000  }
0x65: {  	[spmem:s22] =	stream.linear.scatter [tilespmem:s31], [sflag:$0x1], $0x800, $0x38;
	[tilespmem:$0x14C10] =	vst v63  }
0x66: {  	_ =	swait.ge [sflag:s28], $0x800  }
0x67: {  	[sflag:s28] =	ssyncset.done $0x0  }
0x68: {  	[sflag:s28] =	ssyncadd.s32 $0xFFFFF800  }
0x69: {  	[spmem:s23] =	stream.linear.scatter [tilespmem:s0], [sflag:$0x1], $0x1000, $0x38;
	[tilespmem:$0x14C10] =	vst v63  }
0x6a: {  	_ =	swait.ge [sflag:s28], $0x1000  }
0x6b: {  	[sflag:s28] =	ssyncset.done $0x0  }
0x6c: {  	[sflag:s28] =	ssyncadd.s32 $0xFFFFF000  }
0x6d: {  	[spmem:s24] =	stream.linear.scatter [tilespmem:s31], [sflag:$0x1], $0x800, $0x38;
	[tilespmem:$0x14C10] =	vst v63  }
0x6e: {  	_ =	swait.ge [sflag:s28], $0x800  }
0x6f: {  	[sflag:s28] =	ssyncset.done $0x0  }
0x70: {  	[sflag:s28] =	ssyncadd.s32 $0xFFFFF800  }
0x71: {  	[spmem:s25] =	stream.linear.scatter [tilespmem:s0], [sflag:$0x1], $0x1000, $0x38;
	[tilespmem:$0x14C10] =	vst v63  }
0x72: {  	_ =	swait.ge [sflag:s28], $0x1000  }
0x73: {  	[sflag:s28] =	ssyncset.done $0x0  }
0x74: {  	[sflag:s28] =	ssyncadd.s32 $0xFFFFF000  }
0x75: {  	s10 =	simm.s32 $0x0;
	[bflag:$0x0] =	sbarrier.arrive $0xFFFF  }
.LBB2_6:
0x76: {  	s11 =	sshll.u32 s10, $0x7  }
0x77: {  	[tilespmem:s31], [sflag:$0x1] =	stream.indirect.gather [hbm4b:s1+s3], $0x10, s11, s3, $0xb8;
	[tilespmem:$0x14C10] =	vst v63  }
0x78: {  	_ =	swait.ge [sflag:s28], $0x800  }
0x79: {  	[sflag:s28] =	ssyncset.done $0x0  }
0x7a: {  	s11 =	sadd.s32 $0x5200, s11;
	[sflag:s28] =	ssyncadd.s32 $0xFFFFF800  }
0x7b: {  	[tilespmem:s29], [sflag:$0x1] =	stream.indirect.gather [hbm4b:s7+s3], $0x10, s11, s3, $0xb8;
	[tilespmem:$0x14C10] =	vst v63  }
0x7c: {  	_ =	swait.ge [sflag:s28], $0x800  }
0x7d: {  	[sflag:s28] =	ssyncset.done $0x0  }
0x7e: {  	s13 =	simm.s32 $0x0;
	[sflag:s28] =	ssyncadd.s32 $0xFFFFF800  }
0x7f: {  	v4 =	vld [tilespmem:s13+$0xA400]  }
0x80: {  	v5 =	vld [tilespmem:s13+$0xAC00];
	_ =	sdelay $0x1  }
0x81: {  	s15 =	simm.s32 $0x10  }
0x82: {  	v6 =	vld [tilespmem:s15+$0xA400]  }
0x83: {  	v7 =	vld [tilespmem:s15+$0xAC00]  }
0x84: {  	v4 =	vadd.f32 v5, v4;
	_ =	sdelay $0x1  }
0x85: {  	v8 =	vmul.f32 $2.000000030e-01, v4  }
0x86: {  	vm0 =	vge.f32 v4, $0.0e+00  }
0x87: {  	v6 =	vadd.f32 v7, v6;
	v4 =	vsel vm0, v4, v8  }
0x88: {  	s16 =	simm.s32 $0x20;
	v4 =	vsub.f32 v4, v3  }
0x89: {  	v5 =	vld [tilespmem:s16+$0xA400];
	v9 =	vmul.f32 $2.000000030e-01, v6  }
0x8a: {  	v7 =	vld [tilespmem:s16+$0xAC00];
	vm14 =	vge.f32 v6, $0.0e+00;
	v4 =	vmul.f32 $1.442695020e+00, v4  }
0x8b: {  	v6 =	vsel vm14, v6, v9  }
0x8c: {  	v6 =	vsub.f32 v6, v3;
	(erf) = vpow2.f32 v4;
	_ =	sdelay $0x1  }
0x8d: {  	s17 =	simm.s32 $0x30;
	v6 =	vmul.f32 $1.442695020e+00, v6  }
0x8e: {  	v7 =	vadd.f32 v7, v5;
	v5 =	vld [tilespmem:s17+$0xAC00]  }
0x8f: {  	v4 =	vld [tilespmem:s17+$0xA400];
	(erf) = vpow2.f32 v6  }
0x90: {  	v8 =	vmul.f32 $2.000000030e-01, v7  }
0x91: {  	vm15 =	vge.f32 v7, $0.0e+00  }
0x92: {  	s18 =	simm.s32 $0x100;
	v6 =	vsel vm15, v7, v8  }
.LBB2_7:
0x93: {  	s19 =	sshra.s32 s18, $0x2;
	v6 =	vsub.f32 v6, v3;
	p0 =	sne.s32 s18, $0x1FC0  }
.Ltmp2:
0x94: {  	s18 =	sadd.s32 $0x40, s18;
	v7 =	vadd.f32 v5, v4;
	v4 =	vld [tilespmem:s19+$0xA400];
	v8 =	vpop (erf);
	(pc) =	sbr.rel @p0 .LBB2_7-.Ltmp2, $4  }
0x95: {  	v5 =	vld [tilespmem:s19+$0xAC00];
	v6 =	vmul.f32 $1.442695020e+00, v6;
	[tilespmem:s13+$0xB400] =	vst v8;
	s13 =	smov.u32 s15;
	s15 =	smov.u32 s16;
	s16 =	smov.u32 s17  }
0x96: {  	s17 =	smov.u32 s19;
	v8 =	vmul.f32 $2.000000030e-01, v7  }
0x97: {  	vm0 =	vge.f32 v7, $0.0e+00;
	(erf) = vpow2.f32 v6  }
0x98: {  	v6 =	vsel vm0, v7, v8  }
0x99: {  	_ = 	snop  }
0x9a: {  	v4 =	vadd.f32 v5, v4;
	_ =	sdelay $0x1  }
0x9b: {  	v5 =	vmul.f32 $2.000000030e-01, v4  }
0x9c: {  	vm0 =	vge.f32 v4, $0.0e+00  }
0x9d: {  	v6 =	vsub.f32 v6, v3;
	v4 =	vsel vm0, v4, v5  }
0x9e: {  	v4 =	vsub.f32 v4, v3  }
0x9f: {  	v5 =	vmul.f32 $1.442695020e+00, v6  }
0xa0: {  	v4 =	vmul.f32 $1.442695020e+00, v4  }
0xa1: {  	(erf) = vpow2.f32 v5  }
0xa2: {  	(erf) = vpow2.f32 v4;
	_ =	sdelay $0x5  }
0xa3: {  	v4 =	vpop (erf)  }
0xa4: {  	v5 =	vpop (erf);
	[tilespmem:s13+$0xB400] =	vst v4  }
0xa5: {  	s10 =	sadd.s32 $0x1, s10;
	[tilespmem:s15+$0xB400] =	vst v5;
	v4 =	vpop (erf)  }
0xa6: {  	p0 =	sne.s32 s10, $0xA4;
	[tilespmem:s16+$0xB400] =	vst v4;
	v4 =	vpop (erf)  }
.Ltmp3:
0xa7: {  	[tilespmem:s17+$0xB400] =	vst v4;
	(pc) =	sbr.rel @p0 .LBB2_6-.Ltmp3, $4  }
0xa8: {  	[spmem:s2] =	stream.indirect.scatter.add.f32 [tilespmem:s30], [sflag:$0x1], $0x10, s11, s3, $0xb8;
	[tilespmem:$0x14C10] =	vst v63  }
0xa9: {  	_ =	swait.ge [sflag:s28], $0x800  }
0xaa: {  	[sflag:s28] =	ssyncset.done $0x0  }
0xab: {  	[sflag:s28] =	ssyncadd.s32 $0xFFFFF800  }
0xac: {  	[bflag:$0x0] =	sbarrier.arrive $0xFFFF;
	s10 =	simm.s32 $0x0  }
.LBB2_10:
0xad: {  	s13 =	sshll.u32 s10, $0x7  }
0xae: {  	[tilespmem:s31], [sflag:$0x1] =	stream.indirect.gather [hbm4b:s1+s3], $0x10, s13, s3, $0xb8;
	[tilespmem:$0x14C10] =	vst v63  }
0xaf: {  	_ =	swait.ge [sflag:s28], $0x800  }
0xb0: {  	[sflag:s28] =	ssyncset.done $0x0  }
0xb1: {  	s11 =	sadd.s32 $0x5200, s13;
	[sflag:s28] =	ssyncadd.s32 $0xFFFFF800  }
0xb2: {  	[tilespmem:s29], [sflag:$0x1] =	stream.indirect.gather [hbm4b:s7+s3], $0x10, s11, s3, $0xb8;
	[tilespmem:$0x14C10] =	vst v63  }
0xb3: {  	_ =	swait.ge [sflag:s28], $0x800  }
0xb4: {  	[sflag:s28] =	ssyncset.done $0x0  }
0xb5: {  	[sflag:s28] =	ssyncadd.s32 $0xFFFFF800  }
0xb6: {  	[tilespmem:s0], [sflag:$0x1] =	stream.indirect.gather [hbm4b:s6+s3], $0x20, s13, s3, $0xb8;
	[tilespmem:$0x14C10] =	vst v63  }
0xb7: {  	_ =	swait.ge [sflag:s28], $0x1000  }
0xb8: {  	[sflag:s28] =	ssyncset.done $0x0  }
0xb9: {  	[sflag:s28] =	ssyncadd.s32 $0xFFFFF000  }
0xba: {  	[tilespmem:s8], [sflag:$0x1] =	stream.indirect.gather [spmem:s2], $0x10, s11, s3, $0xb8;
	[tilespmem:$0x14C10] =	vst v63  }
0xbb: {  	_ =	swait.ge [sflag:s28], $0x800  }
0xbc: {  	[sflag:s28] =	ssyncset.done $0x0  }
0xbd: {  	s19 =	simm.s32 $0x0;
	[sflag:s28] =	ssyncadd.s32 $0xFFFFF800  }
0xbe: {  	v4 =	vld [tilespmem:s19+$0xAC00]  }
0xbf: {  	v5 =	vld [tilespmem:s19+$0xA400];
	_ =	sdelay $0x4  }
0xc0: {  	v4 =	vadd.f32 v4, v5  }
0xc1: {  	v5 =	vld [tilespmem:s19+$0xBC00]  }
0xc2: {  	v6 =	vmul.f32 $2.000000030e-01, v4  }
0xc3: {  	vm0 =	vge.f32 v4, $0.0e+00  }
0xc4: {  	v4 =	vsel vm0, v4, v6  }
0xc5: {  	v4 =	vsub.f32 v4, v3  }
0xc6: {  	v5 =	vadd.f32 $1.000000020e-16, v5  }
0xc7: {  	v4 =	vmul.f32 $1.442695020e+00, v4  }
0xc8: {  	(erf) = vrcp.f32 v5  }
0xc9: {  	(erf) = vpow2.f32 v4;
	_ =	sdelay $0x7  }
0xca: {  	s13 =	simm.s32 $0xC410;
	v4 =	vpop (erf)  }
0xcb: {  	v5 =	vld [tilespmem:s13+$0x0];
	v6 =	vpop (erf)  }
0xcc: {  	v7 =	vld [tilespmem:s13+$0xFFFFFFF0];
	v4 =	vmul.f32 v6, v4;
	_ =	sdelay $0x1  }
0xcd: {  	v4 =	vperm.xlane v4, v2;
	_ =	sdelay $0x1  }
0xce: {  	v5 =	vmul.f32 v5, v4  }
0xcf: {  	v4 =	vmul.f32 v7, v4  }
0xd0: {  	[tilespmem:s13+$0x0] =	vst v5  }
0xd1: {  	s16 =	simm.s32 $0x10;
	[tilespmem:s13+$0xFFFFFFF0] =	vst v4  }
0xd2: {  	s15 =	simm.s32 $0x80;
	v4 =	vld [tilespmem:s16+$0xAC00]  }
.LBB2_11:
0xd3: {  	p0 =	sne.s32 s15, $0x1FC0;
	v5 =	vld [tilespmem:s16+$0xA400]  }
0xd4: {  	v6 =	vld [tilespmem:s16+$0xBC00];
	_ =	sdelay $0x3  }
0xd5: {  	v4 =	vadd.f32 v4, v5;
	_ =	sdelay $0x1  }
0xd6: {  	v5 =	vmul.f32 $2.000000030e-01, v4  }
0xd7: {  	vm0 =	vge.f32 v4, $0.0e+00  }
0xd8: {  	v4 =	vsel vm0, v4, v5  }
0xd9: {  	v4 =	vsub.f32 v4, v3  }
0xda: {  	v5 =	vadd.f32 $1.000000020e-16, v6  }
0xdb: {  	v4 =	vmul.f32 $1.442695020e+00, v4  }
0xdc: {  	(erf) = vrcp.f32 v5  }
0xdd: {  	(erf) = vpow2.f32 v4;
	_ =	sdelay $0x6  }
0xde: {  	s13 =	sadd.s32 $0x20, s13  }
0xdf: {  	v4 =	vld [tilespmem:s13+$0xFFFFFFF0];
	v5 =	vpop (erf)  }
0xe0: {  	v6 =	vld [tilespmem:s13+$0x0];
	v7 =	vpop (erf)  }
0xe1: {  	v5 =	vmul.f32 v7, v5;
	_ =	sdelay $0x1  }
0xe2: {  	v5 =	vperm.xlane v5, v2;
	_ =	sdelay $0x1  }
.Ltmp4:
0xe3: {  	v4 =	vmul.f32 v4, v5;
	v5 =	vmul.f32 v6, v5;
	(pc) =	sbr.rel @p0 .LBB2_11-.Ltmp4, $4  }
0xe4: {  	_ = 	snop  }
0xe5: {  	[tilespmem:s13+$0x0] =	vst v5  }
0xe6: {  	s16 =	sshra.s32 s15, $0x2;
	[tilespmem:s13+$0xFFFFFFF0] =	vst v4  }
0xe7: {  	s15 =	sadd.s32 $0x40, s15;
	v4 =	vld [tilespmem:s16+$0xAC00]  }
0xe8: {  	v5 =	vld [tilespmem:s16+$0xA400];
	_ =	sdelay $0x4  }
0xe9: {  	v4 =	vadd.f32 v4, v5  }
0xea: {  	v5 =	vld [tilespmem:s16+$0xBC00]  }
0xeb: {  	v6 =	vmul.f32 $2.000000030e-01, v4  }
0xec: {  	vm0 =	vge.f32 v4, $0.0e+00  }
0xed: {  	v4 =	vsel vm0, v4, v6  }
0xee: {  	v4 =	vsub.f32 v4, v3  }
0xef: {  	v5 =	vadd.f32 $1.000000020e-16, v5  }
0xf0: {  	v4 =	vmul.f32 $1.442695020e+00, v4  }
0xf1: {  	(erf) = vrcp.f32 v5  }
0xf2: {  	(erf) = vpow2.f32 v4;
	_ =	sdelay $0x7  }
0xf3: {  	s13 =	sadd.s32 $0x20, s13;
	v4 =	vpop (erf)  }
0xf4: {  	v5 =	vld [tilespmem:s13+$0x0];
	v63 =	vpop (erf)  }
0xf5: {  	v7 =	vld [tilespmem:s13+$0xFFFFFFF0];
	v4 =	vmul.f32 v63, v4;
	_ =	sdelay $0x1  }
0xf6: {  	v4 =	vperm.xlane v4, v2;
	_ =	sdelay $0x1  }
0xf7: {  	v5 =	vmul.f32 v5, v4  }
0xf8: {  	s10 =	sadd.s32 $0x1, s10;
	v4 =	vmul.f32 v7, v4  }
0xf9: {  	p0 =	sne.s32 s10, $0xA4;
	[tilespmem:s13+$0x0] =	vst v5  }
.Ltmp5:
0xfa: {  	[tilespmem:s13+$0xFFFFFFF0] =	vst v4;
	(pc) =	sbr.rel @p0 .LBB2_10-.Ltmp5, $4  }
0xfb: {  	[spmem:s4] =	stream.indirect.scatter.add.f32 [tilespmem:s0], [sflag:$0x1], $0x20, s11, s3, $0xb8;
	[tilespmem:$0x14C10] =	vst v63  }
0xfc: {  	_ =	swait.ge [sflag:s28], $0x1000  }
0xfd: {  	[sflag:s28] =	ssyncset.done $0x0  }
0xfe: {  	[sflag:s28] =	ssyncadd.s32 $0xFFFFF000  }
0xff: {  	[bflag:$0x0] =	sbarrier.arrive $0xFFFF  }
0x100: {  	[tilespmem:s0], [sflag:$0x1] =	stream.linear.gather [spmem:s12], $0x1000, $0x38;
	[tilespmem:$0x14C10] =	vst v63  }
0x101: {  	_ =	swait.ge [sflag:s28], $0x1000  }
0x102: {  	[sflag:s28] =	ssyncset.done $0x0  }
0x103: {  	s10 =	rddreg [dreg:$0xa];
	[sflag:s28] =	ssyncadd.s32 $0xFFFFF000  }
0x104: {  	[hbm4b:s10+s5] =	stream.linear.scatter [tilespmem:s0], [sflag:$0x1], $0x1000, $0x38;
	[tilespmem:$0x14C10] =	vst v63  }
0x105: {  	_ =	swait.ge [sflag:s28], $0x1000  }
0x106: {  	[sflag:s28] =	ssyncset.done $0x0  }
0x107: {  	[sflag:s28] =	ssyncadd.s32 $0xFFFFF000  }
0x108: {  	[tilespmem:s0], [sflag:$0x1] =	stream.linear.gather [spmem:s14], $0x1000, $0x38;
	[tilespmem:$0x14C10] =	vst v63  }
0x109: {  	_ =	swait.ge [sflag:s28], $0x1000  }
0x10a: {  	[sflag:s28] =	ssyncset.done $0x0  }
0x10b: {  	s16 =	rddreg [dreg:$0xb];
	[sflag:s28] =	ssyncadd.s32 $0xFFFFF000  }
0x10c: {  	[hbm4b:s16+s5] =	stream.linear.scatter [tilespmem:s0], [sflag:$0x1], $0x1000, $0x38;
	[tilespmem:$0x14C10] =	vst v63  }
0x10d: {  	_ =	swait.ge [sflag:s28], $0x1000  }
0x10e: {  	[sflag:s28] =	ssyncset.done $0x0  }
0x10f: {  	[sflag:s28] =	ssyncadd.s32 $0xFFFFF000  }
0x110: {  	[tilespmem:s0], [sflag:$0x1] =	stream.linear.gather [spmem:s21], $0x1000, $0x38;
	[tilespmem:$0x14C10] =	vst v63  }
0x111: {  	_ =	swait.ge [sflag:s28], $0x1000  }
0x112: {  	[sflag:s28] =	ssyncset.done $0x0  }
0x113: {  	s17 =	rddreg [dreg:$0xc];
	[sflag:s28] =	ssyncadd.s32 $0xFFFFF000  }
0x114: {  	[hbm4b:s17+s5] =	stream.linear.scatter [tilespmem:s0], [sflag:$0x1], $0x1000, $0x38;
	[tilespmem:$0x14C10] =	vst v63  }
0x115: {  	_ =	swait.ge [sflag:s28], $0x1000  }
0x116: {  	[sflag:s28] =	ssyncset.done $0x0  }
0x117: {  	[sflag:s28] =	ssyncadd.s32 $0xFFFFF000  }
0x118: {  	[tilespmem:s0], [sflag:$0x1] =	stream.linear.gather [spmem:s23], $0x1000, $0x38;
	[tilespmem:$0x14C10] =	vst v63  }
0x119: {  	_ =	swait.ge [sflag:s28], $0x1000  }
0x11a: {  	[sflag:s28] =	ssyncset.done $0x0  }
0x11b: {  	s18 =	rddreg [dreg:$0xd];
	[sflag:s28] =	ssyncadd.s32 $0xFFFFF000  }
0x11c: {  	[hbm4b:s18+s5] =	stream.linear.scatter [tilespmem:s0], [sflag:$0x1], $0x1000, $0x38;
	[tilespmem:$0x14C10] =	vst v63  }
0x11d: {  	_ =	swait.ge [sflag:s28], $0x1000  }
0x11e: {  	[sflag:s28] =	ssyncset.done $0x0  }
0x11f: {  	[sflag:s28] =	ssyncadd.s32 $0xFFFFF000  }
0x120: {  	[tilespmem:s0], [sflag:$0x1] =	stream.linear.gather [spmem:s25], $0x1000, $0x38;
	[tilespmem:$0x14C10] =	vst v63  }
0x121: {  	s9 =	sadd.s32 $0x1, s9;
	_ =	swait.ge [sflag:s28], $0x1000  }
0x122: {  	p0 =	sne.s32 s9, s26;
	[sflag:s28] =	ssyncset.done $0x0  }
.Ltmp6:
0x123: {  	s19 =	rddreg [dreg:$0xe];
	[sflag:s28] =	ssyncadd.s32 $0xFFFFF000;
	(pc) =	sbr.rel @p0 .LBB2_1-.Ltmp6, $4  }
0x124: {  	[hbm4b:s19+s5] =	stream.linear.scatter [tilespmem:s0], [sflag:$0x1], $0x1000, $0x38;
	[tilespmem:$0x14C10] =	vst v63  }
0x125: {  	_ =	swait.ge [sflag:s28], $0x1000  }
0x126: {  	[sflag:s28] =	ssyncset.done $0x0  }
0x127: {  	[sflag:s28] =	ssyncadd.s32 $0xFFFFF000  }
0x128: {  	_ =	sfence.sel $0x180000  }
0x129: {  	[bflag:$0x0] =	sbarrier.arrive $0xFFFF  }
0x12a: {  	_ =	strace $0x9000004A  }
0x12b: {  	s0 =	stileid.u32;
	[bflag:$0x2] =	sbarrier.arrive $0xFFFF  }
0x12c: {  	p0 =	sne.s32 s0, $0x0;
	s0 =	rddreg [dreg:$0x4]  }
0x12d: {  	s0 =	sadd.s32 @!p0 $0x100000, s0  }
0x12e: {  	[sflag:s0] =	ssyncadd.tile.s32 @!p0 $0x1;
	_ =	shalt  }
.Lfunc_end2:
_tile_overlayer_lowered:
.L_overlay_start_2:
0x12f: {  	(tag) =	ssettag $0x2  }
0x130: {  	s0 =	rddreg [dreg:$0x0];
	s2 =	stileid.u32  }
0x131: {  	s1 =	rddreg [dreg:$0x1];
	p0 =	sne.s32 s2, $0x0  }
0x132: {  	s3 =	rddreg [dreg:$0x2];
	[bflag:$0x3] =	sbarrier.arrive $0xFFFF;
	s2 =	simm.s32 @!p0 $0x1C01  }
0x133: {  	[timem:s3], [sflag:s2] =	dma.local @!p0 [hbm:s0], s1  }
0x134: {  	s0 =	simm.s32 @!p0 $0x1  }
0x135: {  	_ =	swait.ge @!p0 [sflag:s0], s1  }
0x136: {  	s1 =	ssub.s32 @!p0 $0x0, s1;
	[sflag:s0] =	ssyncset.done @!p0 $0x0  }
0x137: {  	[sflag:s0] =	ssyncadd.s32 @!p0 s1  }
0x138: {  	[bflag:$0x3] =	sbarrier.arrive $0xFFFF  }
0x139: {  	_ =	shalt  }

</sc_bundles>
